<compile_context>
chip_gen: v7x
topology: tpu7x:2x2x1
jax: 0.10.2.dev20260603
libtpu: 0.0.44.dev20260713+nightly
codegen_flags: <defaults>
</compile_context>

<pallas_src>
import functools

import jax
import jax.numpy as jnp
from jax import lax
from jax.experimental import pallas as pl
from jax.experimental.pallas import tpu as pltpu
from jax.experimental.pallas import tpu_sc as plsc

_N = 10000
_E = 320000
_F = 128
_H = 4
_D = 64
_NEG = 0.2

_NPAD = 10240
_NT = 16
_EPT = _E // _NT
_K = 80
_NCH = _EPT // _K
_RPT = _NPAD // _NT
_ZR = 128

_BM = 1000


def _p1_body(feat_ref, wcat_ref, amat_ref, f0_ref, f1_ref, f2_ref, f3_ref,
             res_ref, elr_ref):
    x = feat_ref[...]
    p = jnp.dot(x, wcat_ref[...], preferred_element_type=jnp.float32)
    f0_ref[...] = p[:, 0:64]
    f1_ref[...] = p[:, 64:128]
    f2_ref[...] = p[:, 128:192]
    f3_ref[...] = p[:, 192:256]
    res_ref[...] = p[:, 256:512]
    elr_ref[...] = jnp.dot(p[:, 0:256], amat_ref[...],
                           preferred_element_type=jnp.float32)


def _phase1(feat, wcat, amat):
    fspec = pl.BlockSpec((_BM, _D), lambda i: (i, 0))
    return pl.pallas_call(
        _p1_body,
        grid=(_N // _BM,),
        in_specs=[
            pl.BlockSpec((_BM, _F), lambda i: (i, 0)),
            pl.BlockSpec((_F, 512), lambda i: (0, 0)),
            pl.BlockSpec((256, 16), lambda i: (0, 0)),
        ],
        out_specs=[
            fspec, fspec, fspec, fspec,
            pl.BlockSpec((_BM, 256), lambda i: (i, 0)),
            pl.BlockSpec((_BM, 16), lambda i: (i, 0)),
        ],
        out_shape=[
            jax.ShapeDtypeStruct((_N, _D), jnp.float32),
            jax.ShapeDtypeStruct((_N, _D), jnp.float32),
            jax.ShapeDtypeStruct((_N, _D), jnp.float32),
            jax.ShapeDtypeStruct((_N, _D), jnp.float32),
            jax.ShapeDtypeStruct((_N, 256), jnp.float32),
            jax.ShapeDtypeStruct((_N, 16), jnp.float32),
        ],
    )(feat, wcat, amat)


_SC_CP = pltpu.CompilerParams(
    needs_layout_passes=False, use_tc_tiling_on_sc=False)


@functools.partial(
    pl.kernel,
    compiler_params=_SC_CP,
    out_type=[
        jax.ShapeDtypeStruct((_NPAD, _D), jnp.float32),
        jax.ShapeDtypeStruct((_NPAD, _D), jnp.float32),
        jax.ShapeDtypeStruct((_NPAD, _D), jnp.float32),
        jax.ShapeDtypeStruct((_NPAD, _D), jnp.float32),
        jax.ShapeDtypeStruct((_NPAD, 16), jnp.float32),
        jax.ShapeDtypeStruct((_NPAD, 16), jnp.float32),
        jax.ShapeDtypeStruct((_NPAD, 16), jnp.float32),
        jax.ShapeDtypeStruct((_NPAD, 16), jnp.float32),
    ],
    mesh=plsc.VectorSubcoreMesh(core_axis_name="c", subcore_axis_name="s"),
    scratch_types=[
        pltpu.VMEM((_K,), jnp.int32),
        pltpu.VMEM((_K,), jnp.int32),
        pltpu.VMEM((_K, _D), jnp.float32),
        pltpu.VMEM((_K, 16), jnp.float32),
        pltpu.VMEM((_K, 16), jnp.float32),
        pltpu.VMEM((_K, 16), jnp.float32),
        pltpu.VMEM((_ZR, _D), jnp.float32),
        pltpu.VMEM((_ZR, 16), jnp.float32),
        pltpu.VMEM_SHARED((_NPAD, _D), jnp.float32),
        pltpu.VMEM_SHARED((_NPAD, 16), jnp.float32),
        pltpu.SemaphoreType.DMA,
        pltpu.SemaphoreType.DMA,
        pltpu.SemaphoreType.DMA,
    ],
)
def _sc_gat(f0_hbm, f1_hbm, f2_hbm, f3_hbm, elr_hbm, src_hbm, dst_hbm,
            a0_hbm, a1_hbm, a2_hbm, a3_hbm,
            d0_hbm, d1_hbm, d2_hbm, d3_hbm,
            src_v, dst_v, rows_v, elrs_v, elrd_v, wpad_v, zb_v, zd_v,
            acc_sh, den_sh, sem_r, sem_s, sem_d):
    c = lax.axis_index("c")
    s = lax.axis_index("s")

    z16 = jnp.zeros((16,), jnp.float32)

    @pl.loop(0, _ZR)
    def _(i):
        for j in range(_D // 16):
            zb_v[i, pl.ds(j * 16, 16)] = z16
        zd_v[i, pl.ds(0, 16)] = z16

    @pl.loop(0, _K)
    def _(i):
        wpad_v[i, pl.ds(0, 16)] = z16

    rbase = s * _RPT

    def zero_acc():
        for kk in range(_RPT // _ZR):
            pltpu.sync_copy(zb_v, acc_sh.at[pl.ds(rbase + kk * _ZR, _ZR)])
            pltpu.sync_copy(zd_v, den_sh.at[pl.ds(rbase + kk * _ZR, _ZR)])

    def edge_phase(f_hbm, head):
        ebase = s * _EPT

        @pl.loop(0, _NCH)
        def _(ch):
            base = ebase + ch * _K
            pltpu.sync_copy(src_hbm.at[pl.ds(base, _K)], src_v)
            pltpu.sync_copy(dst_hbm.at[pl.ds(base, _K)], dst_v)
            gat = pltpu.async_copy(f_hbm.at[src_v], rows_v, sem_r)
            gs = pltpu.async_copy(elr_hbm.at[src_v], elrs_v, sem_s)
            gd = pltpu.async_copy(elr_hbm.at[dst_v], elrd_v, sem_d)
            gs.wait()
            gd.wait()

            @pl.loop(0, _K // 16)
            def _(g):
                rid = lax.iota(jnp.int32, 16) + g * 16
                ch = jnp.full((16,), head, jnp.int32)
                el16 = plsc.load_gather(elrs_v, [rid, ch])
                er16 = plsc.load_gather(elrd_v, [rid, ch + 4])
                e16 = el16 + er16
                e16 = jnp.where(e16 > 0, e16, _NEG * e16)
                w16 = jnp.exp(e16)
                plsc.store_scatter(wpad_v, [rid, jnp.zeros((16,), jnp.int32)],
                                   w16)

            gat.wait()

            @pl.loop(0, _K)
            def _(e):
                wrow = wpad_v[e, pl.ds(0, 16)]
                w0 = wrow[0]
                for j in range(_D // 16):
                    sl = pl.ds(j * 16, 16)
                    rows_v[e, sl] = rows_v[e, sl] * w0


    def copy_out(a_hbm, d_hbm):
        pltpu.sync_copy(acc_sh.at[pl.ds(rbase, _RPT)],
                        a_hbm.at[pl.ds(rbase, _RPT)])
        pltpu.sync_copy(den_sh.at[pl.ds(rbase, _RPT)],
                        d_hbm.at[pl.ds(rbase, _RPT)])

    def round_(f_hbm, a_hbm, d_hbm, head):
        zero_acc()
        plsc.subcore_barrier()
        edge_phase(f_hbm, head)
        plsc.subcore_barrier()
        copy_out(a_hbm, d_hbm)

    @pl.when(c == 0)
    def _():
        round_(f0_hbm, a0_hbm, d0_hbm, 0)
        round_(f1_hbm, a1_hbm, d1_hbm, 1)

    @pl.when(c == 1)
    def _():
        round_(f2_hbm, a2_hbm, d2_hbm, 2)
        round_(f3_hbm, a3_hbm, d3_hbm, 3)


def _p2_body(a0_ref, a1_ref, a2_ref, a3_ref,
             d0_ref, d1_ref, d2_ref, d3_ref, res_ref, out_ref):
    res = res_ref[...]
    aggs = (a0_ref, a1_ref, a2_ref, a3_ref)
    dens = (d0_ref, d1_ref, d2_ref, d3_ref)
    for h in range(_H):
        r = 1.0 / jnp.maximum(dens[h][:, 0:1], 1e-16)
        sc = jnp.broadcast_to(r, (_BM, _D))
        out_ref[:, h * _D:(h + 1) * _D] = (
            aggs[h][...] * sc + res[:, h * _D:(h + 1) * _D])


def _phase2(aggs, dens, res):
    aspec = pl.BlockSpec((_BM, _D), lambda i: (i, 0))
    dspec = pl.BlockSpec((_BM, 16), lambda i: (i, 0))
    return pl.pallas_call(
        _p2_body,
        grid=(_N // _BM,),
        in_specs=[aspec] * 4 + [dspec] * 4 + [
            pl.BlockSpec((_BM, 256), lambda i: (i, 0))],
        out_specs=pl.BlockSpec((_BM, 256), lambda i: (i, 0)),
        out_shape=jax.ShapeDtypeStruct((_N, 256), jnp.float32),
    )(*aggs, *dens, res)


def kernel(feat, edge_index, W_fc, attn_l, attn_r, W_res):
    wcat = jnp.concatenate([W_fc, W_res], axis=1)
    amat = jnp.zeros((256, 16), jnp.float32)
    for h in range(_H):
        amat = amat.at[h * _D:(h + 1) * _D, h].set(attn_l[h])
        amat = amat.at[h * _D:(h + 1) * _D, 4 + h].set(attn_r[h])

    f0, f1, f2, f3, res, elr = _phase1(feat, wcat, amat)
    src = edge_index[0]
    dst = edge_index[1]
    outs = _sc_gat(f0, f1, f2, f3, elr, src, dst)
    aggs = [o[:_N] for o in outs[0:4]]
    dens = [o[:_N] for o in outs[4:8]]
    out = _phase2(aggs, dens, res)
    return out.reshape(_N, _H, _D)

# --- scband reference (transcript-rebuilt; emitter-appended) ---
"""Pipeline reference for scband-egl-gatconv-56599079026978 (READ-ONLY COPY).

The authoritative reference and input builder live on the scoring server;
editing this copy changes nothing except your own understanding.
"""

import jax, jax.numpy as jnp
import numpy as np

N = 10000
E = 320000
IN_FEATS = 128
H = 4
D = 64
NEG_SLOPE = 0.2


def setup_inputs(seed: int = 0) -> dict:
    key = jax.random.key(seed)
    k1, k2, k3, k4, k5, k6 = jax.random.split(key, 6)
    feat = jax.random.normal(k1, (N, IN_FEATS), dtype=jnp.float32)
    edge_index = jax.random.randint(k2, (2, E), 0, N, dtype=jnp.int32)
    # learned params (xavier-ish scale)
    W_fc = jax.random.normal(k3, (IN_FEATS, H * D), dtype=jnp.float32) * 0.05
    attn_l = jax.random.normal(k4, (H, D), dtype=jnp.float32) * 0.05
    attn_r = jax.random.normal(k5, (H, D), dtype=jnp.float32) * 0.05
    W_res = jax.random.normal(k6, (IN_FEATS, H * D), dtype=jnp.float32) * 0.05
    return {"feat": feat, "edge_index": edge_index, "W_fc": W_fc,
            "attn_l": attn_l, "attn_r": attn_r, "W_res": W_res}


def reference(feat, edge_index, W_fc, attn_l, attn_r, W_res):
    n = feat.shape[0]
    # fc projection -> [N, H, D] (feat_drop is identity with p=0)
    fsrc = (feat @ W_fc).reshape(n, H, D)
    # attention logits per node
    el = jnp.sum(fsrc * attn_l[None, :, :], axis=-1)  # [N, H]
    er = jnp.sum(fsrc * attn_r[None, :, :], axis=-1)  # [N, H]
    src = edge_index[0]
    dst = edge_index[1]
    # fused_gat: e = leaky_relu(el[src] + er[dst]); softmax over incoming edges per dst
    e = el[src] + er[dst]  # [E, H]
    e = jnp.where(e > 0, e, NEG_SLOPE * e)
    emax = jax.ops.segment_max(e, dst, num_segments=n)  # [N, H]
    emax = jnp.where(jnp.isfinite(emax), emax, 0.0)
    expe = jnp.exp(e - emax[dst])  # [E, H]
    denom = jax.ops.segment_sum(expe, dst, num_segments=n)  # [N, H]
    alpha = expe / jnp.maximum(denom[dst], 1e-16)  # [E, H]
    # aggregate messages (attn_drop identity with p=0)
    msg = alpha[:, :, None] * fsrc[src]  # [E, H, D]
    rst = jax.ops.segment_sum(msg, dst, num_segments=n)  # [N, H, D]
    # residual
    resval = (feat @ W_res).reshape(n, H, D)
    rst = rst + resval
    # activation is None
    return rst

if __name__ == "__main__":
    import jax
    _d = setup_inputs()
    print(jax.jit(kernel)(*tuple(_d.values())))

</pallas_src>

<mosaic_0001>
#map = affine_map<(d0, d1) -> (0, 0)>
#map1 = affine_map<(d0, d1) -> (0)>
module attributes {stable_mosaic.version = 14 : i64} {
  func.func @_sc_gat(%arg0: i32, %arg1: i32, %arg2: memref<10000x64xf32, #tpu.memory_space<hbm>>, %arg3: memref<10000x64xf32, #tpu.memory_space<hbm>>, %arg4: memref<10000x64xf32, #tpu.memory_space<hbm>>, %arg5: memref<10000x64xf32, #tpu.memory_space<hbm>>, %arg6: memref<10000x16xf32, #tpu.memory_space<hbm>>, %arg7: memref<320000xi32, #tpu.memory_space<hbm>>, %arg8: memref<320000xi32, #tpu.memory_space<hbm>>, %arg9: memref<10240x64xf32, #tpu.memory_space<hbm>>, %arg10: memref<10240x64xf32, #tpu.memory_space<hbm>>, %arg11: memref<10240x64xf32, #tpu.memory_space<hbm>>, %arg12: memref<10240x64xf32, #tpu.memory_space<hbm>>, %arg13: memref<10240x16xf32, #tpu.memory_space<hbm>>, %arg14: memref<10240x16xf32, #tpu.memory_space<hbm>>, %arg15: memref<10240x16xf32, #tpu.memory_space<hbm>>, %arg16: memref<10240x16xf32, #tpu.memory_space<hbm>>, %arg17: memref<80xi32, #tpu.memory_space<vmem>>, %arg18: memref<80xi32, #tpu.memory_space<vmem>>, %arg19: memref<80x64xf32, #tpu.memory_space<vmem>>, %arg20: memref<80x16xf32, #tpu.memory_space<vmem>>, %arg21: memref<80x16xf32, #tpu.memory_space<vmem>>, %arg22: memref<80x16xf32, #tpu.memory_space<vmem>>, %arg23: memref<128x64xf32, #tpu.memory_space<vmem>>, %arg24: memref<128x16xf32, #tpu.memory_space<vmem>>, %arg25: memref<10240x64xf32, #tpu.memory_space<vmem_shared>>, %arg26: memref<10240x16xf32, #tpu.memory_space<vmem_shared>>, %arg27: memref<!tpu.dma_semaphore, #tpu.memory_space<semaphore_mem>>, %arg28: memref<!tpu.dma_semaphore, #tpu.memory_space<semaphore_mem>>, %arg29: memref<!tpu.dma_semaphore, #tpu.memory_space<semaphore_mem>>) attributes {dimension_semantics = [#tpu.dimension_semantics<core_parallel>, #tpu.dimension_semantics<subcore_parallel>], iteration_bounds = array<i64: 2, 16>, scalar_prefetch = 0 : i64, scratch_operands = 13 : i64, tpu.core_type = #tpu.core_type<sc_vector_subcore>, window_params = [{transform_indices = #map}, {transform_indices = #map}, {transform_indices = #map}, {transform_indices = #map}, {transform_indices = #map}, {transform_indices = #map1}, {transform_indices = #map1}, {transform_indices = #map}, {transform_indices = #map}, {transform_indices = #map}, {transform_indices = #map}, {transform_indices = #map}, {transform_indices = #map}, {transform_indices = #map}, {transform_indices = #map}]} {
    %broadcast_in_dim3A = arith.constant 0.000000e+00 : f32
    %broadcast_in_dim3A_0 = vector.broadcast %broadcast_in_dim3A : f32 to vector<16xf32>
    %scan3A = arith.constant 0 : i32
    %scan3A_1 = arith.constant 128 : i32
    %scan3A_2 = arith.addi %scan3A, %scan3A_1 : i32
    %scan3A_3 = arith.constant 1 : i32
    scf.for %scan3A_18 = %scan3A to %scan3A_2 step %scan3A_3  : i32 {
      %mul3A_19 = arith.constant 1 : i32
      %mul3A_20 = arith.muli %scan3A_18, %mul3A_19 : i32
      %add3A = arith.constant 0 : i32
      %add3A_21 = arith.addi %add3A, %mul3A_20 : i32
      %swap3A = arith.index_cast %add3A_21 : i32 to index
      %swap3A_22 = arith.constant 0 : index
      %swap3A_23 = tpu.vector_load %arg23[%swap3A, %swap3A_22] {strides = array<i32>} : memref<128x64xf32, #tpu.memory_space<vmem>>, vector<16xf32>,
      tpu.vector_store %arg23[%swap3A, %swap3A_22], %broadcast_in_dim3A_0 {strides = array<i32>} : memref<128x64xf32, #tpu.memory_space<vmem>>, vector<16xf32>,
      %swap3A_24 = arith.index_cast %add3A_21 : i32 to index
      %swap3A_25 = arith.constant 16 : index
      %swap3A_26 = tpu.vector_load %arg23[%swap3A_24, %swap3A_25] {strides = array<i32>} : memref<128x64xf32, #tpu.memory_space<vmem>>, vector<16xf32>,
      tpu.vector_store %arg23[%swap3A_24, %swap3A_25], %broadcast_in_dim3A_0 {strides = array<i32>} : memref<128x64xf32, #tpu.memory_space<vmem>>, vector<16xf32>,
      %swap3A_27 = arith.index_cast %add3A_21 : i32 to index
      %swap3A_28 = arith.constant 32 : index
      %swap3A_29 = tpu.vector_load %arg23[%swap3A_27, %swap3A_28] {strides = array<i32>} : memref<128x64xf32, #tpu.memory_space<vmem>>, vector<16xf32>,
      tpu.vector_store %arg23[%swap3A_27, %swap3A_28], %broadcast_in_dim3A_0 {strides = array<i32>} : memref<128x64xf32, #tpu.memory_space<vmem>>, vector<16xf32>,
      %swap3A_30 = arith.index_cast %add3A_21 : i32 to index
      %swap3A_31 = arith.constant 48 : index
      %swap3A_32 = tpu.vector_load %arg23[%swap3A_30, %swap3A_31] {strides = array<i32>} : memref<128x64xf32, #tpu.memory_space<vmem>>, vector<16xf32>,
      tpu.vector_store %arg23[%swap3A_30, %swap3A_31], %broadcast_in_dim3A_0 {strides = array<i32>} : memref<128x64xf32, #tpu.memory_space<vmem>>, vector<16xf32>,
      %swap3A_33 = arith.index_cast %add3A_21 : i32 to index
      %swap3A_34 = arith.constant 0 : index
      %swap3A_35 = tpu.vector_load %arg24[%swap3A_33, %swap3A_34] {strides = array<i32>} : memref<128x16xf32, #tpu.memory_space<vmem>>, vector<16xf32>,
      tpu.vector_store %arg24[%swap3A_33, %swap3A_34], %broadcast_in_dim3A_0 {strides = array<i32>} : memref<128x16xf32, #tpu.memory_space<vmem>>, vector<16xf32>,
    }
    %scan3A_4 = arith.constant 128 : i32
    %scan3A_5 = arith.constant 0 : i32
    %scan3A_6 = arith.constant 80 : i32
    %scan3A_7 = arith.addi %scan3A_5, %scan3A_6 : i32
    %scan3A_8 = arith.constant 1 : i32
    scf.for %scan3A_18 = %scan3A_5 to %scan3A_7 step %scan3A_8  : i32 {
      %mul3A_19 = arith.constant 1 : i32
      %mul3A_20 = arith.muli %scan3A_18, %mul3A_19 : i32
      %add3A = arith.constant 0 : i32
      %add3A_21 = arith.addi %add3A, %mul3A_20 : i32
      %swap3A = arith.index_cast %add3A_21 : i32 to index
      %swap3A_22 = arith.constant 0 : index
      %swap3A_23 = tpu.vector_load %arg22[%swap3A, %swap3A_22] {strides = array<i32>} : memref<80x16xf32, #tpu.memory_space<vmem>>, vector<16xf32>,
      tpu.vector_store %arg22[%swap3A, %swap3A_22], %broadcast_in_dim3A_0 {strides = array<i32>} : memref<80x16xf32, #tpu.memory_space<vmem>>, vector<16xf32>,
    }
    %scan3A_9 = arith.constant 80 : i32
    %mul3A = arith.constant 640 : i32
    %mul3A_10 = arith.muli %arg1, %mul3A : i32
    %eq3A = arith.constant 0 : i32
    %eq3A_11 = arith.cmpi eq, %arg0, %eq3A : i32
    %convert_element_type3A = arith.extui %eq3A_11 : i1 to i32
    %cond3A = arith.constant 0 : i32
    %cond3A_12 = arith.cmpi ne, %convert_element_type3A, %cond3A : i32
    scf.if %cond3A_12 {
      %add3A = arith.constant 0 : i32
      %add3A_18 = arith.addi %mul3A_10, %add3A : i32
      "tpu.region"() ({
        %run_scoped3A = tpu.sem_alloc : memref<!tpu.dma_semaphore, #tpu.memory_space<semaphore_mem>>
        %dma_start3A = arith.constant 0 : i32
        %dma_start3A_74 = tpu.memref_slice %arg25[%add3A_18, %dma_start3A] : memref<10240x64xf32, #tpu.memory_space<vmem_shared>> -> memref<128x64xf32, #tpu.memory_space<vmem_shared>>
        %dma_start3A_75 = arith.constant 0 : i32
        %dma_start3A_76 = tpu.memref_slice %arg25[%add3A_18, %dma_start3A_75] : memref<10240x64xf32, #tpu.memory_space<vmem_shared>> -> memref<128x64xf32, #tpu.memory_space<vmem_shared>>
        tpu.enqueue_dma source(%arg23 : memref<128x64xf32, #tpu.memory_space<vmem>>) target(%dma_start3A_76 : memref<128x64xf32, #tpu.memory_space<vmem_shared>>) target_semaphore(%run_scoped3A : memref<!tpu.dma_semaphore, #tpu.memory_space<semaphore_mem>>)
        %dma_wait3A = arith.constant 0 : i32
        %dma_wait3A_77 = tpu.memref_slice %arg25[%add3A_18, %dma_wait3A] : memref<10240x64xf32, #tpu.memory_space<vmem_shared>> -> memref<128x64xf32, #tpu.memory_space<vmem_shared>>
        %dma_wait3A_78 = arith.constant 0 : i32
        %dma_wait3A_79 = tpu.memref_slice %arg25[%add3A_18, %dma_wait3A_78] : memref<10240x64xf32, #tpu.memory_space<vmem_shared>> -> memref<128x64xf32, #tpu.memory_space<vmem_shared>>
        tpu.wait_dma2 semaphore(%run_scoped3A : memref<!tpu.dma_semaphore, #tpu.memory_space<semaphore_mem>>) src(%arg23 : memref<128x64xf32, #tpu.memory_space<vmem>>) dst(%dma_wait3A_79 : memref<128x64xf32, #tpu.memory_space<vmem_shared>>)
        tpu.yield
      }) : () -> ()
      %add3A_19 = arith.constant 0 : i32
      %add3A_20 = arith.addi %mul3A_10, %add3A_19 : i32
      "tpu.region"() ({
        %run_scoped3A = tpu.sem_alloc : memref<!tpu.dma_semaphore, #tpu.memory_space<semaphore_mem>>
        %dma_start3A = arith.constant 0 : i32
        %dma_start3A_74 = tpu.memref_slice %arg26[%add3A_20, %dma_start3A] : memref<10240x16xf32, #tpu.memory_space<vmem_shared>> -> memref<128x16xf32, #tpu.memory_space<vmem_shared>>
        %dma_start3A_75 = arith.constant 0 : i32
        %dma_start3A_76 = tpu.memref_slice %arg26[%add3A_20, %dma_start3A_75] : memref<10240x16xf32, #tpu.memory_space<vmem_shared>> -> memref<128x16xf32, #tpu.memory_space<vmem_shared>>
        tpu.enqueue_dma source(%arg24 : memref<128x16xf32, #tpu.memory_space<vmem>>) target(%dma_start3A_76 : memref<128x16xf32, #tpu.memory_space<vmem_shared>>) target_semaphore(%run_scoped3A : memref<!tpu.dma_semaphore, #tpu.memory_space<semaphore_mem>>)
        %dma_wait3A = arith.constant 0 : i32
        %dma_wait3A_77 = tpu.memref_slice %arg26[%add3A_20, %dma_wait3A] : memref<10240x16xf32, #tpu.memory_space<vmem_shared>> -> memref<128x16xf32, #tpu.memory_space<vmem_shared>>
        %dma_wait3A_78 = arith.constant 0 : i32
        %dma_wait3A_79 = tpu.memref_slice %arg26[%add3A_20, %dma_wait3A_78] : memref<10240x16xf32, #tpu.memory_space<vmem_shared>> -> memref<128x16xf32, #tpu.memory_space<vmem_shared>>
        tpu.wait_dma2 semaphore(%run_scoped3A : memref<!tpu.dma_semaphore, #tpu.memory_space<semaphore_mem>>) src(%arg24 : memref<128x16xf32, #tpu.memory_space<vmem>>) dst(%dma_wait3A_79 : memref<128x16xf32, #tpu.memory_space<vmem_shared>>)
        tpu.yield
      }) : () -> ()
      %add3A_21 = arith.constant 128 : i32
      %add3A_22 = arith.addi %mul3A_10, %add3A_21 : i32
      "tpu.region"() ({
        %run_scoped3A = tpu.sem_alloc : memref<!tpu.dma_semaphore, #tpu.memory_space<semaphore_mem>>
        %dma_start3A = arith.constant 0 : i32
        %dma_start3A_74 = tpu.memref_slice %arg25[%add3A_22, %dma_start3A] : memref<10240x64xf32, #tpu.memory_space<vmem_shared>> -> memref<128x64xf32, #tpu.memory_space<vmem_shared>>
        %dma_start3A_75 = arith.constant 0 : i32
        %dma_start3A_76 = tpu.memref_slice %arg25[%add3A_22, %dma_start3A_75] : memref<10240x64xf32, #tpu.memory_space<vmem_shared>> -> memref<128x64xf32, #tpu.memory_space<vmem_shared>>
        tpu.enqueue_dma source(%arg23 : memref<128x64xf32, #tpu.memory_space<vmem>>) target(%dma_start3A_76 : memref<128x64xf32, #tpu.memory_space<vmem_shared>>) target_semaphore(%run_scoped3A : memref<!tpu.dma_semaphore, #tpu.memory_space<semaphore_mem>>)
        %dma_wait3A = arith.constant 0 : i32
        %dma_wait3A_77 = tpu.memref_slice %arg25[%add3A_22, %dma_wait3A] : memref<10240x64xf32, #tpu.memory_space<vmem_shared>> -> memref<128x64xf32, #tpu.memory_space<vmem_shared>>
        %dma_wait3A_78 = arith.constant 0 : i32
        %dma_wait3A_79 = tpu.memref_slice %arg25[%add3A_22, %dma_wait3A_78] : memref<10240x64xf32, #tpu.memory_space<vmem_shared>> -> memref<128x64xf32, #tpu.memory_space<vmem_shared>>
        tpu.wait_dma2 semaphore(%run_scoped3A : memref<!tpu.dma_semaphore, #tpu.memory_space<semaphore_mem>>) src(%arg23 : memref<128x64xf32, #tpu.memory_space<vmem>>) dst(%dma_wait3A_79 : memref<128x64xf32, #tpu.memory_space<vmem_shared>>)
        tpu.yield
      }) : () -> ()
      %add3A_23 = arith.constant 128 : i32
      %add3A_24 = arith.addi %mul3A_10, %add3A_23 : i32
      "tpu.region"() ({
        %run_scoped3A = tpu.sem_alloc : memref<!tpu.dma_semaphore, #tpu.memory_space<semaphore_mem>>
        %dma_start3A = arith.constant 0 : i32
        %dma_start3A_74 = tpu.memref_slice %arg26[%add3A_24, %dma_start3A] : memref<10240x16xf32, #tpu.memory_space<vmem_shared>> -> memref<128x16xf32, #tpu.memory_space<vmem_shared>>
        %dma_start3A_75 = arith.constant 0 : i32
        %dma_start3A_76 = tpu.memref_slice %arg26[%add3A_24, %dma_start3A_75] : memref<10240x16xf32, #tpu.memory_space<vmem_shared>> -> memref<128x16xf32, #tpu.memory_space<vmem_shared>>
        tpu.enqueue_dma source(%arg24 : memref<128x16xf32, #tpu.memory_space<vmem>>) target(%dma_start3A_76 : memref<128x16xf32, #tpu.memory_space<vmem_shared>>) target_semaphore(%run_scoped3A : memref<!tpu.dma_semaphore, #tpu.memory_space<semaphore_mem>>)
        %dma_wait3A = arith.constant 0 : i32
        %dma_wait3A_77 = tpu.memref_slice %arg26[%add3A_24, %dma_wait3A] : memref<10240x16xf32, #tpu.memory_space<vmem_shared>> -> memref<128x16xf32, #tpu.memory_space<vmem_shared>>
        %dma_wait3A_78 = arith.constant 0 : i32
        %dma_wait3A_79 = tpu.memref_slice %arg26[%add3A_24, %dma_wait3A_78] : memref<10240x16xf32, #tpu.memory_space<vmem_shared>> -> memref<128x16xf32, #tpu.memory_space<vmem_shared>>
        tpu.wait_dma2 semaphore(%run_scoped3A : memref<!tpu.dma_semaphore, #tpu.memory_space<semaphore_mem>>) src(%arg24 : memref<128x16xf32, #tpu.memory_space<vmem>>) dst(%dma_wait3A_79 : memref<128x16xf32, #tpu.memory_space<vmem_shared>>)
        tpu.yield
      }) : () -> ()
      %add3A_25 = arith.constant 256 : i32
      %add3A_26 = arith.addi %mul3A_10, %add3A_25 : i32
      "tpu.region"() ({
        %run_scoped3A = tpu.sem_alloc : memref<!tpu.dma_semaphore, #tpu.memory_space<semaphore_mem>>
        %dma_start3A = arith.constant 0 : i32
        %dma_start3A_74 = tpu.memref_slice %arg25[%add3A_26, %dma_start3A] : memref<10240x64xf32, #tpu.memory_space<vmem_shared>> -> memref<128x64xf32, #tpu.memory_space<vmem_shared>>
        %dma_start3A_75 = arith.constant 0 : i32
        %dma_start3A_76 = tpu.memref_slice %arg25[%add3A_26, %dma_start3A_75] : memref<10240x64xf32, #tpu.memory_space<vmem_shared>> -> memref<128x64xf32, #tpu.memory_space<vmem_shared>>
        tpu.enqueue_dma source(%arg23 : memref<128x64xf32, #tpu.memory_space<vmem>>) target(%dma_start3A_76 : memref<128x64xf32, #tpu.memory_space<vmem_shared>>) target_semaphore(%run_scoped3A : memref<!tpu.dma_semaphore, #tpu.memory_space<semaphore_mem>>)
        %dma_wait3A = arith.constant 0 : i32
        %dma_wait3A_77 = tpu.memref_slice %arg25[%add3A_26, %dma_wait3A] : memref<10240x64xf32, #tpu.memory_space<vmem_shared>> -> memref<128x64xf32, #tpu.memory_space<vmem_shared>>
        %dma_wait3A_78 = arith.constant 0 : i32
        %dma_wait3A_79 = tpu.memref_slice %arg25[%add3A_26, %dma_wait3A_78] : memref<10240x64xf32, #tpu.memory_space<vmem_shared>> -> memref<128x64xf32, #tpu.memory_space<vmem_shared>>
        tpu.wait_dma2 semaphore(%run_scoped3A : memref<!tpu.dma_semaphore, #tpu.memory_space<semaphore_mem>>) src(%arg23 : memref<128x64xf32, #tpu.memory_space<vmem>>) dst(%dma_wait3A_79 : memref<128x64xf32, #tpu.memory_space<vmem_shared>>)
        tpu.yield
      }) : () -> ()
      %add3A_27 = arith.constant 256 : i32
      %add3A_28 = arith.addi %mul3A_10, %add3A_27 : i32
      "tpu.region"() ({
        %run_scoped3A = tpu.sem_alloc : memref<!tpu.dma_semaphore, #tpu.memory_space<semaphore_mem>>
        %dma_start3A = arith.constant 0 : i32
        %dma_start3A_74 = tpu.memref_slice %arg26[%add3A_28, %dma_start3A] : memref<10240x16xf32, #tpu.memory_space<vmem_shared>> -> memref<128x16xf32, #tpu.memory_space<vmem_shared>>
        %dma_start3A_75 = arith.constant 0 : i32
        %dma_start3A_76 = tpu.memref_slice %arg26[%add3A_28, %dma_start3A_75] : memref<10240x16xf32, #tpu.memory_space<vmem_shared>> -> memref<128x16xf32, #tpu.memory_space<vmem_shared>>
        tpu.enqueue_dma source(%arg24 : memref<128x16xf32, #tpu.memory_space<vmem>>) target(%dma_start3A_76 : memref<128x16xf32, #tpu.memory_space<vmem_shared>>) target_semaphore(%run_scoped3A : memref<!tpu.dma_semaphore, #tpu.memory_space<semaphore_mem>>)
        %dma_wait3A = arith.constant 0 : i32
        %dma_wait3A_77 = tpu.memref_slice %arg26[%add3A_28, %dma_wait3A] : memref<10240x16xf32, #tpu.memory_space<vmem_shared>> -> memref<128x16xf32, #tpu.memory_space<vmem_shared>>
        %dma_wait3A_78 = arith.constant 0 : i32
        %dma_wait3A_79 = tpu.memref_slice %arg26[%add3A_28, %dma_wait3A_78] : memref<10240x16xf32, #tpu.memory_space<vmem_shared>> -> memref<128x16xf32, #tpu.memory_space<vmem_shared>>
        tpu.wait_dma2 semaphore(%run_scoped3A : memref<!tpu.dma_semaphore, #tpu.memory_space<semaphore_mem>>) src(%arg24 : memref<128x16xf32, #tpu.memory_space<vmem>>) dst(%dma_wait3A_79 : memref<128x16xf32, #tpu.memory_space<vmem_shared>>)
        tpu.yield
      }) : () -> ()
      %add3A_29 = arith.constant 384 : i32
      %add3A_30 = arith.addi %mul3A_10, %add3A_29 : i32
      "tpu.region"() ({
        %run_scoped3A = tpu.sem_alloc : memref<!tpu.dma_semaphore, #tpu.memory_space<semaphore_mem>>
        %dma_start3A = arith.constant 0 : i32
        %dma_start3A_74 = tpu.memref_slice %arg25[%add3A_30, %dma_start3A] : memref<10240x64xf32, #tpu.memory_space<vmem_shared>> -> memref<128x64xf32, #tpu.memory_space<vmem_shared>>
        %dma_start3A_75 = arith.constant 0 : i32
        %dma_start3A_76 = tpu.memref_slice %arg25[%add3A_30, %dma_start3A_75] : memref<10240x64xf32, #tpu.memory_space<vmem_shared>> -> memref<128x64xf32, #tpu.memory_space<vmem_shared>>
        tpu.enqueue_dma source(%arg23 : memref<128x64xf32, #tpu.memory_space<vmem>>) target(%dma_start3A_76 : memref<128x64xf32, #tpu.memory_space<vmem_shared>>) target_semaphore(%run_scoped3A : memref<!tpu.dma_semaphore, #tpu.memory_space<semaphore_mem>>)
        %dma_wait3A = arith.constant 0 : i32
        %dma_wait3A_77 = tpu.memref_slice %arg25[%add3A_30, %dma_wait3A] : memref<10240x64xf32, #tpu.memory_space<vmem_shared>> -> memref<128x64xf32, #tpu.memory_space<vmem_shared>>
        %dma_wait3A_78 = arith.constant 0 : i32
        %dma_wait3A_79 = tpu.memref_slice %arg25[%add3A_30, %dma_wait3A_78] : memref<10240x64xf32, #tpu.memory_space<vmem_shared>> -> memref<128x64xf32, #tpu.memory_space<vmem_shared>>
        tpu.wait_dma2 semaphore(%run_scoped3A : memref<!tpu.dma_semaphore, #tpu.memory_space<semaphore_mem>>) src(%arg23 : memref<128x64xf32, #tpu.memory_space<vmem>>) dst(%dma_wait3A_79 : memref<128x64xf32, #tpu.memory_space<vmem_shared>>)
        tpu.yield
      }) : () -> ()
      %add3A_31 = arith.constant 384 : i32
      %add3A_32 = arith.addi %mul3A_10, %add3A_31 : i32
      "tpu.region"() ({
        %run_scoped3A = tpu.sem_alloc : memref<!tpu.dma_semaphore, #tpu.memory_space<semaphore_mem>>
        %dma_start3A = arith.constant 0 : i32
        %dma_start3A_74 = tpu.memref_slice %arg26[%add3A_32, %dma_start3A] : memref<10240x16xf32, #tpu.memory_space<vmem_shared>> -> memref<128x16xf32, #tpu.memory_space<vmem_shared>>
        %dma_start3A_75 = arith.constant 0 : i32
        %dma_start3A_76 = tpu.memref_slice %arg26[%add3A_32, %dma_start3A_75] : memref<10240x16xf32, #tpu.memory_space<vmem_shared>> -> memref<128x16xf32, #tpu.memory_space<vmem_shared>>
        tpu.enqueue_dma source(%arg24 : memref<128x16xf32, #tpu.memory_space<vmem>>) target(%dma_start3A_76 : memref<128x16xf32, #tpu.memory_space<vmem_shared>>) target_semaphore(%run_scoped3A : memref<!tpu.dma_semaphore, #tpu.memory_space<semaphore_mem>>)
        %dma_wait3A = arith.constant 0 : i32
        %dma_wait3A_77 = tpu.memref_slice %arg26[%add3A_32, %dma_wait3A] : memref<10240x16xf32, #tpu.memory_space<vmem_shared>> -> memref<128x16xf32, #tpu.memory_space<vmem_shared>>
        %dma_wait3A_78 = arith.constant 0 : i32
        %dma_wait3A_79 = tpu.memref_slice %arg26[%add3A_32, %dma_wait3A_78] : memref<10240x16xf32, #tpu.memory_space<vmem_shared>> -> memref<128x16xf32, #tpu.memory_space<vmem_shared>>
        tpu.wait_dma2 semaphore(%run_scoped3A : memref<!tpu.dma_semaphore, #tpu.memory_space<semaphore_mem>>) src(%arg24 : memref<128x16xf32, #tpu.memory_space<vmem>>) dst(%dma_wait3A_79 : memref<128x16xf32, #tpu.memory_space<vmem_shared>>)
        tpu.yield
      }) : () -> ()
      %add3A_33 = arith.constant 512 : i32
      %add3A_34 = arith.addi %mul3A_10, %add3A_33 : i32
      "tpu.region"() ({
        %run_scoped3A = tpu.sem_alloc : memref<!tpu.dma_semaphore, #tpu.memory_space<semaphore_mem>>
        %dma_start3A = arith.constant 0 : i32
        %dma_start3A_74 = tpu.memref_slice %arg25[%add3A_34, %dma_start3A] : memref<10240x64xf32, #tpu.memory_space<vmem_shared>> -> memref<128x64xf32, #tpu.memory_space<vmem_shared>>
        %dma_start3A_75 = arith.constant 0 : i32
        %dma_start3A_76 = tpu.memref_slice %arg25[%add3A_34, %dma_start3A_75] : memref<10240x64xf32, #tpu.memory_space<vmem_shared>> -> memref<128x64xf32, #tpu.memory_space<vmem_shared>>
        tpu.enqueue_dma source(%arg23 : memref<128x64xf32, #tpu.memory_space<vmem>>) target(%dma_start3A_76 : memref<128x64xf32, #tpu.memory_space<vmem_shared>>) target_semaphore(%run_scoped3A : memref<!tpu.dma_semaphore, #tpu.memory_space<semaphore_mem>>)
        %dma_wait3A = arith.constant 0 : i32
        %dma_wait3A_77 = tpu.memref_slice %arg25[%add3A_34, %dma_wait3A] : memref<10240x64xf32, #tpu.memory_space<vmem_shared>> -> memref<128x64xf32, #tpu.memory_space<vmem_shared>>
        %dma_wait3A_78 = arith.constant 0 : i32
        %dma_wait3A_79 = tpu.memref_slice %arg25[%add3A_34, %dma_wait3A_78] : memref<10240x64xf32, #tpu.memory_space<vmem_shared>> -> memref<128x64xf32, #tpu.memory_space<vmem_shared>>
        tpu.wait_dma2 semaphore(%run_scoped3A : memref<!tpu.dma_semaphore, #tpu.memory_space<semaphore_mem>>) src(%arg23 : memref<128x64xf32, #tpu.memory_space<vmem>>) dst(%dma_wait3A_79 : memref<128x64xf32, #tpu.memory_space<vmem_shared>>)
        tpu.yield
      }) : () -> ()
      %add3A_35 = arith.constant 512 : i32
      %add3A_36 = arith.addi %mul3A_10, %add3A_35 : i32
      "tpu.region"() ({
        %run_scoped3A = tpu.sem_alloc : memref<!tpu.dma_semaphore, #tpu.memory_space<semaphore_mem>>
        %dma_start3A = arith.constant 0 : i32
        %dma_start3A_74 = tpu.memref_slice %arg26[%add3A_36, %dma_start3A] : memref<10240x16xf32, #tpu.memory_space<vmem_shared>> -> memref<128x16xf32, #tpu.memory_space<vmem_shared>>
        %dma_start3A_75 = arith.constant 0 : i32
        %dma_start3A_76 = tpu.memref_slice %arg26[%add3A_36, %dma_start3A_75] : memref<10240x16xf32, #tpu.memory_space<vmem_shared>> -> memref<128x16xf32, #tpu.memory_space<vmem_shared>>
        tpu.enqueue_dma source(%arg24 : memref<128x16xf32, #tpu.memory_space<vmem>>) target(%dma_start3A_76 : memref<128x16xf32, #tpu.memory_space<vmem_shared>>) target_semaphore(%run_scoped3A : memref<!tpu.dma_semaphore, #tpu.memory_space<semaphore_mem>>)
        %dma_wait3A = arith.constant 0 : i32
        %dma_wait3A_77 = tpu.memref_slice %arg26[%add3A_36, %dma_wait3A] : memref<10240x16xf32, #tpu.memory_space<vmem_shared>> -> memref<128x16xf32, #tpu.memory_space<vmem_shared>>
        %dma_wait3A_78 = arith.constant 0 : i32
        %dma_wait3A_79 = tpu.memref_slice %arg26[%add3A_36, %dma_wait3A_78] : memref<10240x16xf32, #tpu.memory_space<vmem_shared>> -> memref<128x16xf32, #tpu.memory_space<vmem_shared>>
        tpu.wait_dma2 semaphore(%run_scoped3A : memref<!tpu.dma_semaphore, #tpu.memory_space<semaphore_mem>>) src(%arg24 : memref<128x16xf32, #tpu.memory_space<vmem>>) dst(%dma_wait3A_79 : memref<128x16xf32, #tpu.memory_space<vmem_shared>>)
        tpu.yield
      }) : () -> ()
      %barrier3A = arith.constant 0 : index
      tpu.barrier barrier_id(%barrier3A)
      %mul3A_37 = arith.constant 20000 : i32
      %mul3A_38 = arith.muli %arg1, %mul3A_37 : i32
      %scan3A_39 = arith.constant 0 : i32
      %scan3A_40 = arith.constant 250 : i32
      %scan3A_41 = arith.addi %scan3A_39, %scan3A_40 : i32
      %scan3A_42 = arith.constant 1 : i32
      scf.for %scan3A_74 = %scan3A_39 to %scan3A_41 step %scan3A_42  : i32 {
        %mul3A_75 = arith.constant 1 : i32
        %mul3A_76 = arith.muli %scan3A_74, %mul3A_75 : i32
        %add3A_77 = arith.constant 0 : i32
        %add3A_78 = arith.addi %add3A_77, %mul3A_76 : i32
        %mul3A_79 = arith.constant 80 : i32
        %mul3A_80 = arith.muli %add3A_78, %mul3A_79 : i32
        %add3A_81 = arith.addi %mul3A_38, %mul3A_80 : i32
        "tpu.region"() ({
          %run_scoped3A = tpu.sem_alloc : memref<!tpu.dma_semaphore, #tpu.memory_space<semaphore_mem>>
          %dma_start3A_108 = tpu.memref_slice %arg7[%add3A_81] : memref<320000xi32, #tpu.memory_space<hbm>> -> memref<80xi32, #tpu.memory_space<hbm>>
          %dma_start3A_109 = tpu.memref_slice %arg7[%add3A_81] : memref<320000xi32, #tpu.memory_space<hbm>> -> memref<80xi32, #tpu.memory_space<hbm>>
          tpu.enqueue_dma source(%dma_start3A_109 : memref<80xi32, #tpu.memory_space<hbm>>) target(%arg17 : memref<80xi32, #tpu.memory_space<vmem>>) target_semaphore(%run_scoped3A : memref<!tpu.dma_semaphore, #tpu.memory_space<semaphore_mem>>)
          %dma_wait3A_110 = tpu.memref_slice %arg7[%add3A_81] : memref<320000xi32, #tpu.memory_space<hbm>> -> memref<80xi32, #tpu.memory_space<hbm>>
          %dma_wait3A_111 = tpu.memref_slice %arg7[%add3A_81] : memref<320000xi32, #tpu.memory_space<hbm>> -> memref<80xi32, #tpu.memory_space<hbm>>
          tpu.wait_dma2 semaphore(%run_scoped3A : memref<!tpu.dma_semaphore, #tpu.memory_space<semaphore_mem>>) src(%dma_wait3A_111 : memref<80xi32, #tpu.memory_space<hbm>>) dst(%arg17 : memref<80xi32, #tpu.memory_space<vmem>>)
          tpu.yield
        }) : () -> ()
        "tpu.region"() ({
          %run_scoped3A = tpu.sem_alloc : memref<!tpu.dma_semaphore, #tpu.memory_space<semaphore_mem>>
          %dma_start3A_108 = tpu.memref_slice %arg8[%add3A_81] : memref<320000xi32, #tpu.memory_space<hbm>> -> memref<80xi32, #tpu.memory_space<hbm>>
          %dma_start3A_109 = tpu.memref_slice %arg8[%add3A_81] : memref<320000xi32, #tpu.memory_space<hbm>> -> memref<80xi32, #tpu.memory_space<hbm>>
          tpu.enqueue_dma source(%dma_start3A_109 : memref<80xi32, #tpu.memory_space<hbm>>) target(%arg18 : memref<80xi32, #tpu.memory_space<vmem>>) target_semaphore(%run_scoped3A : memref<!tpu.dma_semaphore, #tpu.memory_space<semaphore_mem>>)
          %dma_wait3A_110 = tpu.memref_slice %arg8[%add3A_81] : memref<320000xi32, #tpu.memory_space<hbm>> -> memref<80xi32, #tpu.memory_space<hbm>>
          %dma_wait3A_111 = tpu.memref_slice %arg8[%add3A_81] : memref<320000xi32, #tpu.memory_space<hbm>> -> memref<80xi32, #tpu.memory_space<hbm>>
          tpu.wait_dma2 semaphore(%run_scoped3A : memref<!tpu.dma_semaphore, #tpu.memory_space<semaphore_mem>>) src(%dma_wait3A_111 : memref<80xi32, #tpu.memory_space<hbm>>) dst(%arg18 : memref<80xi32, #tpu.memory_space<vmem>>)
          tpu.yield
        }) : () -> ()
        %dma_start3A = arith.constant 0 : i32
        %dma_start3A_82 = arith.constant 0 : i32
        %dma_start3A_83 = tpu.memref_slice %arg2[%dma_start3A, %dma_start3A_82] : memref<10000x64xf32, #tpu.memory_space<hbm>> -> memref<10000x64xf32, #tpu.memory_space<hbm>>
        tpu.enqueue_indirect_dma source(%dma_start3A_83 : memref<10000x64xf32, #tpu.memory_space<hbm>>) target(%arg19 : memref<80x64xf32, #tpu.memory_space<vmem>>) offsets(%arg17 : memref<80xi32, #tpu.memory_space<vmem>>) semaphore(%arg27 : memref<!tpu.dma_semaphore, #tpu.memory_space<semaphore_mem>>)
        %dma_start3A_84 = arith.constant 0 : i32
        %dma_start3A_85 = arith.constant 0 : i32
        %dma_start3A_86 = tpu.memref_slice %arg6[%dma_start3A_84, %dma_start3A_85] : memref<10000x16xf32, #tpu.memory_space<hbm>> -> memref<10000x16xf32, #tpu.memory_space<hbm>>
        tpu.enqueue_indirect_dma source(%dma_start3A_86 : memref<10000x16xf32, #tpu.memory_space<hbm>>) target(%arg20 : memref<80x16xf32, #tpu.memory_space<vmem>>) offsets(%arg17 : memref<80xi32, #tpu.memory_space<vmem>>) semaphore(%arg28 : memref<!tpu.dma_semaphore, #tpu.memory_space<semaphore_mem>>)
        %dma_start3A_87 = arith.constant 0 : i32
        %dma_start3A_88 = arith.constant 0 : i32
        %dma_start3A_89 = tpu.memref_slice %arg6[%dma_start3A_87, %dma_start3A_88] : memref<10000x16xf32, #tpu.memory_space<hbm>> -> memref<10000x16xf32, #tpu.memory_space<hbm>>
        tpu.enqueue_indirect_dma source(%dma_start3A_89 : memref<10000x16xf32, #tpu.memory_space<hbm>>) target(%arg21 : memref<80x16xf32, #tpu.memory_space<vmem>>) offsets(%arg18 : memref<80xi32, #tpu.memory_space<vmem>>) semaphore(%arg29 : memref<!tpu.dma_semaphore, #tpu.memory_space<semaphore_mem>>)
        %dma_wait3A = arith.constant 0 : i32
        %dma_wait3A_90 = arith.constant 0 : i32
        %dma_wait3A_91 = tpu.memref_slice %arg6[%dma_wait3A, %dma_wait3A_90] : memref<10000x16xf32, #tpu.memory_space<hbm>> -> memref<10000x16xf32, #tpu.memory_space<hbm>>
        tpu.wait_indirect_dma semaphore(%arg28 : memref<!tpu.dma_semaphore, #tpu.memory_space<semaphore_mem>>) src(%dma_wait3A_91 : memref<10000x16xf32, #tpu.memory_space<hbm>>) dst(%arg20 : memref<80x16xf32, #tpu.memory_space<vmem>>)
        %dma_wait3A_92 = arith.constant 0 : i32
        %dma_wait3A_93 = arith.constant 0 : i32
        %dma_wait3A_94 = tpu.memref_slice %arg6[%dma_wait3A_92, %dma_wait3A_93] : memref<10000x16xf32, #tpu.memory_space<hbm>> -> memref<10000x16xf32, #tpu.memory_space<hbm>>
        tpu.wait_indirect_dma semaphore(%arg29 : memref<!tpu.dma_semaphore, #tpu.memory_space<semaphore_mem>>) src(%dma_wait3A_94 : memref<10000x16xf32, #tpu.memory_space<hbm>>) dst(%arg21 : memref<80x16xf32, #tpu.memory_space<vmem>>)
        %scan3A_95 = arith.constant 0 : i32
        %scan3A_96 = arith.constant 5 : i32
        %scan3A_97 = arith.addi %scan3A_95, %scan3A_96 : i32
        %scan3A_98 = arith.constant 1 : i32
        scf.for %scan3A_108 = %scan3A_95 to %scan3A_97 step %scan3A_98  : i32 {
          %mul3A_109 = arith.constant 1 : i32
          %mul3A_110 = arith.muli %scan3A_108, %mul3A_109 : i32
          %add3A_111 = arith.constant 0 : i32
          %add3A_112 = arith.addi %add3A_111, %mul3A_110 : i32
          %iota3A = tpu.iota {dimensions = array<i32: 0>} : vector<16xi32>
          %mul3A_113 = arith.constant 16 : i32
          %mul3A_114 = arith.muli %add3A_112, %mul3A_113 : i32
          %add3A_115 = vector.broadcast %mul3A_114 : i32 to vector<16xi32>
          %add3A_116 = arith.addi %iota3A, %add3A_115 : vector<16xi32>
          %broadcast_in_dim3A_117 = arith.constant 0 : i32
          %broadcast_in_dim3A_118 = vector.broadcast %broadcast_in_dim3A_117 : i32 to vector<16xi32>
          %gather3A = tpu.vector_load_idx %arg20[%add3A_116, %broadcast_in_dim3A_118] : memref<80x16xf32, #tpu.memory_space<vmem>>[vector<16xi32>, vector<16xi32>], vector<16xf32>,
          %add3A_119 = arith.constant 4 : i32
          %add3A_120 = vector.broadcast %add3A_119 : i32 to vector<16xi32>
          %add3A_121 = arith.addi %broadcast_in_dim3A_118, %add3A_120 : vector<16xi32>
          %gather3A_122 = tpu.vector_load_idx %arg21[%add3A_116, %add3A_121] : memref<80x16xf32, #tpu.memory_space<vmem>>[vector<16xi32>, vector<16xi32>], vector<16xf32>,
          %add3A_123 = arith.addf %gather3A, %gather3A_122 : vector<16xf32>
          %gt3A = arith.constant 0.000000e+00 : f32
          %gt3A_124 = vector.broadcast %gt3A : f32 to vector<16xf32>
          %gt3A_125 = arith.cmpf ogt, %add3A_123, %gt3A_124 : vector<16xf32>
          %mul3A_126 = arith.constant 2.000000e-01 : f32
          %mul3A_127 = vector.broadcast %mul3A_126 : f32 to vector<16xf32>
          %mul3A_128 = arith.mulf %mul3A_127, %add3A_123 : vector<16xf32>
          %select_n3A = arith.select %gt3A_125, %add3A_123, %mul3A_128 : vector<16xi1>, vector<16xf32>
          %exp3A = math.exp %select_n3A : vector<16xf32>
          %broadcast_in_dim3A_129 = arith.constant 0 : i32
          %broadcast_in_dim3A_130 = vector.broadcast %broadcast_in_dim3A_129 : i32 to vector<16xi32>
          tpu.vector_store_idx %arg22[%add3A_116, %broadcast_in_dim3A_130], %exp3A : memref<80x16xf32, #tpu.memory_space<vmem>>[vector<16xi32>, vector<16xi32>], vector<16xf32>,
        }
        %scan3A_99 = arith.constant 5 : i32
        %dma_wait3A_100 = arith.constant 0 : i32
        %dma_wait3A_101 = arith.constant 0 : i32
        %dma_wait3A_102 = tpu.memref_slice %arg2[%dma_wait3A_100, %dma_wait3A_101] : memref<10000x64xf32, #tpu.memory_space<hbm>> -> memref<10000x64xf32, #tpu.memory_space<hbm>>
        tpu.wait_indirect_dma semaphore(%arg27 : memref<!tpu.dma_semaphore, #tpu.memory_space<semaphore_mem>>) src(%dma_wait3A_102 : memref<10000x64xf32, #tpu.memory_space<hbm>>) dst(%arg19 : memref<80x64xf32, #tpu.memory_space<vmem>>)
        %scan3A_103 = arith.constant 0 : i32
        %scan3A_104 = arith.constant 80 : i32
        %scan3A_105 = arith.addi %scan3A_103, %scan3A_104 : i32
        %scan3A_106 = arith.constant 1 : i32
        scf.for %scan3A_108 = %scan3A_103 to %scan3A_105 step %scan3A_106  : i32 {
          %mul3A_109 = arith.constant 1 : i32
          %mul3A_110 = arith.muli %scan3A_108, %mul3A_109 : i32
          %add3A_111 = arith.constant 0 : i32
          %add3A_112 = arith.addi %add3A_111, %mul3A_110 : i32
          %get3A = arith.index_cast %add3A_112 : i32 to index
          %get3A_113 = arith.constant 0 : index
          %get3A_114 = tpu.vector_load %arg22[%get3A, %get3A_113] {strides = array<i32>} : memref<80x16xf32, #tpu.memory_space<vmem>>, vector<16xf32>,
          %slice3A = vector.extract_strided_slice %get3A_114 {offsets = [0], sizes = [1], strides = [1]} : vector<16xf32> to vector<1xf32>
          %squeeze3A = vector.extract %slice3A[0] : f32 from vector<1xf32>
          %get3A_115 = arith.index_cast %add3A_112 : i32 to index
          %get3A_116 = arith.constant 0 : index
          %get3A_117 = tpu.vector_load %arg19[%get3A_115, %get3A_116] {strides = array<i32>} : memref<80x64xf32, #tpu.memory_space<vmem>>, vector<16xf32>,
          %mul3A_118 = vector.broadcast %squeeze3A : f32 to vector<16xf32>
          %mul3A_119 = arith.mulf %get3A_117, %mul3A_118 : vector<16xf32>
          %swap3A = arith.index_cast %add3A_112 : i32 to index
          %swap3A_120 = arith.constant 0 : index
          %swap3A_121 = tpu.vector_load %arg19[%swap3A, %swap3A_120] {strides = array<i32>} : memref<80x64xf32, #tpu.memory_space<vmem>>, vector<16xf32>,
          tpu.vector_store %arg19[%swap3A, %swap3A_120], %mul3A_119 {strides = array<i32>} : memref<80x64xf32, #tpu.memory_space<vmem>>, vector<16xf32>,
          %get3A_122 = arith.index_cast %add3A_112 : i32 to index
          %get3A_123 = arith.constant 16 : index
          %get3A_124 = tpu.vector_load %arg19[%get3A_122, %get3A_123] {strides = array<i32>} : memref<80x64xf32, #tpu.memory_space<vmem>>, vector<16xf32>,
          %mul3A_125 = vector.broadcast %squeeze3A : f32 to vector<16xf32>
          %mul3A_126 = arith.mulf %get3A_124, %mul3A_125 : vector<16xf32>
          %swap3A_127 = arith.index_cast %add3A_112 : i32 to index
          %swap3A_128 = arith.constant 16 : index
          %swap3A_129 = tpu.vector_load %arg19[%swap3A_127, %swap3A_128] {strides = array<i32>} : memref<80x64xf32, #tpu.memory_space<vmem>>, vector<16xf32>,
          tpu.vector_store %arg19[%swap3A_127, %swap3A_128], %mul3A_126 {strides = array<i32>} : memref<80x64xf32, #tpu.memory_space<vmem>>, vector<16xf32>,
          %get3A_130 = arith.index_cast %add3A_112 : i32 to index
          %get3A_131 = arith.constant 32 : index
          %get3A_132 = tpu.vector_load %arg19[%get3A_130, %get3A_131] {strides = array<i32>} : memref<80x64xf32, #tpu.memory_space<vmem>>, vector<16xf32>,
          %mul3A_133 = vector.broadcast %squeeze3A : f32 to vector<16xf32>
          %mul3A_134 = arith.mulf %get3A_132, %mul3A_133 : vector<16xf32>
          %swap3A_135 = arith.index_cast %add3A_112 : i32 to index
          %swap3A_136 = arith.constant 32 : index
          %swap3A_137 = tpu.vector_load %arg19[%swap3A_135, %swap3A_136] {strides = array<i32>} : memref<80x64xf32, #tpu.memory_space<vmem>>, vector<16xf32>,
          tpu.vector_store %arg19[%swap3A_135, %swap3A_136], %mul3A_134 {strides = array<i32>} : memref<80x64xf32, #tpu.memory_space<vmem>>, vector<16xf32>,
          %get3A_138 = arith.index_cast %add3A_112 : i32 to index
          %get3A_139 = arith.constant 48 : index
          %get3A_140 = tpu.vector_load %arg19[%get3A_138, %get3A_139] {strides = array<i32>} : memref<80x64xf32, #tpu.memory_space<vmem>>, vector<16xf32>,
          %mul3A_141 = vector.broadcast %squeeze3A : f32 to vector<16xf32>
          %mul3A_142 = arith.mulf %get3A_140, %mul3A_141 : vector<16xf32>
          %swap3A_143 = arith.index_cast %add3A_112 : i32 to index
          %swap3A_144 = arith.constant 48 : index
          %swap3A_145 = tpu.vector_load %arg19[%swap3A_143, %swap3A_144] {strides = array<i32>} : memref<80x64xf32, #tpu.memory_space<vmem>>, vector<16xf32>,
          tpu.vector_store %arg19[%swap3A_143, %swap3A_144], %mul3A_142 {strides = array<i32>} : memref<80x64xf32, #tpu.memory_space<vmem>>, vector<16xf32>,
        }
        %scan3A_107 = arith.constant 80 : i32
      }
      %scan3A_43 = arith.constant 250 : i32
      %barrier3A_44 = arith.constant 0 : index
      tpu.barrier barrier_id(%barrier3A_44)
      "tpu.region"() ({
        %run_scoped3A = tpu.sem_alloc : memref<!tpu.dma_semaphore, #tpu.memory_space<semaphore_mem>>
        %dma_start3A = arith.constant 0 : i32
        %dma_start3A_74 = tpu.memref_slice %arg9[%mul3A_10, %dma_start3A] : memref<10240x64xf32, #tpu.memory_space<hbm>> -> memref<640x64xf32, #tpu.memory_space<hbm>>
        %dma_start3A_75 = arith.constant 0 : i32
        %dma_start3A_76 = tpu.memref_slice %arg25[%mul3A_10, %dma_start3A_75] : memref<10240x64xf32, #tpu.memory_space<vmem_shared>> -> memref<640x64xf32, #tpu.memory_space<vmem_shared>>
        tpu.enqueue_dma source(%dma_start3A_76 : memref<640x64xf32, #tpu.memory_space<vmem_shared>>) target(%dma_start3A_74 : memref<640x64xf32, #tpu.memory_space<hbm>>) target_semaphore(%run_scoped3A : memref<!tpu.dma_semaphore, #tpu.memory_space<semaphore_mem>>)
        %dma_wait3A = arith.constant 0 : i32
        %dma_wait3A_77 = tpu.memref_slice %arg9[%mul3A_10, %dma_wait3A] : memref<10240x64xf32, #tpu.memory_space<hbm>> -> memref<640x64xf32, #tpu.memory_space<hbm>>
        %dma_wait3A_78 = arith.constant 0 : i32
        %dma_wait3A_79 = tpu.memref_slice %arg25[%mul3A_10, %dma_wait3A_78] : memref<10240x64xf32, #tpu.memory_space<vmem_shared>> -> memref<640x64xf32, #tpu.memory_space<vmem_shared>>
        tpu.wait_dma2 semaphore(%run_scoped3A : memref<!tpu.dma_semaphore, #tpu.memory_space<semaphore_mem>>) src(%dma_wait3A_79 : memref<640x64xf32, #tpu.memory_space<vmem_shared>>) dst(%dma_wait3A_77 : memref<640x64xf32, #tpu.memory_space<hbm>>)
        tpu.yield
      }) : () -> ()
      "tpu.region"() ({
        %run_scoped3A = tpu.sem_alloc : memref<!tpu.dma_semaphore, #tpu.memory_space<semaphore_mem>>
        %dma_start3A = arith.constant 0 : i32
        %dma_start3A_74 = tpu.memref_slice %arg13[%mul3A_10, %dma_start3A] : memref<10240x16xf32, #tpu.memory_space<hbm>> -> memref<640x16xf32, #tpu.memory_space<hbm>>
        %dma_start3A_75 = arith.constant 0 : i32
        %dma_start3A_76 = tpu.memref_slice %arg26[%mul3A_10, %dma_start3A_75] : memref<10240x16xf32, #tpu.memory_space<vmem_shared>> -> memref<640x16xf32, #tpu.memory_space<vmem_shared>>
        tpu.enqueue_dma source(%dma_start3A_76 : memref<640x16xf32, #tpu.memory_space<vmem_shared>>) target(%dma_start3A_74 : memref<640x16xf32, #tpu.memory_space<hbm>>) target_semaphore(%run_scoped3A : memref<!tpu.dma_semaphore, #tpu.memory_space<semaphore_mem>>)
        %dma_wait3A = arith.constant 0 : i32
        %dma_wait3A_77 = tpu.memref_slice %arg13[%mul3A_10, %dma_wait3A] : memref<10240x16xf32, #tpu.memory_space<hbm>> -> memref<640x16xf32, #tpu.memory_space<hbm>>
        %dma_wait3A_78 = arith.constant 0 : i32
        %dma_wait3A_79 = tpu.memref_slice %arg26[%mul3A_10, %dma_wait3A_78] : memref<10240x16xf32, #tpu.memory_space<vmem_shared>> -> memref<640x16xf32, #tpu.memory_space<vmem_shared>>
        tpu.wait_dma2 semaphore(%run_scoped3A : memref<!tpu.dma_semaphore, #tpu.memory_space<semaphore_mem>>) src(%dma_wait3A_79 : memref<640x16xf32, #tpu.memory_space<vmem_shared>>) dst(%dma_wait3A_77 : memref<640x16xf32, #tpu.memory_space<hbm>>)
        tpu.yield
      }) : () -> ()
      %add3A_45 = arith.constant 0 : i32
      %add3A_46 = arith.addi %mul3A_10, %add3A_45 : i32
      "tpu.region"() ({
        %run_scoped3A = tpu.sem_alloc : memref<!tpu.dma_semaphore, #tpu.memory_space<semaphore_mem>>
        %dma_start3A = arith.constant 0 : i32
        %dma_start3A_74 = tpu.memref_slice %arg25[%add3A_46, %dma_start3A] : memref<10240x64xf32, #tpu.memory_space<vmem_shared>> -> memref<128x64xf32, #tpu.memory_space<vmem_shared>>
        %dma_start3A_75 = arith.constant 0 : i32
        %dma_start3A_76 = tpu.memref_slice %arg25[%add3A_46, %dma_start3A_75] : memref<10240x64xf32, #tpu.memory_space<vmem_shared>> -> memref<128x64xf32, #tpu.memory_space<vmem_shared>>
        tpu.enqueue_dma source(%arg23 : memref<128x64xf32, #tpu.memory_space<vmem>>) target(%dma_start3A_76 : memref<128x64xf32, #tpu.memory_space<vmem_shared>>) target_semaphore(%run_scoped3A : memref<!tpu.dma_semaphore, #tpu.memory_space<semaphore_mem>>)
        %dma_wait3A = arith.constant 0 : i32
        %dma_wait3A_77 = tpu.memref_slice %arg25[%add3A_46, %dma_wait3A] : memref<10240x64xf32, #tpu.memory_space<vmem_shared>> -> memref<128x64xf32, #tpu.memory_space<vmem_shared>>
        %dma_wait3A_78 = arith.constant 0 : i32
        %dma_wait3A_79 = tpu.memref_slice %arg25[%add3A_46, %dma_wait3A_78] : memref<10240x64xf32, #tpu.memory_space<vmem_shared>> -> memref<128x64xf32, #tpu.memory_space<vmem_shared>>
        tpu.wait_dma2 semaphore(%run_scoped3A : memref<!tpu.dma_semaphore, #tpu.memory_space<semaphore_mem>>) src(%arg23 : memref<128x64xf32, #tpu.memory_space<vmem>>) dst(%dma_wait3A_79 : memref<128x64xf32, #tpu.memory_space<vmem_shared>>)
        tpu.yield
      }) : () -> ()
      %add3A_47 = arith.constant 0 : i32
      %add3A_48 = arith.addi %mul3A_10, %add3A_47 : i32
      "tpu.region"() ({
        %run_scoped3A = tpu.sem_alloc : memref<!tpu.dma_semaphore, #tpu.memory_space<semaphore_mem>>
        %dma_start3A = arith.constant 0 : i32
        %dma_start3A_74 = tpu.memref_slice %arg26[%add3A_48, %dma_start3A] : memref<10240x16xf32, #tpu.memory_space<vmem_shared>> -> memref<128x16xf32, #tpu.memory_space<vmem_shared>>
        %dma_start3A_75 = arith.constant 0 : i32
        %dma_start3A_76 = tpu.memref_slice %arg26[%add3A_48, %dma_start3A_75] : memref<10240x16xf32, #tpu.memory_space<vmem_shared>> -> memref<128x16xf32, #tpu.memory_space<vmem_shared>>
        tpu.enqueue_dma source(%arg24 : memref<128x16xf32, #tpu.memory_space<vmem>>) target(%dma_start3A_76 : memref<128x16xf32, #tpu.memory_space<vmem_shared>>) target_semaphore(%run_scoped3A : memref<!tpu.dma_semaphore, #tpu.memory_space<semaphore_mem>>)
        %dma_wait3A = arith.constant 0 : i32
        %dma_wait3A_77 = tpu.memref_slice %arg26[%add3A_48, %dma_wait3A] : memref<10240x16xf32, #tpu.memory_space<vmem_shared>> -> memref<128x16xf32, #tpu.memory_space<vmem_shared>>
        %dma_wait3A_78 = arith.constant 0 : i32
        %dma_wait3A_79 = tpu.memref_slice %arg26[%add3A_48, %dma_wait3A_78] : memref<10240x16xf32, #tpu.memory_space<vmem_shared>> -> memref<128x16xf32, #tpu.memory_space<vmem_shared>>
        tpu.wait_dma2 semaphore(%run_scoped3A : memref<!tpu.dma_semaphore, #tpu.memory_space<semaphore_mem>>) src(%arg24 : memref<128x16xf32, #tpu.memory_space<vmem>>) dst(%dma_wait3A_79 : memref<128x16xf32, #tpu.memory_space<vmem_shared>>)
        tpu.yield
      }) : () -> ()
      %add3A_49 = arith.constant 128 : i32
      %add3A_50 = arith.addi %mul3A_10, %add3A_49 : i32
      "tpu.region"() ({
        %run_scoped3A = tpu.sem_alloc : memref<!tpu.dma_semaphore, #tpu.memory_space<semaphore_mem>>
        %dma_start3A = arith.constant 0 : i32
        %dma_start3A_74 = tpu.memref_slice %arg25[%add3A_50, %dma_start3A] : memref<10240x64xf32, #tpu.memory_space<vmem_shared>> -> memref<128x64xf32, #tpu.memory_space<vmem_shared>>
        %dma_start3A_75 = arith.constant 0 : i32
        %dma_start3A_76 = tpu.memref_slice %arg25[%add3A_50, %dma_start3A_75] : memref<10240x64xf32, #tpu.memory_space<vmem_shared>> -> memref<128x64xf32, #tpu.memory_space<vmem_shared>>
        tpu.enqueue_dma source(%arg23 : memref<128x64xf32, #tpu.memory_space<vmem>>) target(%dma_start3A_76 : memref<128x64xf32, #tpu.memory_space<vmem_shared>>) target_semaphore(%run_scoped3A : memref<!tpu.dma_semaphore, #tpu.memory_space<semaphore_mem>>)
        %dma_wait3A = arith.constant 0 : i32
        %dma_wait3A_77 = tpu.memref_slice %arg25[%add3A_50, %dma_wait3A] : memref<10240x64xf32, #tpu.memory_space<vmem_shared>> -> memref<128x64xf32, #tpu.memory_space<vmem_shared>>
        %dma_wait3A_78 = arith.constant 0 : i32
        %dma_wait3A_79 = tpu.memref_slice %arg25[%add3A_50, %dma_wait3A_78] : memref<10240x64xf32, #tpu.memory_space<vmem_shared>> -> memref<128x64xf32, #tpu.memory_space<vmem_shared>>
        tpu.wait_dma2 semaphore(%run_scoped3A : memref<!tpu.dma_semaphore, #tpu.memory_space<semaphore_mem>>) src(%arg23 : memref<128x64xf32, #tpu.memory_space<vmem>>) dst(%dma_wait3A_79 : memref<128x64xf32, #tpu.memory_space<vmem_shared>>)
        tpu.yield
      }) : () -> ()
      %add3A_51 = arith.constant 128 : i32
      %add3A_52 = arith.addi %mul3A_10, %add3A_51 : i32
      "tpu.region"() ({
        %run_scoped3A = tpu.sem_alloc : memref<!tpu.dma_semaphore, #tpu.memory_space<semaphore_mem>>
        %dma_start3A = arith.constant 0 : i32
        %dma_start3A_74 = tpu.memref_slice %arg26[%add3A_52, %dma_start3A] : memref<10240x16xf32, #tpu.memory_space<vmem_shared>> -> memref<128x16xf32, #tpu.memory_space<vmem_shared>>
        %dma_start3A_75 = arith.constant 0 : i32
        %dma_start3A_76 = tpu.memref_slice %arg26[%add3A_52, %dma_start3A_75] : memref<10240x16xf32, #tpu.memory_space<vmem_shared>> -> memref<128x16xf32, #tpu.memory_space<vmem_shared>>
        tpu.enqueue_dma source(%arg24 : memref<128x16xf32, #tpu.memory_space<vmem>>) target(%dma_start3A_76 : memref<128x16xf32, #tpu.memory_space<vmem_shared>>) target_semaphore(%run_scoped3A : memref<!tpu.dma_semaphore, #tpu.memory_space<semaphore_mem>>)
        %dma_wait3A = arith.constant 0 : i32
        %dma_wait3A_77 = tpu.memref_slice %arg26[%add3A_52, %dma_wait3A] : memref<10240x16xf32, #tpu.memory_space<vmem_shared>> -> memref<128x16xf32, #tpu.memory_space<vmem_shared>>
        %dma_wait3A_78 = arith.constant 0 : i32
        %dma_wait3A_79 = tpu.memref_slice %arg26[%add3A_52, %dma_wait3A_78] : memref<10240x16xf32, #tpu.memory_space<vmem_shared>> -> memref<128x16xf32, #tpu.memory_space<vmem_shared>>
        tpu.wait_dma2 semaphore(%run_scoped3A : memref<!tpu.dma_semaphore, #tpu.memory_space<semaphore_mem>>) src(%arg24 : memref<128x16xf32, #tpu.memory_space<vmem>>) dst(%dma_wait3A_79 : memref<128x16xf32, #tpu.memory_space<vmem_shared>>)
        tpu.yield
      }) : () -> ()
      %add3A_53 = arith.constant 256 : i32
      %add3A_54 = arith.addi %mul3A_10, %add3A_53 : i32
      "tpu.region"() ({
        %run_scoped3A = tpu.sem_alloc : memref<!tpu.dma_semaphore, #tpu.memory_space<semaphore_mem>>
        %dma_start3A = arith.constant 0 : i32
        %dma_start3A_74 = tpu.memref_slice %arg25[%add3A_54, %dma_start3A] : memref<10240x64xf32, #tpu.memory_space<vmem_shared>> -> memref<128x64xf32, #tpu.memory_space<vmem_shared>>
        %dma_start3A_75 = arith.constant 0 : i32
        %dma_start3A_76 = tpu.memref_slice %arg25[%add3A_54, %dma_start3A_75] : memref<10240x64xf32, #tpu.memory_space<vmem_shared>> -> memref<128x64xf32, #tpu.memory_space<vmem_shared>>
        tpu.enqueue_dma source(%arg23 : memref<128x64xf32, #tpu.memory_space<vmem>>) target(%dma_start3A_76 : memref<128x64xf32, #tpu.memory_space<vmem_shared>>) target_semaphore(%run_scoped3A : memref<!tpu.dma_semaphore, #tpu.memory_space<semaphore_mem>>)
        %dma_wait3A = arith.constant 0 : i32
        %dma_wait3A_77 = tpu.memref_slice %arg25[%add3A_54, %dma_wait3A] : memref<10240x64xf32, #tpu.memory_space<vmem_shared>> -> memref<128x64xf32, #tpu.memory_space<vmem_shared>>
        %dma_wait3A_78 = arith.constant 0 : i32
        %dma_wait3A_79 = tpu.memref_slice %arg25[%add3A_54, %dma_wait3A_78] : memref<10240x64xf32, #tpu.memory_space<vmem_shared>> -> memref<128x64xf32, #tpu.memory_space<vmem_shared>>
        tpu.wait_dma2 semaphore(%run_scoped3A : memref<!tpu.dma_semaphore, #tpu.memory_space<semaphore_mem>>) src(%arg23 : memref<128x64xf32, #tpu.memory_space<vmem>>) dst(%dma_wait3A_79 : memref<128x64xf32, #tpu.memory_space<vmem_shared>>)
        tpu.yield
      }) : () -> ()
      %add3A_55 = arith.constant 256 : i32
      %add3A_56 = arith.addi %mul3A_10, %add3A_55 : i32
      "tpu.region"() ({
        %run_scoped3A = tpu.sem_alloc : memref<!tpu.dma_semaphore, #tpu.memory_space<semaphore_mem>>
        %dma_start3A = arith.constant 0 : i32
        %dma_start3A_74 = tpu.memref_slice %arg26[%add3A_56, %dma_start3A] : memref<10240x16xf32, #tpu.memory_space<vmem_shared>> -> memref<128x16xf32, #tpu.memory_space<vmem_shared>>
        %dma_start3A_75 = arith.constant 0 : i32
        %dma_start3A_76 = tpu.memref_slice %arg26[%add3A_56, %dma_start3A_75] : memref<10240x16xf32, #tpu.memory_space<vmem_shared>> -> memref<128x16xf32, #tpu.memory_space<vmem_shared>>
        tpu.enqueue_dma source(%arg24 : memref<128x16xf32, #tpu.memory_space<vmem>>) target(%dma_start3A_76 : memref<128x16xf32, #tpu.memory_space<vmem_shared>>) target_semaphore(%run_scoped3A : memref<!tpu.dma_semaphore, #tpu.memory_space<semaphore_mem>>)
        %dma_wait3A = arith.constant 0 : i32
        %dma_wait3A_77 = tpu.memref_slice %arg26[%add3A_56, %dma_wait3A] : memref<10240x16xf32, #tpu.memory_space<vmem_shared>> -> memref<128x16xf32, #tpu.memory_space<vmem_shared>>
        %dma_wait3A_78 = arith.constant 0 : i32
        %dma_wait3A_79 = tpu.memref_slice %arg26[%add3A_56, %dma_wait3A_78] : memref<10240x16xf32, #tpu.memory_space<vmem_shared>> -> memref<128x16xf32, #tpu.memory_space<vmem_shared>>
        tpu.wait_dma2 semaphore(%run_scoped3A : memref<!tpu.dma_semaphore, #tpu.memory_space<semaphore_mem>>) src(%arg24 : memref<128x16xf32, #tpu.memory_space<vmem>>) dst(%dma_wait3A_79 : memref<128x16xf32, #tpu.memory_space<vmem_shared>>)
        tpu.yield
      }) : () -> ()
      %add3A_57 = arith.constant 384 : i32
      %add3A_58 = arith.addi %mul3A_10, %add3A_57 : i32
      "tpu.region"() ({
        %run_scoped3A = tpu.sem_alloc : memref<!tpu.dma_semaphore, #tpu.memory_space<semaphore_mem>>
        %dma_start3A = arith.constant 0 : i32
        %dma_start3A_74 = tpu.memref_slice %arg25[%add3A_58, %dma_start3A] : memref<10240x64xf32, #tpu.memory_space<vmem_shared>> -> memref<128x64xf32, #tpu.memory_space<vmem_shared>>
        %dma_start3A_75 = arith.constant 0 : i32
        %dma_start3A_76 = tpu.memref_slice %arg25[%add3A_58, %dma_start3A_75] : memref<10240x64xf32, #tpu.memory_space<vmem_shared>> -> memref<128x64xf32, #tpu.memory_space<vmem_shared>>
        tpu.enqueue_dma source(%arg23 : memref<128x64xf32, #tpu.memory_space<vmem>>) target(%dma_start3A_76 : memref<128x64xf32, #tpu.memory_space<vmem_shared>>) target_semaphore(%run_scoped3A : memref<!tpu.dma_semaphore, #tpu.memory_space<semaphore_mem>>)
        %dma_wait3A = arith.constant 0 : i32
        %dma_wait3A_77 = tpu.memref_slice %arg25[%add3A_58, %dma_wait3A] : memref<10240x64xf32, #tpu.memory_space<vmem_shared>> -> memref<128x64xf32, #tpu.memory_space<vmem_shared>>
        %dma_wait3A_78 = arith.constant 0 : i32
        %dma_wait3A_79 = tpu.memref_slice %arg25[%add3A_58, %dma_wait3A_78] : memref<10240x64xf32, #tpu.memory_space<vmem_shared>> -> memref<128x64xf32, #tpu.memory_space<vmem_shared>>
        tpu.wait_dma2 semaphore(%run_scoped3A : memref<!tpu.dma_semaphore, #tpu.memory_space<semaphore_mem>>) src(%arg23 : memref<128x64xf32, #tpu.memory_space<vmem>>) dst(%dma_wait3A_79 : memref<128x64xf32, #tpu.memory_space<vmem_shared>>)
        tpu.yield
      }) : () -> ()
      %add3A_59 = arith.constant 384 : i32
      %add3A_60 = arith.addi %mul3A_10, %add3A_59 : i32
      "tpu.region"() ({
        %run_scoped3A = tpu.sem_alloc : memref<!tpu.dma_semaphore, #tpu.memory_space<semaphore_mem>>
        %dma_start3A = arith.constant 0 : i32
        %dma_start3A_74 = tpu.memref_slice %arg26[%add3A_60, %dma_start3A] : memref<10240x16xf32, #tpu.memory_space<vmem_shared>> -> memref<128x16xf32, #tpu.memory_space<vmem_shared>>
        %dma_start3A_75 = arith.constant 0 : i32
        %dma_start3A_76 = tpu.memref_slice %arg26[%add3A_60, %dma_start3A_75] : memref<10240x16xf32, #tpu.memory_space<vmem_shared>> -> memref<128x16xf32, #tpu.memory_space<vmem_shared>>
        tpu.enqueue_dma source(%arg24 : memref<128x16xf32, #tpu.memory_space<vmem>>) target(%dma_start3A_76 : memref<128x16xf32, #tpu.memory_space<vmem_shared>>) target_semaphore(%run_scoped3A : memref<!tpu.dma_semaphore, #tpu.memory_space<semaphore_mem>>)
        %dma_wait3A = arith.constant 0 : i32
        %dma_wait3A_77 = tpu.memref_slice %arg26[%add3A_60, %dma_wait3A] : memref<10240x16xf32, #tpu.memory_space<vmem_shared>> -> memref<128x16xf32, #tpu.memory_space<vmem_shared>>
        %dma_wait3A_78 = arith.constant 0 : i32
        %dma_wait3A_79 = tpu.memref_slice %arg26[%add3A_60, %dma_wait3A_78] : memref<10240x16xf32, #tpu.memory_space<vmem_shared>> -> memref<128x16xf32, #tpu.memory_space<vmem_shared>>
        tpu.wait_dma2 semaphore(%run_scoped3A : memref<!tpu.dma_semaphore, #tpu.memory_space<semaphore_mem>>) src(%arg24 : memref<128x16xf32, #tpu.memory_space<vmem>>) dst(%dma_wait3A_79 : memref<128x16xf32, #tpu.memory_space<vmem_shared>>)
        tpu.yield
      }) : () -> ()
      %add3A_61 = arith.constant 512 : i32
      %add3A_62 = arith.addi %mul3A_10, %add3A_61 : i32
      "tpu.region"() ({
        %run_scoped3A = tpu.sem_alloc : memref<!tpu.dma_semaphore, #tpu.memory_space<semaphore_mem>>
        %dma_start3A = arith.constant 0 : i32
        %dma_start3A_74 = tpu.memref_slice %arg25[%add3A_62, %dma_start3A] : memref<10240x64xf32, #tpu.memory_space<vmem_shared>> -> memref<128x64xf32, #tpu.memory_space<vmem_shared>>
        %dma_start3A_75 = arith.constant 0 : i32
        %dma_start3A_76 = tpu.memref_slice %arg25[%add3A_62, %dma_start3A_75] : memref<10240x64xf32, #tpu.memory_space<vmem_shared>> -> memref<128x64xf32, #tpu.memory_space<vmem_shared>>
        tpu.enqueue_dma source(%arg23 : memref<128x64xf32, #tpu.memory_space<vmem>>) target(%dma_start3A_76 : memref<128x64xf32, #tpu.memory_space<vmem_shared>>) target_semaphore(%run_scoped3A : memref<!tpu.dma_semaphore, #tpu.memory_space<semaphore_mem>>)
        %dma_wait3A = arith.constant 0 : i32
        %dma_wait3A_77 = tpu.memref_slice %arg25[%add3A_62, %dma_wait3A] : memref<10240x64xf32, #tpu.memory_space<vmem_shared>> -> memref<128x64xf32, #tpu.memory_space<vmem_shared>>
        %dma_wait3A_78 = arith.constant 0 : i32
        %dma_wait3A_79 = tpu.memref_slice %arg25[%add3A_62, %dma_wait3A_78] : memref<10240x64xf32, #tpu.memory_space<vmem_shared>> -> memref<128x64xf32, #tpu.memory_space<vmem_shared>>
        tpu.wait_dma2 semaphore(%run_scoped3A : memref<!tpu.dma_semaphore, #tpu.memory_space<semaphore_mem>>) src(%arg23 : memref<128x64xf32, #tpu.memory_space<vmem>>) dst(%dma_wait3A_79 : memref<128x64xf32, #tpu.memory_space<vmem_shared>>)
        tpu.yield
      }) : () -> ()
      %add3A_63 = arith.constant 512 : i32
      %add3A_64 = arith.addi %mul3A_10, %add3A_63 : i32
      "tpu.region"() ({
        %run_scoped3A = tpu.sem_alloc : memref<!tpu.dma_semaphore, #tpu.memory_space<semaphore_mem>>
        %dma_start3A = arith.constant 0 : i32
        %dma_start3A_74 = tpu.memref_slice %arg26[%add3A_64, %dma_start3A] : memref<10240x16xf32, #tpu.memory_space<vmem_shared>> -> memref<128x16xf32, #tpu.memory_space<vmem_shared>>
        %dma_start3A_75 = arith.constant 0 : i32
        %dma_start3A_76 = tpu.memref_slice %arg26[%add3A_64, %dma_start3A_75] : memref<10240x16xf32, #tpu.memory_space<vmem_shared>> -> memref<128x16xf32, #tpu.memory_space<vmem_shared>>
        tpu.enqueue_dma source(%arg24 : memref<128x16xf32, #tpu.memory_space<vmem>>) target(%dma_start3A_76 : memref<128x16xf32, #tpu.memory_space<vmem_shared>>) target_semaphore(%run_scoped3A : memref<!tpu.dma_semaphore, #tpu.memory_space<semaphore_mem>>)
        %dma_wait3A = arith.constant 0 : i32
        %dma_wait3A_77 = tpu.memref_slice %arg26[%add3A_64, %dma_wait3A] : memref<10240x16xf32, #tpu.memory_space<vmem_shared>> -> memref<128x16xf32, #tpu.memory_space<vmem_shared>>
        %dma_wait3A_78 = arith.constant 0 : i32
        %dma_wait3A_79 = tpu.memref_slice %arg26[%add3A_64, %dma_wait3A_78] : memref<10240x16xf32, #tpu.memory_space<vmem_shared>> -> memref<128x16xf32, #tpu.memory_space<vmem_shared>>
        tpu.wait_dma2 semaphore(%run_scoped3A : memref<!tpu.dma_semaphore, #tpu.memory_space<semaphore_mem>>) src(%arg24 : memref<128x16xf32, #tpu.memory_space<vmem>>) dst(%dma_wait3A_79 : memref<128x16xf32, #tpu.memory_space<vmem_shared>>)
        tpu.yield
      }) : () -> ()
      %barrier3A_65 = arith.constant 0 : index
      tpu.barrier barrier_id(%barrier3A_65)
      %mul3A_66 = arith.constant 20000 : i32
      %mul3A_67 = arith.muli %arg1, %mul3A_66 : i32
      %scan3A_68 = arith.constant 0 : i32
      %scan3A_69 = arith.constant 250 : i32
      %scan3A_70 = arith.addi %scan3A_68, %scan3A_69 : i32
      %scan3A_71 = arith.constant 1 : i32
      scf.for %scan3A_74 = %scan3A_68 to %scan3A_70 step %scan3A_71  : i32 {
        %mul3A_75 = arith.constant 1 : i32
        %mul3A_76 = arith.muli %scan3A_74, %mul3A_75 : i32
        %add3A_77 = arith.constant 0 : i32
        %add3A_78 = arith.addi %add3A_77, %mul3A_76 : i32
        %mul3A_79 = arith.constant 80 : i32
        %mul3A_80 = arith.muli %add3A_78, %mul3A_79 : i32
        %add3A_81 = arith.addi %mul3A_67, %mul3A_80 : i32
        "tpu.region"() ({
          %run_scoped3A = tpu.sem_alloc : memref<!tpu.dma_semaphore, #tpu.memory_space<semaphore_mem>>
          %dma_start3A_108 = tpu.memref_slice %arg7[%add3A_81] : memref<320000xi32, #tpu.memory_space<hbm>> -> memref<80xi32, #tpu.memory_space<hbm>>
          %dma_start3A_109 = tpu.memref_slice %arg7[%add3A_81] : memref<320000xi32, #tpu.memory_space<hbm>> -> memref<80xi32, #tpu.memory_space<hbm>>
          tpu.enqueue_dma source(%dma_start3A_109 : memref<80xi32, #tpu.memory_space<hbm>>) target(%arg17 : memref<80xi32, #tpu.memory_space<vmem>>) target_semaphore(%run_scoped3A : memref<!tpu.dma_semaphore, #tpu.memory_space<semaphore_mem>>)
          %dma_wait3A_110 = tpu.memref_slice %arg7[%add3A_81] : memref<320000xi32, #tpu.memory_space<hbm>> -> memref<80xi32, #tpu.memory_space<hbm>>
          %dma_wait3A_111 = tpu.memref_slice %arg7[%add3A_81] : memref<320000xi32, #tpu.memory_space<hbm>> -> memref<80xi32, #tpu.memory_space<hbm>>
          tpu.wait_dma2 semaphore(%run_scoped3A : memref<!tpu.dma_semaphore, #tpu.memory_space<semaphore_mem>>) src(%dma_wait3A_111 : memref<80xi32, #tpu.memory_space<hbm>>) dst(%arg17 : memref<80xi32, #tpu.memory_space<vmem>>)
          tpu.yield
        }) : () -> ()
        "tpu.region"() ({
          %run_scoped3A = tpu.sem_alloc : memref<!tpu.dma_semaphore, #tpu.memory_space<semaphore_mem>>
          %dma_start3A_108 = tpu.memref_slice %arg8[%add3A_81] : memref<320000xi32, #tpu.memory_space<hbm>> -> memref<80xi32, #tpu.memory_space<hbm>>
          %dma_start3A_109 = tpu.memref_slice %arg8[%add3A_81] : memref<320000xi32, #tpu.memory_space<hbm>> -> memref<80xi32, #tpu.memory_space<hbm>>
          tpu.enqueue_dma source(%dma_start3A_109 : memref<80xi32, #tpu.memory_space<hbm>>) target(%arg18 : memref<80xi32, #tpu.memory_space<vmem>>) target_semaphore(%run_scoped3A : memref<!tpu.dma_semaphore, #tpu.memory_space<semaphore_mem>>)
          %dma_wait3A_110 = tpu.memref_slice %arg8[%add3A_81] : memref<320000xi32, #tpu.memory_space<hbm>> -> memref<80xi32, #tpu.memory_space<hbm>>
          %dma_wait3A_111 = tpu.memref_slice %arg8[%add3A_81] : memref<320000xi32, #tpu.memory_space<hbm>> -> memref<80xi32, #tpu.memory_space<hbm>>
          tpu.wait_dma2 semaphore(%run_scoped3A : memref<!tpu.dma_semaphore, #tpu.memory_space<semaphore_mem>>) src(%dma_wait3A_111 : memref<80xi32, #tpu.memory_space<hbm>>) dst(%arg18 : memref<80xi32, #tpu.memory_space<vmem>>)
          tpu.yield
        }) : () -> ()
        %dma_start3A = arith.constant 0 : i32
        %dma_start3A_82 = arith.constant 0 : i32
        %dma_start3A_83 = tpu.memref_slice %arg3[%dma_start3A, %dma_start3A_82] : memref<10000x64xf32, #tpu.memory_space<hbm>> -> memref<10000x64xf32, #tpu.memory_space<hbm>>
        tpu.enqueue_indirect_dma source(%dma_start3A_83 : memref<10000x64xf32, #tpu.memory_space<hbm>>) target(%arg19 : memref<80x64xf32, #tpu.memory_space<vmem>>) offsets(%arg17 : memref<80xi32, #tpu.memory_space<vmem>>) semaphore(%arg27 : memref<!tpu.dma_semaphore, #tpu.memory_space<semaphore_mem>>)
        %dma_start3A_84 = arith.constant 0 : i32
        %dma_start3A_85 = arith.constant 0 : i32
        %dma_start3A_86 = tpu.memref_slice %arg6[%dma_start3A_84, %dma_start3A_85] : memref<10000x16xf32, #tpu.memory_space<hbm>> -> memref<10000x16xf32, #tpu.memory_space<hbm>>
        tpu.enqueue_indirect_dma source(%dma_start3A_86 : memref<10000x16xf32, #tpu.memory_space<hbm>>) target(%arg20 : memref<80x16xf32, #tpu.memory_space<vmem>>) offsets(%arg17 : memref<80xi32, #tpu.memory_space<vmem>>) semaphore(%arg28 : memref<!tpu.dma_semaphore, #tpu.memory_space<semaphore_mem>>)
        %dma_start3A_87 = arith.constant 0 : i32
        %dma_start3A_88 = arith.constant 0 : i32
        %dma_start3A_89 = tpu.memref_slice %arg6[%dma_start3A_87, %dma_start3A_88] : memref<10000x16xf32, #tpu.memory_space<hbm>> -> memref<10000x16xf32, #tpu.memory_space<hbm>>
        tpu.enqueue_indirect_dma source(%dma_start3A_89 : memref<10000x16xf32, #tpu.memory_space<hbm>>) target(%arg21 : memref<80x16xf32, #tpu.memory_space<vmem>>) offsets(%arg18 : memref<80xi32, #tpu.memory_space<vmem>>) semaphore(%arg29 : memref<!tpu.dma_semaphore, #tpu.memory_space<semaphore_mem>>)
        %dma_wait3A = arith.constant 0 : i32
        %dma_wait3A_90 = arith.constant 0 : i32
        %dma_wait3A_91 = tpu.memref_slice %arg6[%dma_wait3A, %dma_wait3A_90] : memref<10000x16xf32, #tpu.memory_space<hbm>> -> memref<10000x16xf32, #tpu.memory_space<hbm>>
        tpu.wait_indirect_dma semaphore(%arg28 : memref<!tpu.dma_semaphore, #tpu.memory_space<semaphore_mem>>) src(%dma_wait3A_91 : memref<10000x16xf32, #tpu.memory_space<hbm>>) dst(%arg20 : memref<80x16xf32, #tpu.memory_space<vmem>>)
        %dma_wait3A_92 = arith.constant 0 : i32
        %dma_wait3A_93 = arith.constant 0 : i32
        %dma_wait3A_94 = tpu.memref_slice %arg6[%dma_wait3A_92, %dma_wait3A_93] : memref<10000x16xf32, #tpu.memory_space<hbm>> -> memref<10000x16xf32, #tpu.memory_space<hbm>>
        tpu.wait_indirect_dma semaphore(%arg29 : memref<!tpu.dma_semaphore, #tpu.memory_space<semaphore_mem>>) src(%dma_wait3A_94 : memref<10000x16xf32, #tpu.memory_space<hbm>>) dst(%arg21 : memref<80x16xf32, #tpu.memory_space<vmem>>)
        %scan3A_95 = arith.constant 0 : i32
        %scan3A_96 = arith.constant 5 : i32
        %scan3A_97 = arith.addi %scan3A_95, %scan3A_96 : i32
        %scan3A_98 = arith.constant 1 : i32
        scf.for %scan3A_108 = %scan3A_95 to %scan3A_97 step %scan3A_98  : i32 {
          %mul3A_109 = arith.constant 1 : i32
          %mul3A_110 = arith.muli %scan3A_108, %mul3A_109 : i32
          %add3A_111 = arith.constant 0 : i32
          %add3A_112 = arith.addi %add3A_111, %mul3A_110 : i32
          %iota3A = tpu.iota {dimensions = array<i32: 0>} : vector<16xi32>
          %mul3A_113 = arith.constant 16 : i32
          %mul3A_114 = arith.muli %add3A_112, %mul3A_113 : i32
          %add3A_115 = vector.broadcast %mul3A_114 : i32 to vector<16xi32>
          %add3A_116 = arith.addi %iota3A, %add3A_115 : vector<16xi32>
          %broadcast_in_dim3A_117 = arith.constant 1 : i32
          %broadcast_in_dim3A_118 = vector.broadcast %broadcast_in_dim3A_117 : i32 to vector<16xi32>
          %gather3A = tpu.vector_load_idx %arg20[%add3A_116, %broadcast_in_dim3A_118] : memref<80x16xf32, #tpu.memory_space<vmem>>[vector<16xi32>, vector<16xi32>], vector<16xf32>,
          %add3A_119 = arith.constant 4 : i32
          %add3A_120 = vector.broadcast %add3A_119 : i32 to vector<16xi32>
          %add3A_121 = arith.addi %broadcast_in_dim3A_118, %add3A_120 : vector<16xi32>
          %gather3A_122 = tpu.vector_load_idx %arg21[%add3A_116, %add3A_121] : memref<80x16xf32, #tpu.memory_space<vmem>>[vector<16xi32>, vector<16xi32>], vector<16xf32>,
          %add3A_123 = arith.addf %gather3A, %gather3A_122 : vector<16xf32>
          %gt3A = arith.constant 0.000000e+00 : f32
          %gt3A_124 = vector.broadcast %gt3A : f32 to vector<16xf32>
          %gt3A_125 = arith.cmpf ogt, %add3A_123, %gt3A_124 : vector<16xf32>
          %mul3A_126 = arith.constant 2.000000e-01 : f32
          %mul3A_127 = vector.broadcast %mul3A_126 : f32 to vector<16xf32>
          %mul3A_128 = arith.mulf %mul3A_127, %add3A_123 : vector<16xf32>
          %select_n3A = arith.select %gt3A_125, %add3A_123, %mul3A_128 : vector<16xi1>, vector<16xf32>
          %exp3A = math.exp %select_n3A : vector<16xf32>
          %broadcast_in_dim3A_129 = arith.constant 0 : i32
          %broadcast_in_dim3A_130 = vector.broadcast %broadcast_in_dim3A_129 : i32 to vector<16xi32>
          tpu.vector_store_idx %arg22[%add3A_116, %broadcast_in_dim3A_130], %exp3A : memref<80x16xf32, #tpu.memory_space<vmem>>[vector<16xi32>, vector<16xi32>], vector<16xf32>,
        }
        %scan3A_99 = arith.constant 5 : i32
        %dma_wait3A_100 = arith.constant 0 : i32
        %dma_wait3A_101 = arith.constant 0 : i32
        %dma_wait3A_102 = tpu.memref_slice %arg3[%dma_wait3A_100, %dma_wait3A_101] : memref<10000x64xf32, #tpu.memory_space<hbm>> -> memref<10000x64xf32, #tpu.memory_space<hbm>>
        tpu.wait_indirect_dma semaphore(%arg27 : memref<!tpu.dma_semaphore, #tpu.memory_space<semaphore_mem>>) src(%dma_wait3A_102 : memref<10000x64xf32, #tpu.memory_space<hbm>>) dst(%arg19 : memref<80x64xf32, #tpu.memory_space<vmem>>)
        %scan3A_103 = arith.constant 0 : i32
        %scan3A_104 = arith.constant 80 : i32
        %scan3A_105 = arith.addi %scan3A_103, %scan3A_104 : i32
        %scan3A_106 = arith.constant 1 : i32
        scf.for %scan3A_108 = %scan3A_103 to %scan3A_105 step %scan3A_106  : i32 {
          %mul3A_109 = arith.constant 1 : i32
          %mul3A_110 = arith.muli %scan3A_108, %mul3A_109 : i32
          %add3A_111 = arith.constant 0 : i32
          %add3A_112 = arith.addi %add3A_111, %mul3A_110 : i32
          %get3A = arith.index_cast %add3A_112 : i32 to index
          %get3A_113 = arith.constant 0 : index
          %get3A_114 = tpu.vector_load %arg22[%get3A, %get3A_113] {strides = array<i32>} : memref<80x16xf32, #tpu.memory_space<vmem>>, vector<16xf32>,
          %slice3A = vector.extract_strided_slice %get3A_114 {offsets = [0], sizes = [1], strides = [1]} : vector<16xf32> to vector<1xf32>
          %squeeze3A = vector.extract %slice3A[0] : f32 from vector<1xf32>
          %get3A_115 = arith.index_cast %add3A_112 : i32 to index
          %get3A_116 = arith.constant 0 : index
          %get3A_117 = tpu.vector_load %arg19[%get3A_115, %get3A_116] {strides = array<i32>} : memref<80x64xf32, #tpu.memory_space<vmem>>, vector<16xf32>,
          %mul3A_118 = vector.broadcast %squeeze3A : f32 to vector<16xf32>
          %mul3A_119 = arith.mulf %get3A_117, %mul3A_118 : vector<16xf32>
          %swap3A = arith.index_cast %add3A_112 : i32 to index
          %swap3A_120 = arith.constant 0 : index
          %swap3A_121 = tpu.vector_load %arg19[%swap3A, %swap3A_120] {strides = array<i32>} : memref<80x64xf32, #tpu.memory_space<vmem>>, vector<16xf32>,
          tpu.vector_store %arg19[%swap3A, %swap3A_120], %mul3A_119 {strides = array<i32>} : memref<80x64xf32, #tpu.memory_space<vmem>>, vector<16xf32>,
          %get3A_122 = arith.index_cast %add3A_112 : i32 to index
          %get3A_123 = arith.constant 16 : index
          %get3A_124 = tpu.vector_load %arg19[%get3A_122, %get3A_123] {strides = array<i32>} : memref<80x64xf32, #tpu.memory_space<vmem>>, vector<16xf32>,
          %mul3A_125 = vector.broadcast %squeeze3A : f32 to vector<16xf32>
          %mul3A_126 = arith.mulf %get3A_124, %mul3A_125 : vector<16xf32>
          %swap3A_127 = arith.index_cast %add3A_112 : i32 to index
          %swap3A_128 = arith.constant 16 : index
          %swap3A_129 = tpu.vector_load %arg19[%swap3A_127, %swap3A_128] {strides = array<i32>} : memref<80x64xf32, #tpu.memory_space<vmem>>, vector<16xf32>,
          tpu.vector_store %arg19[%swap3A_127, %swap3A_128], %mul3A_126 {strides = array<i32>} : memref<80x64xf32, #tpu.memory_space<vmem>>, vector<16xf32>,
          %get3A_130 = arith.index_cast %add3A_112 : i32 to index
          %get3A_131 = arith.constant 32 : index
          %get3A_132 = tpu.vector_load %arg19[%get3A_130, %get3A_131] {strides = array<i32>} : memref<80x64xf32, #tpu.memory_space<vmem>>, vector<16xf32>,
          %mul3A_133 = vector.broadcast %squeeze3A : f32 to vector<16xf32>
          %mul3A_134 = arith.mulf %get3A_132, %mul3A_133 : vector<16xf32>
          %swap3A_135 = arith.index_cast %add3A_112 : i32 to index
          %swap3A_136 = arith.constant 32 : index
          %swap3A_137 = tpu.vector_load %arg19[%swap3A_135, %swap3A_136] {strides = array<i32>} : memref<80x64xf32, #tpu.memory_space<vmem>>, vector<16xf32>,
          tpu.vector_store %arg19[%swap3A_135, %swap3A_136], %mul3A_134 {strides = array<i32>} : memref<80x64xf32, #tpu.memory_space<vmem>>, vector<16xf32>,
          %get3A_138 = arith.index_cast %add3A_112 : i32 to index
          %get3A_139 = arith.constant 48 : index
          %get3A_140 = tpu.vector_load %arg19[%get3A_138, %get3A_139] {strides = array<i32>} : memref<80x64xf32, #tpu.memory_space<vmem>>, vector<16xf32>,
          %mul3A_141 = vector.broadcast %squeeze3A : f32 to vector<16xf32>
          %mul3A_142 = arith.mulf %get3A_140, %mul3A_141 : vector<16xf32>
          %swap3A_143 = arith.index_cast %add3A_112 : i32 to index
          %swap3A_144 = arith.constant 48 : index
          %swap3A_145 = tpu.vector_load %arg19[%swap3A_143, %swap3A_144] {strides = array<i32>} : memref<80x64xf32, #tpu.memory_space<vmem>>, vector<16xf32>,
          tpu.vector_store %arg19[%swap3A_143, %swap3A_144], %mul3A_142 {strides = array<i32>} : memref<80x64xf32, #tpu.memory_space<vmem>>, vector<16xf32>,
        }
        %scan3A_107 = arith.constant 80 : i32
      }
      %scan3A_72 = arith.constant 250 : i32
      %barrier3A_73 = arith.constant 0 : index
      tpu.barrier barrier_id(%barrier3A_73)
      "tpu.region"() ({
        %run_scoped3A = tpu.sem_alloc : memref<!tpu.dma_semaphore, #tpu.memory_space<semaphore_mem>>
        %dma_start3A = arith.constant 0 : i32
        %dma_start3A_74 = tpu.memref_slice %arg10[%mul3A_10, %dma_start3A] : memref<10240x64xf32, #tpu.memory_space<hbm>> -> memref<640x64xf32, #tpu.memory_space<hbm>>
        %dma_start3A_75 = arith.constant 0 : i32
        %dma_start3A_76 = tpu.memref_slice %arg25[%mul3A_10, %dma_start3A_75] : memref<10240x64xf32, #tpu.memory_space<vmem_shared>> -> memref<640x64xf32, #tpu.memory_space<vmem_shared>>
        tpu.enqueue_dma source(%dma_start3A_76 : memref<640x64xf32, #tpu.memory_space<vmem_shared>>) target(%dma_start3A_74 : memref<640x64xf32, #tpu.memory_space<hbm>>) target_semaphore(%run_scoped3A : memref<!tpu.dma_semaphore, #tpu.memory_space<semaphore_mem>>)
        %dma_wait3A = arith.constant 0 : i32
        %dma_wait3A_77 = tpu.memref_slice %arg10[%mul3A_10, %dma_wait3A] : memref<10240x64xf32, #tpu.memory_space<hbm>> -> memref<640x64xf32, #tpu.memory_space<hbm>>
        %dma_wait3A_78 = arith.constant 0 : i32
        %dma_wait3A_79 = tpu.memref_slice %arg25[%mul3A_10, %dma_wait3A_78] : memref<10240x64xf32, #tpu.memory_space<vmem_shared>> -> memref<640x64xf32, #tpu.memory_space<vmem_shared>>
        tpu.wait_dma2 semaphore(%run_scoped3A : memref<!tpu.dma_semaphore, #tpu.memory_space<semaphore_mem>>) src(%dma_wait3A_79 : memref<640x64xf32, #tpu.memory_space<vmem_shared>>) dst(%dma_wait3A_77 : memref<640x64xf32, #tpu.memory_space<hbm>>)
        tpu.yield
      }) : () -> ()
      "tpu.region"() ({
        %run_scoped3A = tpu.sem_alloc : memref<!tpu.dma_semaphore, #tpu.memory_space<semaphore_mem>>
        %dma_start3A = arith.constant 0 : i32
        %dma_start3A_74 = tpu.memref_slice %arg14[%mul3A_10, %dma_start3A] : memref<10240x16xf32, #tpu.memory_space<hbm>> -> memref<640x16xf32, #tpu.memory_space<hbm>>
        %dma_start3A_75 = arith.constant 0 : i32
        %dma_start3A_76 = tpu.memref_slice %arg26[%mul3A_10, %dma_start3A_75] : memref<10240x16xf32, #tpu.memory_space<vmem_shared>> -> memref<640x16xf32, #tpu.memory_space<vmem_shared>>
        tpu.enqueue_dma source(%dma_start3A_76 : memref<640x16xf32, #tpu.memory_space<vmem_shared>>) target(%dma_start3A_74 : memref<640x16xf32, #tpu.memory_space<hbm>>) target_semaphore(%run_scoped3A : memref<!tpu.dma_semaphore, #tpu.memory_space<semaphore_mem>>)
        %dma_wait3A = arith.constant 0 : i32
        %dma_wait3A_77 = tpu.memref_slice %arg14[%mul3A_10, %dma_wait3A] : memref<10240x16xf32, #tpu.memory_space<hbm>> -> memref<640x16xf32, #tpu.memory_space<hbm>>
        %dma_wait3A_78 = arith.constant 0 : i32
        %dma_wait3A_79 = tpu.memref_slice %arg26[%mul3A_10, %dma_wait3A_78] : memref<10240x16xf32, #tpu.memory_space<vmem_shared>> -> memref<640x16xf32, #tpu.memory_space<vmem_shared>>
        tpu.wait_dma2 semaphore(%run_scoped3A : memref<!tpu.dma_semaphore, #tpu.memory_space<semaphore_mem>>) src(%dma_wait3A_79 : memref<640x16xf32, #tpu.memory_space<vmem_shared>>) dst(%dma_wait3A_77 : memref<640x16xf32, #tpu.memory_space<hbm>>)
        tpu.yield
      }) : () -> ()
    } else {
    }
    %eq3A_13 = arith.constant 1 : i32
    %eq3A_14 = arith.cmpi eq, %arg0, %eq3A_13 : i32
    %convert_element_type3A_15 = arith.extui %eq3A_14 : i1 to i32
    %cond3A_16 = arith.constant 0 : i32
    %cond3A_17 = arith.cmpi ne, %convert_element_type3A_15, %cond3A_16 : i32
    scf.if %cond3A_17 {
      %add3A = arith.constant 0 : i32
      %add3A_18 = arith.addi %mul3A_10, %add3A : i32
      "tpu.region"() ({
        %run_scoped3A = tpu.sem_alloc : memref<!tpu.dma_semaphore, #tpu.memory_space<semaphore_mem>>
        %dma_start3A = arith.constant 0 : i32
        %dma_start3A_74 = tpu.memref_slice %arg25[%add3A_18, %dma_start3A] : memref<10240x64xf32, #tpu.memory_space<vmem_shared>> -> memref<128x64xf32, #tpu.memory_space<vmem_shared>>
        %dma_start3A_75 = arith.constant 0 : i32
        %dma_start3A_76 = tpu.memref_slice %arg25[%add3A_18, %dma_start3A_75] : memref<10240x64xf32, #tpu.memory_space<vmem_shared>> -> memref<128x64xf32, #tpu.memory_space<vmem_shared>>
        tpu.enqueue_dma source(%arg23 : memref<128x64xf32, #tpu.memory_space<vmem>>) target(%dma_start3A_76 : memref<128x64xf32, #tpu.memory_space<vmem_shared>>) target_semaphore(%run_scoped3A : memref<!tpu.dma_semaphore, #tpu.memory_space<semaphore_mem>>)
        %dma_wait3A = arith.constant 0 : i32
        %dma_wait3A_77 = tpu.memref_slice %arg25[%add3A_18, %dma_wait3A] : memref<10240x64xf32, #tpu.memory_space<vmem_shared>> -> memref<128x64xf32, #tpu.memory_space<vmem_shared>>
        %dma_wait3A_78 = arith.constant 0 : i32
        %dma_wait3A_79 = tpu.memref_slice %arg25[%add3A_18, %dma_wait3A_78] : memref<10240x64xf32, #tpu.memory_space<vmem_shared>> -> memref<128x64xf32, #tpu.memory_space<vmem_shared>>
        tpu.wait_dma2 semaphore(%run_scoped3A : memref<!tpu.dma_semaphore, #tpu.memory_space<semaphore_mem>>) src(%arg23 : memref<128x64xf32, #tpu.memory_space<vmem>>) dst(%dma_wait3A_79 : memref<128x64xf32, #tpu.memory_space<vmem_shared>>)
        tpu.yield
      }) : () -> ()
      %add3A_19 = arith.constant 0 : i32
      %add3A_20 = arith.addi %mul3A_10, %add3A_19 : i32
      "tpu.region"() ({
        %run_scoped3A = tpu.sem_alloc : memref<!tpu.dma_semaphore, #tpu.memory_space<semaphore_mem>>
        %dma_start3A = arith.constant 0 : i32
        %dma_start3A_74 = tpu.memref_slice %arg26[%add3A_20, %dma_start3A] : memref<10240x16xf32, #tpu.memory_space<vmem_shared>> -> memref<128x16xf32, #tpu.memory_space<vmem_shared>>
        %dma_start3A_75 = arith.constant 0 : i32
        %dma_start3A_76 = tpu.memref_slice %arg26[%add3A_20, %dma_start3A_75] : memref<10240x16xf32, #tpu.memory_space<vmem_shared>> -> memref<128x16xf32, #tpu.memory_space<vmem_shared>>
        tpu.enqueue_dma source(%arg24 : memref<128x16xf32, #tpu.memory_space<vmem>>) target(%dma_start3A_76 : memref<128x16xf32, #tpu.memory_space<vmem_shared>>) target_semaphore(%run_scoped3A : memref<!tpu.dma_semaphore, #tpu.memory_space<semaphore_mem>>)
        %dma_wait3A = arith.constant 0 : i32
        %dma_wait3A_77 = tpu.memref_slice %arg26[%add3A_20, %dma_wait3A] : memref<10240x16xf32, #tpu.memory_space<vmem_shared>> -> memref<128x16xf32, #tpu.memory_space<vmem_shared>>
        %dma_wait3A_78 = arith.constant 0 : i32
        %dma_wait3A_79 = tpu.memref_slice %arg26[%add3A_20, %dma_wait3A_78] : memref<10240x16xf32, #tpu.memory_space<vmem_shared>> -> memref<128x16xf32, #tpu.memory_space<vmem_shared>>
        tpu.wait_dma2 semaphore(%run_scoped3A : memref<!tpu.dma_semaphore, #tpu.memory_space<semaphore_mem>>) src(%arg24 : memref<128x16xf32, #tpu.memory_space<vmem>>) dst(%dma_wait3A_79 : memref<128x16xf32, #tpu.memory_space<vmem_shared>>)
        tpu.yield
      }) : () -> ()
      %add3A_21 = arith.constant 128 : i32
      %add3A_22 = arith.addi %mul3A_10, %add3A_21 : i32
      "tpu.region"() ({
        %run_scoped3A = tpu.sem_alloc : memref<!tpu.dma_semaphore, #tpu.memory_space<semaphore_mem>>
        %dma_start3A = arith.constant 0 : i32
        %dma_start3A_74 = tpu.memref_slice %arg25[%add3A_22, %dma_start3A] : memref<10240x64xf32, #tpu.memory_space<vmem_shared>> -> memref<128x64xf32, #tpu.memory_space<vmem_shared>>
        %dma_start3A_75 = arith.constant 0 : i32
        %dma_start3A_76 = tpu.memref_slice %arg25[%add3A_22, %dma_start3A_75] : memref<10240x64xf32, #tpu.memory_space<vmem_shared>> -> memref<128x64xf32, #tpu.memory_space<vmem_shared>>
        tpu.enqueue_dma source(%arg23 : memref<128x64xf32, #tpu.memory_space<vmem>>) target(%dma_start3A_76 : memref<128x64xf32, #tpu.memory_space<vmem_shared>>) target_semaphore(%run_scoped3A : memref<!tpu.dma_semaphore, #tpu.memory_space<semaphore_mem>>)
        %dma_wait3A = arith.constant 0 : i32
        %dma_wait3A_77 = tpu.memref_slice %arg25[%add3A_22, %dma_wait3A] : memref<10240x64xf32, #tpu.memory_space<vmem_shared>> -> memref<128x64xf32, #tpu.memory_space<vmem_shared>>
        %dma_wait3A_78 = arith.constant 0 : i32
        %dma_wait3A_79 = tpu.memref_slice %arg25[%add3A_22, %dma_wait3A_78] : memref<10240x64xf32, #tpu.memory_space<vmem_shared>> -> memref<128x64xf32, #tpu.memory_space<vmem_shared>>
        tpu.wait_dma2 semaphore(%run_scoped3A : memref<!tpu.dma_semaphore, #tpu.memory_space<semaphore_mem>>) src(%arg23 : memref<128x64xf32, #tpu.memory_space<vmem>>) dst(%dma_wait3A_79 : memref<128x64xf32, #tpu.memory_space<vmem_shared>>)
        tpu.yield
      }) : () -> ()
      %add3A_23 = arith.constant 128 : i32
      %add3A_24 = arith.addi %mul3A_10, %add3A_23 : i32
      "tpu.region"() ({
        %run_scoped3A = tpu.sem_alloc : memref<!tpu.dma_semaphore, #tpu.memory_space<semaphore_mem>>
        %dma_start3A = arith.constant 0 : i32
        %dma_start3A_74 = tpu.memref_slice %arg26[%add3A_24, %dma_start3A] : memref<10240x16xf32, #tpu.memory_space<vmem_shared>> -> memref<128x16xf32, #tpu.memory_space<vmem_shared>>
        %dma_start3A_75 = arith.constant 0 : i32
        %dma_start3A_76 = tpu.memref_slice %arg26[%add3A_24, %dma_start3A_75] : memref<10240x16xf32, #tpu.memory_space<vmem_shared>> -> memref<128x16xf32, #tpu.memory_space<vmem_shared>>
        tpu.enqueue_dma source(%arg24 : memref<128x16xf32, #tpu.memory_space<vmem>>) target(%dma_start3A_76 : memref<128x16xf32, #tpu.memory_space<vmem_shared>>) target_semaphore(%run_scoped3A : memref<!tpu.dma_semaphore, #tpu.memory_space<semaphore_mem>>)
        %dma_wait3A = arith.constant 0 : i32
        %dma_wait3A_77 = tpu.memref_slice %arg26[%add3A_24, %dma_wait3A] : memref<10240x16xf32, #tpu.memory_space<vmem_shared>> -> memref<128x16xf32, #tpu.memory_space<vmem_shared>>
        %dma_wait3A_78 = arith.constant 0 : i32
        %dma_wait3A_79 = tpu.memref_slice %arg26[%add3A_24, %dma_wait3A_78] : memref<10240x16xf32, #tpu.memory_space<vmem_shared>> -> memref<128x16xf32, #tpu.memory_space<vmem_shared>>
        tpu.wait_dma2 semaphore(%run_scoped3A : memref<!tpu.dma_semaphore, #tpu.memory_space<semaphore_mem>>) src(%arg24 : memref<128x16xf32, #tpu.memory_space<vmem>>) dst(%dma_wait3A_79 : memref<128x16xf32, #tpu.memory_space<vmem_shared>>)
        tpu.yield
      }) : () -> ()
      %add3A_25 = arith.constant 256 : i32
      %add3A_26 = arith.addi %mul3A_10, %add3A_25 : i32
      "tpu.region"() ({
        %run_scoped3A = tpu.sem_alloc : memref<!tpu.dma_semaphore, #tpu.memory_space<semaphore_mem>>
        %dma_start3A = arith.constant 0 : i32
        %dma_start3A_74 = tpu.memref_slice %arg25[%add3A_26, %dma_start3A] : memref<10240x64xf32, #tpu.memory_space<vmem_shared>> -> memref<128x64xf32, #tpu.memory_space<vmem_shared>>
        %dma_start3A_75 = arith.constant 0 : i32
        %dma_start3A_76 = tpu.memref_slice %arg25[%add3A_26, %dma_start3A_75] : memref<10240x64xf32, #tpu.memory_space<vmem_shared>> -> memref<128x64xf32, #tpu.memory_space<vmem_shared>>
        tpu.enqueue_dma source(%arg23 : memref<128x64xf32, #tpu.memory_space<vmem>>) target(%dma_start3A_76 : memref<128x64xf32, #tpu.memory_space<vmem_shared>>) target_semaphore(%run_scoped3A : memref<!tpu.dma_semaphore, #tpu.memory_space<semaphore_mem>>)
        %dma_wait3A = arith.constant 0 : i32
        %dma_wait3A_77 = tpu.memref_slice %arg25[%add3A_26, %dma_wait3A] : memref<10240x64xf32, #tpu.memory_space<vmem_shared>> -> memref<128x64xf32, #tpu.memory_space<vmem_shared>>
        %dma_wait3A_78 = arith.constant 0 : i32
        %dma_wait3A_79 = tpu.memref_slice %arg25[%add3A_26, %dma_wait3A_78] : memref<10240x64xf32, #tpu.memory_space<vmem_shared>> -> memref<128x64xf32, #tpu.memory_space<vmem_shared>>
        tpu.wait_dma2 semaphore(%run_scoped3A : memref<!tpu.dma_semaphore, #tpu.memory_space<semaphore_mem>>) src(%arg23 : memref<128x64xf32, #tpu.memory_space<vmem>>) dst(%dma_wait3A_79 : memref<128x64xf32, #tpu.memory_space<vmem_shared>>)
        tpu.yield
      }) : () -> ()
      %add3A_27 = arith.constant 256 : i32
      %add3A_28 = arith.addi %mul3A_10, %add3A_27 : i32
      "tpu.region"() ({
        %run_scoped3A = tpu.sem_alloc : memref<!tpu.dma_semaphore, #tpu.memory_space<semaphore_mem>>
        %dma_start3A = arith.constant 0 : i32
        %dma_start3A_74 = tpu.memref_slice %arg26[%add3A_28, %dma_start3A] : memref<10240x16xf32, #tpu.memory_space<vmem_shared>> -> memref<128x16xf32, #tpu.memory_space<vmem_shared>>
        %dma_start3A_75 = arith.constant 0 : i32
        %dma_start3A_76 = tpu.memref_slice %arg26[%add3A_28, %dma_start3A_75] : memref<10240x16xf32, #tpu.memory_space<vmem_shared>> -> memref<128x16xf32, #tpu.memory_space<vmem_shared>>
        tpu.enqueue_dma source(%arg24 : memref<128x16xf32, #tpu.memory_space<vmem>>) target(%dma_start3A_76 : memref<128x16xf32, #tpu.memory_space<vmem_shared>>) target_semaphore(%run_scoped3A : memref<!tpu.dma_semaphore, #tpu.memory_space<semaphore_mem>>)
        %dma_wait3A = arith.constant 0 : i32
        %dma_wait3A_77 = tpu.memref_slice %arg26[%add3A_28, %dma_wait3A] : memref<10240x16xf32, #tpu.memory_space<vmem_shared>> -> memref<128x16xf32, #tpu.memory_space<vmem_shared>>
        %dma_wait3A_78 = arith.constant 0 : i32
        %dma_wait3A_79 = tpu.memref_slice %arg26[%add3A_28, %dma_wait3A_78] : memref<10240x16xf32, #tpu.memory_space<vmem_shared>> -> memref<128x16xf32, #tpu.memory_space<vmem_shared>>
        tpu.wait_dma2 semaphore(%run_scoped3A : memref<!tpu.dma_semaphore, #tpu.memory_space<semaphore_mem>>) src(%arg24 : memref<128x16xf32, #tpu.memory_space<vmem>>) dst(%dma_wait3A_79 : memref<128x16xf32, #tpu.memory_space<vmem_shared>>)
        tpu.yield
      }) : () -> ()
      %add3A_29 = arith.constant 384 : i32
      %add3A_30 = arith.addi %mul3A_10, %add3A_29 : i32
      "tpu.region"() ({
        %run_scoped3A = tpu.sem_alloc : memref<!tpu.dma_semaphore, #tpu.memory_space<semaphore_mem>>
        %dma_start3A = arith.constant 0 : i32
        %dma_start3A_74 = tpu.memref_slice %arg25[%add3A_30, %dma_start3A] : memref<10240x64xf32, #tpu.memory_space<vmem_shared>> -> memref<128x64xf32, #tpu.memory_space<vmem_shared>>
        %dma_start3A_75 = arith.constant 0 : i32
        %dma_start3A_76 = tpu.memref_slice %arg25[%add3A_30, %dma_start3A_75] : memref<10240x64xf32, #tpu.memory_space<vmem_shared>> -> memref<128x64xf32, #tpu.memory_space<vmem_shared>>
        tpu.enqueue_dma source(%arg23 : memref<128x64xf32, #tpu.memory_space<vmem>>) target(%dma_start3A_76 : memref<128x64xf32, #tpu.memory_space<vmem_shared>>) target_semaphore(%run_scoped3A : memref<!tpu.dma_semaphore, #tpu.memory_space<semaphore_mem>>)
        %dma_wait3A = arith.constant 0 : i32
        %dma_wait3A_77 = tpu.memref_slice %arg25[%add3A_30, %dma_wait3A] : memref<10240x64xf32, #tpu.memory_space<vmem_shared>> -> memref<128x64xf32, #tpu.memory_space<vmem_shared>>
        %dma_wait3A_78 = arith.constant 0 : i32
        %dma_wait3A_79 = tpu.memref_slice %arg25[%add3A_30, %dma_wait3A_78] : memref<10240x64xf32, #tpu.memory_space<vmem_shared>> -> memref<128x64xf32, #tpu.memory_space<vmem_shared>>
        tpu.wait_dma2 semaphore(%run_scoped3A : memref<!tpu.dma_semaphore, #tpu.memory_space<semaphore_mem>>) src(%arg23 : memref<128x64xf32, #tpu.memory_space<vmem>>) dst(%dma_wait3A_79 : memref<128x64xf32, #tpu.memory_space<vmem_shared>>)
        tpu.yield
      }) : () -> ()
      %add3A_31 = arith.constant 384 : i32
      %add3A_32 = arith.addi %mul3A_10, %add3A_31 : i32
      "tpu.region"() ({
        %run_scoped3A = tpu.sem_alloc : memref<!tpu.dma_semaphore, #tpu.memory_space<semaphore_mem>>
        %dma_start3A = arith.constant 0 : i32
        %dma_start3A_74 = tpu.memref_slice %arg26[%add3A_32, %dma_start3A] : memref<10240x16xf32, #tpu.memory_space<vmem_shared>> -> memref<128x16xf32, #tpu.memory_space<vmem_shared>>
        %dma_start3A_75 = arith.constant 0 : i32
        %dma_start3A_76 = tpu.memref_slice %arg26[%add3A_32, %dma_start3A_75] : memref<10240x16xf32, #tpu.memory_space<vmem_shared>> -> memref<128x16xf32, #tpu.memory_space<vmem_shared>>
        tpu.enqueue_dma source(%arg24 : memref<128x16xf32, #tpu.memory_space<vmem>>) target(%dma_start3A_76 : memref<128x16xf32, #tpu.memory_space<vmem_shared>>) target_semaphore(%run_scoped3A : memref<!tpu.dma_semaphore, #tpu.memory_space<semaphore_mem>>)
        %dma_wait3A = arith.constant 0 : i32
        %dma_wait3A_77 = tpu.memref_slice %arg26[%add3A_32, %dma_wait3A] : memref<10240x16xf32, #tpu.memory_space<vmem_shared>> -> memref<128x16xf32, #tpu.memory_space<vmem_shared>>
        %dma_wait3A_78 = arith.constant 0 : i32
        %dma_wait3A_79 = tpu.memref_slice %arg26[%add3A_32, %dma_wait3A_78] : memref<10240x16xf32, #tpu.memory_space<vmem_shared>> -> memref<128x16xf32, #tpu.memory_space<vmem_shared>>
        tpu.wait_dma2 semaphore(%run_scoped3A : memref<!tpu.dma_semaphore, #tpu.memory_space<semaphore_mem>>) src(%arg24 : memref<128x16xf32, #tpu.memory_space<vmem>>) dst(%dma_wait3A_79 : memref<128x16xf32, #tpu.memory_space<vmem_shared>>)
        tpu.yield
      }) : () -> ()
      %add3A_33 = arith.constant 512 : i32
      %add3A_34 = arith.addi %mul3A_10, %add3A_33 : i32
      "tpu.region"() ({
        %run_scoped3A = tpu.sem_alloc : memref<!tpu.dma_semaphore, #tpu.memory_space<semaphore_mem>>
        %dma_start3A = arith.constant 0 : i32
        %dma_start3A_74 = tpu.memref_slice %arg25[%add3A_34, %dma_start3A] : memref<10240x64xf32, #tpu.memory_space<vmem_shared>> -> memref<128x64xf32, #tpu.memory_space<vmem_shared>>
        %dma_start3A_75 = arith.constant 0 : i32
        %dma_start3A_76 = tpu.memref_slice %arg25[%add3A_34, %dma_start3A_75] : memref<10240x64xf32, #tpu.memory_space<vmem_shared>> -> memref<128x64xf32, #tpu.memory_space<vmem_shared>>
        tpu.enqueue_dma source(%arg23 : memref<128x64xf32, #tpu.memory_space<vmem>>) target(%dma_start3A_76 : memref<128x64xf32, #tpu.memory_space<vmem_shared>>) target_semaphore(%run_scoped3A : memref<!tpu.dma_semaphore, #tpu.memory_space<semaphore_mem>>)
        %dma_wait3A = arith.constant 0 : i32
        %dma_wait3A_77 = tpu.memref_slice %arg25[%add3A_34, %dma_wait3A] : memref<10240x64xf32, #tpu.memory_space<vmem_shared>> -> memref<128x64xf32, #tpu.memory_space<vmem_shared>>
        %dma_wait3A_78 = arith.constant 0 : i32
        %dma_wait3A_79 = tpu.memref_slice %arg25[%add3A_34, %dma_wait3A_78] : memref<10240x64xf32, #tpu.memory_space<vmem_shared>> -> memref<128x64xf32, #tpu.memory_space<vmem_shared>>
        tpu.wait_dma2 semaphore(%run_scoped3A : memref<!tpu.dma_semaphore, #tpu.memory_space<semaphore_mem>>) src(%arg23 : memref<128x64xf32, #tpu.memory_space<vmem>>) dst(%dma_wait3A_79 : memref<128x64xf32, #tpu.memory_space<vmem_shared>>)
        tpu.yield
      }) : () -> ()
      %add3A_35 = arith.constant 512 : i32
      %add3A_36 = arith.addi %mul3A_10, %add3A_35 : i32
      "tpu.region"() ({
        %run_scoped3A = tpu.sem_alloc : memref<!tpu.dma_semaphore, #tpu.memory_space<semaphore_mem>>
        %dma_start3A = arith.constant 0 : i32
        %dma_start3A_74 = tpu.memref_slice %arg26[%add3A_36, %dma_start3A] : memref<10240x16xf32, #tpu.memory_space<vmem_shared>> -> memref<128x16xf32, #tpu.memory_space<vmem_shared>>
        %dma_start3A_75 = arith.constant 0 : i32
        %dma_start3A_76 = tpu.memref_slice %arg26[%add3A_36, %dma_start3A_75] : memref<10240x16xf32, #tpu.memory_space<vmem_shared>> -> memref<128x16xf32, #tpu.memory_space<vmem_shared>>
        tpu.enqueue_dma source(%arg24 : memref<128x16xf32, #tpu.memory_space<vmem>>) target(%dma_start3A_76 : memref<128x16xf32, #tpu.memory_space<vmem_shared>>) target_semaphore(%run_scoped3A : memref<!tpu.dma_semaphore, #tpu.memory_space<semaphore_mem>>)
        %dma_wait3A = arith.constant 0 : i32
        %dma_wait3A_77 = tpu.memref_slice %arg26[%add3A_36, %dma_wait3A] : memref<10240x16xf32, #tpu.memory_space<vmem_shared>> -> memref<128x16xf32, #tpu.memory_space<vmem_shared>>
        %dma_wait3A_78 = arith.constant 0 : i32
        %dma_wait3A_79 = tpu.memref_slice %arg26[%add3A_36, %dma_wait3A_78] : memref<10240x16xf32, #tpu.memory_space<vmem_shared>> -> memref<128x16xf32, #tpu.memory_space<vmem_shared>>
        tpu.wait_dma2 semaphore(%run_scoped3A : memref<!tpu.dma_semaphore, #tpu.memory_space<semaphore_mem>>) src(%arg24 : memref<128x16xf32, #tpu.memory_space<vmem>>) dst(%dma_wait3A_79 : memref<128x16xf32, #tpu.memory_space<vmem_shared>>)
        tpu.yield
      }) : () -> ()
      %barrier3A = arith.constant 0 : index
      tpu.barrier barrier_id(%barrier3A)
      %mul3A_37 = arith.constant 20000 : i32
      %mul3A_38 = arith.muli %arg1, %mul3A_37 : i32
      %scan3A_39 = arith.constant 0 : i32
      %scan3A_40 = arith.constant 250 : i32
      %scan3A_41 = arith.addi %scan3A_39, %scan3A_40 : i32
      %scan3A_42 = arith.constant 1 : i32
      scf.for %scan3A_74 = %scan3A_39 to %scan3A_41 step %scan3A_42  : i32 {
        %mul3A_75 = arith.constant 1 : i32
        %mul3A_76 = arith.muli %scan3A_74, %mul3A_75 : i32
        %add3A_77 = arith.constant 0 : i32
        %add3A_78 = arith.addi %add3A_77, %mul3A_76 : i32
        %mul3A_79 = arith.constant 80 : i32
        %mul3A_80 = arith.muli %add3A_78, %mul3A_79 : i32
        %add3A_81 = arith.addi %mul3A_38, %mul3A_80 : i32
        "tpu.region"() ({
          %run_scoped3A = tpu.sem_alloc : memref<!tpu.dma_semaphore, #tpu.memory_space<semaphore_mem>>
          %dma_start3A_108 = tpu.memref_slice %arg7[%add3A_81] : memref<320000xi32, #tpu.memory_space<hbm>> -> memref<80xi32, #tpu.memory_space<hbm>>
          %dma_start3A_109 = tpu.memref_slice %arg7[%add3A_81] : memref<320000xi32, #tpu.memory_space<hbm>> -> memref<80xi32, #tpu.memory_space<hbm>>
          tpu.enqueue_dma source(%dma_start3A_109 : memref<80xi32, #tpu.memory_space<hbm>>) target(%arg17 : memref<80xi32, #tpu.memory_space<vmem>>) target_semaphore(%run_scoped3A : memref<!tpu.dma_semaphore, #tpu.memory_space<semaphore_mem>>)
          %dma_wait3A_110 = tpu.memref_slice %arg7[%add3A_81] : memref<320000xi32, #tpu.memory_space<hbm>> -> memref<80xi32, #tpu.memory_space<hbm>>
          %dma_wait3A_111 = tpu.memref_slice %arg7[%add3A_81] : memref<320000xi32, #tpu.memory_space<hbm>> -> memref<80xi32, #tpu.memory_space<hbm>>
          tpu.wait_dma2 semaphore(%run_scoped3A : memref<!tpu.dma_semaphore, #tpu.memory_space<semaphore_mem>>) src(%dma_wait3A_111 : memref<80xi32, #tpu.memory_space<hbm>>) dst(%arg17 : memref<80xi32, #tpu.memory_space<vmem>>)
          tpu.yield
        }) : () -> ()
        "tpu.region"() ({
          %run_scoped3A = tpu.sem_alloc : memref<!tpu.dma_semaphore, #tpu.memory_space<semaphore_mem>>
          %dma_start3A_108 = tpu.memref_slice %arg8[%add3A_81] : memref<320000xi32, #tpu.memory_space<hbm>> -> memref<80xi32, #tpu.memory_space<hbm>>
          %dma_start3A_109 = tpu.memref_slice %arg8[%add3A_81] : memref<320000xi32, #tpu.memory_space<hbm>> -> memref<80xi32, #tpu.memory_space<hbm>>
          tpu.enqueue_dma source(%dma_start3A_109 : memref<80xi32, #tpu.memory_space<hbm>>) target(%arg18 : memref<80xi32, #tpu.memory_space<vmem>>) target_semaphore(%run_scoped3A : memref<!tpu.dma_semaphore, #tpu.memory_space<semaphore_mem>>)
          %dma_wait3A_110 = tpu.memref_slice %arg8[%add3A_81] : memref<320000xi32, #tpu.memory_space<hbm>> -> memref<80xi32, #tpu.memory_space<hbm>>
          %dma_wait3A_111 = tpu.memref_slice %arg8[%add3A_81] : memref<320000xi32, #tpu.memory_space<hbm>> -> memref<80xi32, #tpu.memory_space<hbm>>
          tpu.wait_dma2 semaphore(%run_scoped3A : memref<!tpu.dma_semaphore, #tpu.memory_space<semaphore_mem>>) src(%dma_wait3A_111 : memref<80xi32, #tpu.memory_space<hbm>>) dst(%arg18 : memref<80xi32, #tpu.memory_space<vmem>>)
          tpu.yield
        }) : () -> ()
        %dma_start3A = arith.constant 0 : i32
        %dma_start3A_82 = arith.constant 0 : i32
        %dma_start3A_83 = tpu.memref_slice %arg4[%dma_start3A, %dma_start3A_82] : memref<10000x64xf32, #tpu.memory_space<hbm>> -> memref<10000x64xf32, #tpu.memory_space<hbm>>
        tpu.enqueue_indirect_dma source(%dma_start3A_83 : memref<10000x64xf32, #tpu.memory_space<hbm>>) target(%arg19 : memref<80x64xf32, #tpu.memory_space<vmem>>) offsets(%arg17 : memref<80xi32, #tpu.memory_space<vmem>>) semaphore(%arg27 : memref<!tpu.dma_semaphore, #tpu.memory_space<semaphore_mem>>)
        %dma_start3A_84 = arith.constant 0 : i32
        %dma_start3A_85 = arith.constant 0 : i32
        %dma_start3A_86 = tpu.memref_slice %arg6[%dma_start3A_84, %dma_start3A_85] : memref<10000x16xf32, #tpu.memory_space<hbm>> -> memref<10000x16xf32, #tpu.memory_space<hbm>>
        tpu.enqueue_indirect_dma source(%dma_start3A_86 : memref<10000x16xf32, #tpu.memory_space<hbm>>) target(%arg20 : memref<80x16xf32, #tpu.memory_space<vmem>>) offsets(%arg17 : memref<80xi32, #tpu.memory_space<vmem>>) semaphore(%arg28 : memref<!tpu.dma_semaphore, #tpu.memory_space<semaphore_mem>>)
        %dma_start3A_87 = arith.constant 0 : i32
        %dma_start3A_88 = arith.constant 0 : i32
        %dma_start3A_89 = tpu.memref_slice %arg6[%dma_start3A_87, %dma_start3A_88] : memref<10000x16xf32, #tpu.memory_space<hbm>> -> memref<10000x16xf32, #tpu.memory_space<hbm>>
        tpu.enqueue_indirect_dma source(%dma_start3A_89 : memref<10000x16xf32, #tpu.memory_space<hbm>>) target(%arg21 : memref<80x16xf32, #tpu.memory_space<vmem>>) offsets(%arg18 : memref<80xi32, #tpu.memory_space<vmem>>) semaphore(%arg29 : memref<!tpu.dma_semaphore, #tpu.memory_space<semaphore_mem>>)
        %dma_wait3A = arith.constant 0 : i32
        %dma_wait3A_90 = arith.constant 0 : i32
        %dma_wait3A_91 = tpu.memref_slice %arg6[%dma_wait3A, %dma_wait3A_90] : memref<10000x16xf32, #tpu.memory_space<hbm>> -> memref<10000x16xf32, #tpu.memory_space<hbm>>
        tpu.wait_indirect_dma semaphore(%arg28 : memref<!tpu.dma_semaphore, #tpu.memory_space<semaphore_mem>>) src(%dma_wait3A_91 : memref<10000x16xf32, #tpu.memory_space<hbm>>) dst(%arg20 : memref<80x16xf32, #tpu.memory_space<vmem>>)
        %dma_wait3A_92 = arith.constant 0 : i32
        %dma_wait3A_93 = arith.constant 0 : i32
        %dma_wait3A_94 = tpu.memref_slice %arg6[%dma_wait3A_92, %dma_wait3A_93] : memref<10000x16xf32, #tpu.memory_space<hbm>> -> memref<10000x16xf32, #tpu.memory_space<hbm>>
        tpu.wait_indirect_dma semaphore(%arg29 : memref<!tpu.dma_semaphore, #tpu.memory_space<semaphore_mem>>) src(%dma_wait3A_94 : memref<10000x16xf32, #tpu.memory_space<hbm>>) dst(%arg21 : memref<80x16xf32, #tpu.memory_space<vmem>>)
        %scan3A_95 = arith.constant 0 : i32
        %scan3A_96 = arith.constant 5 : i32
        %scan3A_97 = arith.addi %scan3A_95, %scan3A_96 : i32
        %scan3A_98 = arith.constant 1 : i32
        scf.for %scan3A_108 = %scan3A_95 to %scan3A_97 step %scan3A_98  : i32 {
          %mul3A_109 = arith.constant 1 : i32
          %mul3A_110 = arith.muli %scan3A_108, %mul3A_109 : i32
          %add3A_111 = arith.constant 0 : i32
          %add3A_112 = arith.addi %add3A_111, %mul3A_110 : i32
          %iota3A = tpu.iota {dimensions = array<i32: 0>} : vector<16xi32>
          %mul3A_113 = arith.constant 16 : i32
          %mul3A_114 = arith.muli %add3A_112, %mul3A_113 : i32
          %add3A_115 = vector.broadcast %mul3A_114 : i32 to vector<16xi32>
          %add3A_116 = arith.addi %iota3A, %add3A_115 : vector<16xi32>
          %broadcast_in_dim3A_117 = arith.constant 2 : i32
          %broadcast_in_dim3A_118 = vector.broadcast %broadcast_in_dim3A_117 : i32 to vector<16xi32>
          %gather3A = tpu.vector_load_idx %arg20[%add3A_116, %broadcast_in_dim3A_118] : memref<80x16xf32, #tpu.memory_space<vmem>>[vector<16xi32>, vector<16xi32>], vector<16xf32>,
          %add3A_119 = arith.constant 4 : i32
          %add3A_120 = vector.broadcast %add3A_119 : i32 to vector<16xi32>
          %add3A_121 = arith.addi %broadcast_in_dim3A_118, %add3A_120 : vector<16xi32>
          %gather3A_122 = tpu.vector_load_idx %arg21[%add3A_116, %add3A_121] : memref<80x16xf32, #tpu.memory_space<vmem>>[vector<16xi32>, vector<16xi32>], vector<16xf32>,
          %add3A_123 = arith.addf %gather3A, %gather3A_122 : vector<16xf32>
          %gt3A = arith.constant 0.000000e+00 : f32
          %gt3A_124 = vector.broadcast %gt3A : f32 to vector<16xf32>
          %gt3A_125 = arith.cmpf ogt, %add3A_123, %gt3A_124 : vector<16xf32>
          %mul3A_126 = arith.constant 2.000000e-01 : f32
          %mul3A_127 = vector.broadcast %mul3A_126 : f32 to vector<16xf32>
          %mul3A_128 = arith.mulf %mul3A_127, %add3A_123 : vector<16xf32>
          %select_n3A = arith.select %gt3A_125, %add3A_123, %mul3A_128 : vector<16xi1>, vector<16xf32>
          %exp3A = math.exp %select_n3A : vector<16xf32>
          %broadcast_in_dim3A_129 = arith.constant 0 : i32
          %broadcast_in_dim3A_130 = vector.broadcast %broadcast_in_dim3A_129 : i32 to vector<16xi32>
          tpu.vector_store_idx %arg22[%add3A_116, %broadcast_in_dim3A_130], %exp3A : memref<80x16xf32, #tpu.memory_space<vmem>>[vector<16xi32>, vector<16xi32>], vector<16xf32>,
        }
        %scan3A_99 = arith.constant 5 : i32
        %dma_wait3A_100 = arith.constant 0 : i32
        %dma_wait3A_101 = arith.constant 0 : i32
        %dma_wait3A_102 = tpu.memref_slice %arg4[%dma_wait3A_100, %dma_wait3A_101] : memref<10000x64xf32, #tpu.memory_space<hbm>> -> memref<10000x64xf32, #tpu.memory_space<hbm>>
        tpu.wait_indirect_dma semaphore(%arg27 : memref<!tpu.dma_semaphore, #tpu.memory_space<semaphore_mem>>) src(%dma_wait3A_102 : memref<10000x64xf32, #tpu.memory_space<hbm>>) dst(%arg19 : memref<80x64xf32, #tpu.memory_space<vmem>>)
        %scan3A_103 = arith.constant 0 : i32
        %scan3A_104 = arith.constant 80 : i32
        %scan3A_105 = arith.addi %scan3A_103, %scan3A_104 : i32
        %scan3A_106 = arith.constant 1 : i32
        scf.for %scan3A_108 = %scan3A_103 to %scan3A_105 step %scan3A_106  : i32 {
          %mul3A_109 = arith.constant 1 : i32
          %mul3A_110 = arith.muli %scan3A_108, %mul3A_109 : i32
          %add3A_111 = arith.constant 0 : i32
          %add3A_112 = arith.addi %add3A_111, %mul3A_110 : i32
          %get3A = arith.index_cast %add3A_112 : i32 to index
          %get3A_113 = arith.constant 0 : index
          %get3A_114 = tpu.vector_load %arg22[%get3A, %get3A_113] {strides = array<i32>} : memref<80x16xf32, #tpu.memory_space<vmem>>, vector<16xf32>,
          %slice3A = vector.extract_strided_slice %get3A_114 {offsets = [0], sizes = [1], strides = [1]} : vector<16xf32> to vector<1xf32>
          %squeeze3A = vector.extract %slice3A[0] : f32 from vector<1xf32>
          %get3A_115 = arith.index_cast %add3A_112 : i32 to index
          %get3A_116 = arith.constant 0 : index
          %get3A_117 = tpu.vector_load %arg19[%get3A_115, %get3A_116] {strides = array<i32>} : memref<80x64xf32, #tpu.memory_space<vmem>>, vector<16xf32>,
          %mul3A_118 = vector.broadcast %squeeze3A : f32 to vector<16xf32>
          %mul3A_119 = arith.mulf %get3A_117, %mul3A_118 : vector<16xf32>
          %swap3A = arith.index_cast %add3A_112 : i32 to index
          %swap3A_120 = arith.constant 0 : index
          %swap3A_121 = tpu.vector_load %arg19[%swap3A, %swap3A_120] {strides = array<i32>} : memref<80x64xf32, #tpu.memory_space<vmem>>, vector<16xf32>,
          tpu.vector_store %arg19[%swap3A, %swap3A_120], %mul3A_119 {strides = array<i32>} : memref<80x64xf32, #tpu.memory_space<vmem>>, vector<16xf32>,
          %get3A_122 = arith.index_cast %add3A_112 : i32 to index
          %get3A_123 = arith.constant 16 : index
          %get3A_124 = tpu.vector_load %arg19[%get3A_122, %get3A_123] {strides = array<i32>} : memref<80x64xf32, #tpu.memory_space<vmem>>, vector<16xf32>,
          %mul3A_125 = vector.broadcast %squeeze3A : f32 to vector<16xf32>
          %mul3A_126 = arith.mulf %get3A_124, %mul3A_125 : vector<16xf32>
          %swap3A_127 = arith.index_cast %add3A_112 : i32 to index
          %swap3A_128 = arith.constant 16 : index
          %swap3A_129 = tpu.vector_load %arg19[%swap3A_127, %swap3A_128] {strides = array<i32>} : memref<80x64xf32, #tpu.memory_space<vmem>>, vector<16xf32>,
          tpu.vector_store %arg19[%swap3A_127, %swap3A_128], %mul3A_126 {strides = array<i32>} : memref<80x64xf32, #tpu.memory_space<vmem>>, vector<16xf32>,
          %get3A_130 = arith.index_cast %add3A_112 : i32 to index
          %get3A_131 = arith.constant 32 : index
          %get3A_132 = tpu.vector_load %arg19[%get3A_130, %get3A_131] {strides = array<i32>} : memref<80x64xf32, #tpu.memory_space<vmem>>, vector<16xf32>,
          %mul3A_133 = vector.broadcast %squeeze3A : f32 to vector<16xf32>
          %mul3A_134 = arith.mulf %get3A_132, %mul3A_133 : vector<16xf32>
          %swap3A_135 = arith.index_cast %add3A_112 : i32 to index
          %swap3A_136 = arith.constant 32 : index
          %swap3A_137 = tpu.vector_load %arg19[%swap3A_135, %swap3A_136] {strides = array<i32>} : memref<80x64xf32, #tpu.memory_space<vmem>>, vector<16xf32>,
          tpu.vector_store %arg19[%swap3A_135, %swap3A_136], %mul3A_134 {strides = array<i32>} : memref<80x64xf32, #tpu.memory_space<vmem>>, vector<16xf32>,
          %get3A_138 = arith.index_cast %add3A_112 : i32 to index
          %get3A_139 = arith.constant 48 : index
          %get3A_140 = tpu.vector_load %arg19[%get3A_138, %get3A_139] {strides = array<i32>} : memref<80x64xf32, #tpu.memory_space<vmem>>, vector<16xf32>,
          %mul3A_141 = vector.broadcast %squeeze3A : f32 to vector<16xf32>
          %mul3A_142 = arith.mulf %get3A_140, %mul3A_141 : vector<16xf32>
          %swap3A_143 = arith.index_cast %add3A_112 : i32 to index
          %swap3A_144 = arith.constant 48 : index
          %swap3A_145 = tpu.vector_load %arg19[%swap3A_143, %swap3A_144] {strides = array<i32>} : memref<80x64xf32, #tpu.memory_space<vmem>>, vector<16xf32>,
          tpu.vector_store %arg19[%swap3A_143, %swap3A_144], %mul3A_142 {strides = array<i32>} : memref<80x64xf32, #tpu.memory_space<vmem>>, vector<16xf32>,
        }
        %scan3A_107 = arith.constant 80 : i32
      }
      %scan3A_43 = arith.constant 250 : i32
      %barrier3A_44 = arith.constant 0 : index
      tpu.barrier barrier_id(%barrier3A_44)
      "tpu.region"() ({
        %run_scoped3A = tpu.sem_alloc : memref<!tpu.dma_semaphore, #tpu.memory_space<semaphore_mem>>
        %dma_start3A = arith.constant 0 : i32
        %dma_start3A_74 = tpu.memref_slice %arg11[%mul3A_10, %dma_start3A] : memref<10240x64xf32, #tpu.memory_space<hbm>> -> memref<640x64xf32, #tpu.memory_space<hbm>>
        %dma_start3A_75 = arith.constant 0 : i32
        %dma_start3A_76 = tpu.memref_slice %arg25[%mul3A_10, %dma_start3A_75] : memref<10240x64xf32, #tpu.memory_space<vmem_shared>> -> memref<640x64xf32, #tpu.memory_space<vmem_shared>>
        tpu.enqueue_dma source(%dma_start3A_76 : memref<640x64xf32, #tpu.memory_space<vmem_shared>>) target(%dma_start3A_74 : memref<640x64xf32, #tpu.memory_space<hbm>>) target_semaphore(%run_scoped3A : memref<!tpu.dma_semaphore, #tpu.memory_space<semaphore_mem>>)
        %dma_wait3A = arith.constant 0 : i32
        %dma_wait3A_77 = tpu.memref_slice %arg11[%mul3A_10, %dma_wait3A] : memref<10240x64xf32, #tpu.memory_space<hbm>> -> memref<640x64xf32, #tpu.memory_space<hbm>>
        %dma_wait3A_78 = arith.constant 0 : i32
        %dma_wait3A_79 = tpu.memref_slice %arg25[%mul3A_10, %dma_wait3A_78] : memref<10240x64xf32, #tpu.memory_space<vmem_shared>> -> memref<640x64xf32, #tpu.memory_space<vmem_shared>>
        tpu.wait_dma2 semaphore(%run_scoped3A : memref<!tpu.dma_semaphore, #tpu.memory_space<semaphore_mem>>) src(%dma_wait3A_79 : memref<640x64xf32, #tpu.memory_space<vmem_shared>>) dst(%dma_wait3A_77 : memref<640x64xf32, #tpu.memory_space<hbm>>)
        tpu.yield
      }) : () -> ()
      "tpu.region"() ({
        %run_scoped3A = tpu.sem_alloc : memref<!tpu.dma_semaphore, #tpu.memory_space<semaphore_mem>>
        %dma_start3A = arith.constant 0 : i32
        %dma_start3A_74 = tpu.memref_slice %arg15[%mul3A_10, %dma_start3A] : memref<10240x16xf32, #tpu.memory_space<hbm>> -> memref<640x16xf32, #tpu.memory_space<hbm>>
        %dma_start3A_75 = arith.constant 0 : i32
        %dma_start3A_76 = tpu.memref_slice %arg26[%mul3A_10, %dma_start3A_75] : memref<10240x16xf32, #tpu.memory_space<vmem_shared>> -> memref<640x16xf32, #tpu.memory_space<vmem_shared>>
        tpu.enqueue_dma source(%dma_start3A_76 : memref<640x16xf32, #tpu.memory_space<vmem_shared>>) target(%dma_start3A_74 : memref<640x16xf32, #tpu.memory_space<hbm>>) target_semaphore(%run_scoped3A : memref<!tpu.dma_semaphore, #tpu.memory_space<semaphore_mem>>)
        %dma_wait3A = arith.constant 0 : i32
        %dma_wait3A_77 = tpu.memref_slice %arg15[%mul3A_10, %dma_wait3A] : memref<10240x16xf32, #tpu.memory_space<hbm>> -> memref<640x16xf32, #tpu.memory_space<hbm>>
        %dma_wait3A_78 = arith.constant 0 : i32
        %dma_wait3A_79 = tpu.memref_slice %arg26[%mul3A_10, %dma_wait3A_78] : memref<10240x16xf32, #tpu.memory_space<vmem_shared>> -> memref<640x16xf32, #tpu.memory_space<vmem_shared>>
        tpu.wait_dma2 semaphore(%run_scoped3A : memref<!tpu.dma_semaphore, #tpu.memory_space<semaphore_mem>>) src(%dma_wait3A_79 : memref<640x16xf32, #tpu.memory_space<vmem_shared>>) dst(%dma_wait3A_77 : memref<640x16xf32, #tpu.memory_space<hbm>>)
        tpu.yield
      }) : () -> ()
      %add3A_45 = arith.constant 0 : i32
      %add3A_46 = arith.addi %mul3A_10, %add3A_45 : i32
      "tpu.region"() ({
        %run_scoped3A = tpu.sem_alloc : memref<!tpu.dma_semaphore, #tpu.memory_space<semaphore_mem>>
        %dma_start3A = arith.constant 0 : i32
        %dma_start3A_74 = tpu.memref_slice %arg25[%add3A_46, %dma_start3A] : memref<10240x64xf32, #tpu.memory_space<vmem_shared>> -> memref<128x64xf32, #tpu.memory_space<vmem_shared>>
        %dma_start3A_75 = arith.constant 0 : i32
        %dma_start3A_76 = tpu.memref_slice %arg25[%add3A_46, %dma_start3A_75] : memref<10240x64xf32, #tpu.memory_space<vmem_shared>> -> memref<128x64xf32, #tpu.memory_space<vmem_shared>>
        tpu.enqueue_dma source(%arg23 : memref<128x64xf32, #tpu.memory_space<vmem>>) target(%dma_start3A_76 : memref<128x64xf32, #tpu.memory_space<vmem_shared>>) target_semaphore(%run_scoped3A : memref<!tpu.dma_semaphore, #tpu.memory_space<semaphore_mem>>)
        %dma_wait3A = arith.constant 0 : i32
        %dma_wait3A_77 = tpu.memref_slice %arg25[%add3A_46, %dma_wait3A] : memref<10240x64xf32, #tpu.memory_space<vmem_shared>> -> memref<128x64xf32, #tpu.memory_space<vmem_shared>>
        %dma_wait3A_78 = arith.constant 0 : i32
        %dma_wait3A_79 = tpu.memref_slice %arg25[%add3A_46, %dma_wait3A_78] : memref<10240x64xf32, #tpu.memory_space<vmem_shared>> -> memref<128x64xf32, #tpu.memory_space<vmem_shared>>
        tpu.wait_dma2 semaphore(%run_scoped3A : memref<!tpu.dma_semaphore, #tpu.memory_space<semaphore_mem>>) src(%arg23 : memref<128x64xf32, #tpu.memory_space<vmem>>) dst(%dma_wait3A_79 : memref<128x64xf32, #tpu.memory_space<vmem_shared>>)
        tpu.yield
      }) : () -> ()
      %add3A_47 = arith.constant 0 : i32
      %add3A_48 = arith.addi %mul3A_10, %add3A_47 : i32
      "tpu.region"() ({
        %run_scoped3A = tpu.sem_alloc : memref<!tpu.dma_semaphore, #tpu.memory_space<semaphore_mem>>
        %dma_start3A = arith.constant 0 : i32
        %dma_start3A_74 = tpu.memref_slice %arg26[%add3A_48, %dma_start3A] : memref<10240x16xf32, #tpu.memory_space<vmem_shared>> -> memref<128x16xf32, #tpu.memory_space<vmem_shared>>
        %dma_start3A_75 = arith.constant 0 : i32
        %dma_start3A_76 = tpu.memref_slice %arg26[%add3A_48, %dma_start3A_75] : memref<10240x16xf32, #tpu.memory_space<vmem_shared>> -> memref<128x16xf32, #tpu.memory_space<vmem_shared>>
        tpu.enqueue_dma source(%arg24 : memref<128x16xf32, #tpu.memory_space<vmem>>) target(%dma_start3A_76 : memref<128x16xf32, #tpu.memory_space<vmem_shared>>) target_semaphore(%run_scoped3A : memref<!tpu.dma_semaphore, #tpu.memory_space<semaphore_mem>>)
        %dma_wait3A = arith.constant 0 : i32
        %dma_wait3A_77 = tpu.memref_slice %arg26[%add3A_48, %dma_wait3A] : memref<10240x16xf32, #tpu.memory_space<vmem_shared>> -> memref<128x16xf32, #tpu.memory_space<vmem_shared>>
        %dma_wait3A_78 = arith.constant 0 : i32
        %dma_wait3A_79 = tpu.memref_slice %arg26[%add3A_48, %dma_wait3A_78] : memref<10240x16xf32, #tpu.memory_space<vmem_shared>> -> memref<128x16xf32, #tpu.memory_space<vmem_shared>>
        tpu.wait_dma2 semaphore(%run_scoped3A : memref<!tpu.dma_semaphore, #tpu.memory_space<semaphore_mem>>) src(%arg24 : memref<128x16xf32, #tpu.memory_space<vmem>>) dst(%dma_wait3A_79 : memref<128x16xf32, #tpu.memory_space<vmem_shared>>)
        tpu.yield
      }) : () -> ()
      %add3A_49 = arith.constant 128 : i32
      %add3A_50 = arith.addi %mul3A_10, %add3A_49 : i32
      "tpu.region"() ({
        %run_scoped3A = tpu.sem_alloc : memref<!tpu.dma_semaphore, #tpu.memory_space<semaphore_mem>>
        %dma_start3A = arith.constant 0 : i32
        %dma_start3A_74 = tpu.memref_slice %arg25[%add3A_50, %dma_start3A] : memref<10240x64xf32, #tpu.memory_space<vmem_shared>> -> memref<128x64xf32, #tpu.memory_space<vmem_shared>>
        %dma_start3A_75 = arith.constant 0 : i32
        %dma_start3A_76 = tpu.memref_slice %arg25[%add3A_50, %dma_start3A_75] : memref<10240x64xf32, #tpu.memory_space<vmem_shared>> -> memref<128x64xf32, #tpu.memory_space<vmem_shared>>
        tpu.enqueue_dma source(%arg23 : memref<128x64xf32, #tpu.memory_space<vmem>>) target(%dma_start3A_76 : memref<128x64xf32, #tpu.memory_space<vmem_shared>>) target_semaphore(%run_scoped3A : memref<!tpu.dma_semaphore, #tpu.memory_space<semaphore_mem>>)
        %dma_wait3A = arith.constant 0 : i32
        %dma_wait3A_77 = tpu.memref_slice %arg25[%add3A_50, %dma_wait3A] : memref<10240x64xf32, #tpu.memory_space<vmem_shared>> -> memref<128x64xf32, #tpu.memory_space<vmem_shared>>
        %dma_wait3A_78 = arith.constant 0 : i32
        %dma_wait3A_79 = tpu.memref_slice %arg25[%add3A_50, %dma_wait3A_78] : memref<10240x64xf32, #tpu.memory_space<vmem_shared>> -> memref<128x64xf32, #tpu.memory_space<vmem_shared>>
        tpu.wait_dma2 semaphore(%run_scoped3A : memref<!tpu.dma_semaphore, #tpu.memory_space<semaphore_mem>>) src(%arg23 : memref<128x64xf32, #tpu.memory_space<vmem>>) dst(%dma_wait3A_79 : memref<128x64xf32, #tpu.memory_space<vmem_shared>>)
        tpu.yield
      }) : () -> ()
      %add3A_51 = arith.constant 128 : i32
      %add3A_52 = arith.addi %mul3A_10, %add3A_51 : i32
      "tpu.region"() ({
        %run_scoped3A = tpu.sem_alloc : memref<!tpu.dma_semaphore, #tpu.memory_space<semaphore_mem>>
        %dma_start3A = arith.constant 0 : i32
        %dma_start3A_74 = tpu.memref_slice %arg26[%add3A_52, %dma_start3A] : memref<10240x16xf32, #tpu.memory_space<vmem_shared>> -> memref<128x16xf32, #tpu.memory_space<vmem_shared>>
        %dma_start3A_75 = arith.constant 0 : i32
        %dma_start3A_76 = tpu.memref_slice %arg26[%add3A_52, %dma_start3A_75] : memref<10240x16xf32, #tpu.memory_space<vmem_shared>> -> memref<128x16xf32, #tpu.memory_space<vmem_shared>>
        tpu.enqueue_dma source(%arg24 : memref<128x16xf32, #tpu.memory_space<vmem>>) target(%dma_start3A_76 : memref<128x16xf32, #tpu.memory_space<vmem_shared>>) target_semaphore(%run_scoped3A : memref<!tpu.dma_semaphore, #tpu.memory_space<semaphore_mem>>)
        %dma_wait3A = arith.constant 0 : i32
        %dma_wait3A_77 = tpu.memref_slice %arg26[%add3A_52, %dma_wait3A] : memref<10240x16xf32, #tpu.memory_space<vmem_shared>> -> memref<128x16xf32, #tpu.memory_space<vmem_shared>>
        %dma_wait3A_78 = arith.constant 0 : i32
        %dma_wait3A_79 = tpu.memref_slice %arg26[%add3A_52, %dma_wait3A_78] : memref<10240x16xf32, #tpu.memory_space<vmem_shared>> -> memref<128x16xf32, #tpu.memory_space<vmem_shared>>
        tpu.wait_dma2 semaphore(%run_scoped3A : memref<!tpu.dma_semaphore, #tpu.memory_space<semaphore_mem>>) src(%arg24 : memref<128x16xf32, #tpu.memory_space<vmem>>) dst(%dma_wait3A_79 : memref<128x16xf32, #tpu.memory_space<vmem_shared>>)
        tpu.yield
      }) : () -> ()
      %add3A_53 = arith.constant 256 : i32
      %add3A_54 = arith.addi %mul3A_10, %add3A_53 : i32
      "tpu.region"() ({
        %run_scoped3A = tpu.sem_alloc : memref<!tpu.dma_semaphore, #tpu.memory_space<semaphore_mem>>
        %dma_start3A = arith.constant 0 : i32
        %dma_start3A_74 = tpu.memref_slice %arg25[%add3A_54, %dma_start3A] : memref<10240x64xf32, #tpu.memory_space<vmem_shared>> -> memref<128x64xf32, #tpu.memory_space<vmem_shared>>
        %dma_start3A_75 = arith.constant 0 : i32
        %dma_start3A_76 = tpu.memref_slice %arg25[%add3A_54, %dma_start3A_75] : memref<10240x64xf32, #tpu.memory_space<vmem_shared>> -> memref<128x64xf32, #tpu.memory_space<vmem_shared>>
        tpu.enqueue_dma source(%arg23 : memref<128x64xf32, #tpu.memory_space<vmem>>) target(%dma_start3A_76 : memref<128x64xf32, #tpu.memory_space<vmem_shared>>) target_semaphore(%run_scoped3A : memref<!tpu.dma_semaphore, #tpu.memory_space<semaphore_mem>>)
        %dma_wait3A = arith.constant 0 : i32
        %dma_wait3A_77 = tpu.memref_slice %arg25[%add3A_54, %dma_wait3A] : memref<10240x64xf32, #tpu.memory_space<vmem_shared>> -> memref<128x64xf32, #tpu.memory_space<vmem_shared>>
        %dma_wait3A_78 = arith.constant 0 : i32
        %dma_wait3A_79 = tpu.memref_slice %arg25[%add3A_54, %dma_wait3A_78] : memref<10240x64xf32, #tpu.memory_space<vmem_shared>> -> memref<128x64xf32, #tpu.memory_space<vmem_shared>>
        tpu.wait_dma2 semaphore(%run_scoped3A : memref<!tpu.dma_semaphore, #tpu.memory_space<semaphore_mem>>) src(%arg23 : memref<128x64xf32, #tpu.memory_space<vmem>>) dst(%dma_wait3A_79 : memref<128x64xf32, #tpu.memory_space<vmem_shared>>)
        tpu.yield
      }) : () -> ()
      %add3A_55 = arith.constant 256 : i32
      %add3A_56 = arith.addi %mul3A_10, %add3A_55 : i32
      "tpu.region"() ({
        %run_scoped3A = tpu.sem_alloc : memref<!tpu.dma_semaphore, #tpu.memory_space<semaphore_mem>>
        %dma_start3A = arith.constant 0 : i32
        %dma_start3A_74 = tpu.memref_slice %arg26[%add3A_56, %dma_start3A] : memref<10240x16xf32, #tpu.memory_space<vmem_shared>> -> memref<128x16xf32, #tpu.memory_space<vmem_shared>>
        %dma_start3A_75 = arith.constant 0 : i32
        %dma_start3A_76 = tpu.memref_slice %arg26[%add3A_56, %dma_start3A_75] : memref<10240x16xf32, #tpu.memory_space<vmem_shared>> -> memref<128x16xf32, #tpu.memory_space<vmem_shared>>
        tpu.enqueue_dma source(%arg24 : memref<128x16xf32, #tpu.memory_space<vmem>>) target(%dma_start3A_76 : memref<128x16xf32, #tpu.memory_space<vmem_shared>>) target_semaphore(%run_scoped3A : memref<!tpu.dma_semaphore, #tpu.memory_space<semaphore_mem>>)
        %dma_wait3A = arith.constant 0 : i32
        %dma_wait3A_77 = tpu.memref_slice %arg26[%add3A_56, %dma_wait3A] : memref<10240x16xf32, #tpu.memory_space<vmem_shared>> -> memref<128x16xf32, #tpu.memory_space<vmem_shared>>
        %dma_wait3A_78 = arith.constant 0 : i32
        %dma_wait3A_79 = tpu.memref_slice %arg26[%add3A_56, %dma_wait3A_78] : memref<10240x16xf32, #tpu.memory_space<vmem_shared>> -> memref<128x16xf32, #tpu.memory_space<vmem_shared>>
        tpu.wait_dma2 semaphore(%run_scoped3A : memref<!tpu.dma_semaphore, #tpu.memory_space<semaphore_mem>>) src(%arg24 : memref<128x16xf32, #tpu.memory_space<vmem>>) dst(%dma_wait3A_79 : memref<128x16xf32, #tpu.memory_space<vmem_shared>>)
        tpu.yield
      }) : () -> ()
      %add3A_57 = arith.constant 384 : i32
      %add3A_58 = arith.addi %mul3A_10, %add3A_57 : i32
      "tpu.region"() ({
        %run_scoped3A = tpu.sem_alloc : memref<!tpu.dma_semaphore, #tpu.memory_space<semaphore_mem>>
        %dma_start3A = arith.constant 0 : i32
        %dma_start3A_74 = tpu.memref_slice %arg25[%add3A_58, %dma_start3A] : memref<10240x64xf32, #tpu.memory_space<vmem_shared>> -> memref<128x64xf32, #tpu.memory_space<vmem_shared>>
        %dma_start3A_75 = arith.constant 0 : i32
        %dma_start3A_76 = tpu.memref_slice %arg25[%add3A_58, %dma_start3A_75] : memref<10240x64xf32, #tpu.memory_space<vmem_shared>> -> memref<128x64xf32, #tpu.memory_space<vmem_shared>>
        tpu.enqueue_dma source(%arg23 : memref<128x64xf32, #tpu.memory_space<vmem>>) target(%dma_start3A_76 : memref<128x64xf32, #tpu.memory_space<vmem_shared>>) target_semaphore(%run_scoped3A : memref<!tpu.dma_semaphore, #tpu.memory_space<semaphore_mem>>)
        %dma_wait3A = arith.constant 0 : i32
        %dma_wait3A_77 = tpu.memref_slice %arg25[%add3A_58, %dma_wait3A] : memref<10240x64xf32, #tpu.memory_space<vmem_shared>> -> memref<128x64xf32, #tpu.memory_space<vmem_shared>>
        %dma_wait3A_78 = arith.constant 0 : i32
        %dma_wait3A_79 = tpu.memref_slice %arg25[%add3A_58, %dma_wait3A_78] : memref<10240x64xf32, #tpu.memory_space<vmem_shared>> -> memref<128x64xf32, #tpu.memory_space<vmem_shared>>
        tpu.wait_dma2 semaphore(%run_scoped3A : memref<!tpu.dma_semaphore, #tpu.memory_space<semaphore_mem>>) src(%arg23 : memref<128x64xf32, #tpu.memory_space<vmem>>) dst(%dma_wait3A_79 : memref<128x64xf32, #tpu.memory_space<vmem_shared>>)
        tpu.yield
      }) : () -> ()
      %add3A_59 = arith.constant 384 : i32
      %add3A_60 = arith.addi %mul3A_10, %add3A_59 : i32
      "tpu.region"() ({
        %run_scoped3A = tpu.sem_alloc : memref<!tpu.dma_semaphore, #tpu.memory_space<semaphore_mem>>
        %dma_start3A = arith.constant 0 : i32
        %dma_start3A_74 = tpu.memref_slice %arg26[%add3A_60, %dma_start3A] : memref<10240x16xf32, #tpu.memory_space<vmem_shared>> -> memref<128x16xf32, #tpu.memory_space<vmem_shared>>
        %dma_start3A_75 = arith.constant 0 : i32
        %dma_start3A_76 = tpu.memref_slice %arg26[%add3A_60, %dma_start3A_75] : memref<10240x16xf32, #tpu.memory_space<vmem_shared>> -> memref<128x16xf32, #tpu.memory_space<vmem_shared>>
        tpu.enqueue_dma source(%arg24 : memref<128x16xf32, #tpu.memory_space<vmem>>) target(%dma_start3A_76 : memref<128x16xf32, #tpu.memory_space<vmem_shared>>) target_semaphore(%run_scoped3A : memref<!tpu.dma_semaphore, #tpu.memory_space<semaphore_mem>>)
        %dma_wait3A = arith.constant 0 : i32
        %dma_wait3A_77 = tpu.memref_slice %arg26[%add3A_60, %dma_wait3A] : memref<10240x16xf32, #tpu.memory_space<vmem_shared>> -> memref<128x16xf32, #tpu.memory_space<vmem_shared>>
        %dma_wait3A_78 = arith.constant 0 : i32
        %dma_wait3A_79 = tpu.memref_slice %arg26[%add3A_60, %dma_wait3A_78] : memref<10240x16xf32, #tpu.memory_space<vmem_shared>> -> memref<128x16xf32, #tpu.memory_space<vmem_shared>>
        tpu.wait_dma2 semaphore(%run_scoped3A : memref<!tpu.dma_semaphore, #tpu.memory_space<semaphore_mem>>) src(%arg24 : memref<128x16xf32, #tpu.memory_space<vmem>>) dst(%dma_wait3A_79 : memref<128x16xf32, #tpu.memory_space<vmem_shared>>)
        tpu.yield
      }) : () -> ()
      %add3A_61 = arith.constant 512 : i32
      %add3A_62 = arith.addi %mul3A_10, %add3A_61 : i32
      "tpu.region"() ({
        %run_scoped3A = tpu.sem_alloc : memref<!tpu.dma_semaphore, #tpu.memory_space<semaphore_mem>>
        %dma_start3A = arith.constant 0 : i32
        %dma_start3A_74 = tpu.memref_slice %arg25[%add3A_62, %dma_start3A] : memref<10240x64xf32, #tpu.memory_space<vmem_shared>> -> memref<128x64xf32, #tpu.memory_space<vmem_shared>>
        %dma_start3A_75 = arith.constant 0 : i32
        %dma_start3A_76 = tpu.memref_slice %arg25[%add3A_62, %dma_start3A_75] : memref<10240x64xf32, #tpu.memory_space<vmem_shared>> -> memref<128x64xf32, #tpu.memory_space<vmem_shared>>
        tpu.enqueue_dma source(%arg23 : memref<128x64xf32, #tpu.memory_space<vmem>>) target(%dma_start3A_76 : memref<128x64xf32, #tpu.memory_space<vmem_shared>>) target_semaphore(%run_scoped3A : memref<!tpu.dma_semaphore, #tpu.memory_space<semaphore_mem>>)
        %dma_wait3A = arith.constant 0 : i32
        %dma_wait3A_77 = tpu.memref_slice %arg25[%add3A_62, %dma_wait3A] : memref<10240x64xf32, #tpu.memory_space<vmem_shared>> -> memref<128x64xf32, #tpu.memory_space<vmem_shared>>
        %dma_wait3A_78 = arith.constant 0 : i32
        %dma_wait3A_79 = tpu.memref_slice %arg25[%add3A_62, %dma_wait3A_78] : memref<10240x64xf32, #tpu.memory_space<vmem_shared>> -> memref<128x64xf32, #tpu.memory_space<vmem_shared>>
        tpu.wait_dma2 semaphore(%run_scoped3A : memref<!tpu.dma_semaphore, #tpu.memory_space<semaphore_mem>>) src(%arg23 : memref<128x64xf32, #tpu.memory_space<vmem>>) dst(%dma_wait3A_79 : memref<128x64xf32, #tpu.memory_space<vmem_shared>>)
        tpu.yield
      }) : () -> ()
      %add3A_63 = arith.constant 512 : i32
      %add3A_64 = arith.addi %mul3A_10, %add3A_63 : i32
      "tpu.region"() ({
        %run_scoped3A = tpu.sem_alloc : memref<!tpu.dma_semaphore, #tpu.memory_space<semaphore_mem>>
        %dma_start3A = arith.constant 0 : i32
        %dma_start3A_74 = tpu.memref_slice %arg26[%add3A_64, %dma_start3A] : memref<10240x16xf32, #tpu.memory_space<vmem_shared>> -> memref<128x16xf32, #tpu.memory_space<vmem_shared>>
        %dma_start3A_75 = arith.constant 0 : i32
        %dma_start3A_76 = tpu.memref_slice %arg26[%add3A_64, %dma_start3A_75] : memref<10240x16xf32, #tpu.memory_space<vmem_shared>> -> memref<128x16xf32, #tpu.memory_space<vmem_shared>>
        tpu.enqueue_dma source(%arg24 : memref<128x16xf32, #tpu.memory_space<vmem>>) target(%dma_start3A_76 : memref<128x16xf32, #tpu.memory_space<vmem_shared>>) target_semaphore(%run_scoped3A : memref<!tpu.dma_semaphore, #tpu.memory_space<semaphore_mem>>)
        %dma_wait3A = arith.constant 0 : i32
        %dma_wait3A_77 = tpu.memref_slice %arg26[%add3A_64, %dma_wait3A] : memref<10240x16xf32, #tpu.memory_space<vmem_shared>> -> memref<128x16xf32, #tpu.memory_space<vmem_shared>>
        %dma_wait3A_78 = arith.constant 0 : i32
        %dma_wait3A_79 = tpu.memref_slice %arg26[%add3A_64, %dma_wait3A_78] : memref<10240x16xf32, #tpu.memory_space<vmem_shared>> -> memref<128x16xf32, #tpu.memory_space<vmem_shared>>
        tpu.wait_dma2 semaphore(%run_scoped3A : memref<!tpu.dma_semaphore, #tpu.memory_space<semaphore_mem>>) src(%arg24 : memref<128x16xf32, #tpu.memory_space<vmem>>) dst(%dma_wait3A_79 : memref<128x16xf32, #tpu.memory_space<vmem_shared>>)
        tpu.yield
      }) : () -> ()
      %barrier3A_65 = arith.constant 0 : index
      tpu.barrier barrier_id(%barrier3A_65)
      %mul3A_66 = arith.constant 20000 : i32
      %mul3A_67 = arith.muli %arg1, %mul3A_66 : i32
      %scan3A_68 = arith.constant 0 : i32
      %scan3A_69 = arith.constant 250 : i32
      %scan3A_70 = arith.addi %scan3A_68, %scan3A_69 : i32
      %scan3A_71 = arith.constant 1 : i32
      scf.for %scan3A_74 = %scan3A_68 to %scan3A_70 step %scan3A_71  : i32 {
        %mul3A_75 = arith.constant 1 : i32
        %mul3A_76 = arith.muli %scan3A_74, %mul3A_75 : i32
        %add3A_77 = arith.constant 0 : i32
        %add3A_78 = arith.addi %add3A_77, %mul3A_76 : i32
        %mul3A_79 = arith.constant 80 : i32
        %mul3A_80 = arith.muli %add3A_78, %mul3A_79 : i32
        %add3A_81 = arith.addi %mul3A_67, %mul3A_80 : i32
        "tpu.region"() ({
          %run_scoped3A = tpu.sem_alloc : memref<!tpu.dma_semaphore, #tpu.memory_space<semaphore_mem>>
          %dma_start3A_108 = tpu.memref_slice %arg7[%add3A_81] : memref<320000xi32, #tpu.memory_space<hbm>> -> memref<80xi32, #tpu.memory_space<hbm>>
          %dma_start3A_109 = tpu.memref_slice %arg7[%add3A_81] : memref<320000xi32, #tpu.memory_space<hbm>> -> memref<80xi32, #tpu.memory_space<hbm>>
          tpu.enqueue_dma source(%dma_start3A_109 : memref<80xi32, #tpu.memory_space<hbm>>) target(%arg17 : memref<80xi32, #tpu.memory_space<vmem>>) target_semaphore(%run_scoped3A : memref<!tpu.dma_semaphore, #tpu.memory_space<semaphore_mem>>)
          %dma_wait3A_110 = tpu.memref_slice %arg7[%add3A_81] : memref<320000xi32, #tpu.memory_space<hbm>> -> memref<80xi32, #tpu.memory_space<hbm>>
          %dma_wait3A_111 = tpu.memref_slice %arg7[%add3A_81] : memref<320000xi32, #tpu.memory_space<hbm>> -> memref<80xi32, #tpu.memory_space<hbm>>
          tpu.wait_dma2 semaphore(%run_scoped3A : memref<!tpu.dma_semaphore, #tpu.memory_space<semaphore_mem>>) src(%dma_wait3A_111 : memref<80xi32, #tpu.memory_space<hbm>>) dst(%arg17 : memref<80xi32, #tpu.memory_space<vmem>>)
          tpu.yield
        }) : () -> ()
        "tpu.region"() ({
          %run_scoped3A = tpu.sem_alloc : memref<!tpu.dma_semaphore, #tpu.memory_space<semaphore_mem>>
          %dma_start3A_108 = tpu.memref_slice %arg8[%add3A_81] : memref<320000xi32, #tpu.memory_space<hbm>> -> memref<80xi32, #tpu.memory_space<hbm>>
          %dma_start3A_109 = tpu.memref_slice %arg8[%add3A_81] : memref<320000xi32, #tpu.memory_space<hbm>> -> memref<80xi32, #tpu.memory_space<hbm>>
          tpu.enqueue_dma source(%dma_start3A_109 : memref<80xi32, #tpu.memory_space<hbm>>) target(%arg18 : memref<80xi32, #tpu.memory_space<vmem>>) target_semaphore(%run_scoped3A : memref<!tpu.dma_semaphore, #tpu.memory_space<semaphore_mem>>)
          %dma_wait3A_110 = tpu.memref_slice %arg8[%add3A_81] : memref<320000xi32, #tpu.memory_space<hbm>> -> memref<80xi32, #tpu.memory_space<hbm>>
          %dma_wait3A_111 = tpu.memref_slice %arg8[%add3A_81] : memref<320000xi32, #tpu.memory_space<hbm>> -> memref<80xi32, #tpu.memory_space<hbm>>
          tpu.wait_dma2 semaphore(%run_scoped3A : memref<!tpu.dma_semaphore, #tpu.memory_space<semaphore_mem>>) src(%dma_wait3A_111 : memref<80xi32, #tpu.memory_space<hbm>>) dst(%arg18 : memref<80xi32, #tpu.memory_space<vmem>>)
          tpu.yield
        }) : () -> ()
        %dma_start3A = arith.constant 0 : i32
        %dma_start3A_82 = arith.constant 0 : i32
        %dma_start3A_83 = tpu.memref_slice %arg5[%dma_start3A, %dma_start3A_82] : memref<10000x64xf32, #tpu.memory_space<hbm>> -> memref<10000x64xf32, #tpu.memory_space<hbm>>
        tpu.enqueue_indirect_dma source(%dma_start3A_83 : memref<10000x64xf32, #tpu.memory_space<hbm>>) target(%arg19 : memref<80x64xf32, #tpu.memory_space<vmem>>) offsets(%arg17 : memref<80xi32, #tpu.memory_space<vmem>>) semaphore(%arg27 : memref<!tpu.dma_semaphore, #tpu.memory_space<semaphore_mem>>)
        %dma_start3A_84 = arith.constant 0 : i32
        %dma_start3A_85 = arith.constant 0 : i32
        %dma_start3A_86 = tpu.memref_slice %arg6[%dma_start3A_84, %dma_start3A_85] : memref<10000x16xf32, #tpu.memory_space<hbm>> -> memref<10000x16xf32, #tpu.memory_space<hbm>>
        tpu.enqueue_indirect_dma source(%dma_start3A_86 : memref<10000x16xf32, #tpu.memory_space<hbm>>) target(%arg20 : memref<80x16xf32, #tpu.memory_space<vmem>>) offsets(%arg17 : memref<80xi32, #tpu.memory_space<vmem>>) semaphore(%arg28 : memref<!tpu.dma_semaphore, #tpu.memory_space<semaphore_mem>>)
        %dma_start3A_87 = arith.constant 0 : i32
        %dma_start3A_88 = arith.constant 0 : i32
        %dma_start3A_89 = tpu.memref_slice %arg6[%dma_start3A_87, %dma_start3A_88] : memref<10000x16xf32, #tpu.memory_space<hbm>> -> memref<10000x16xf32, #tpu.memory_space<hbm>>
        tpu.enqueue_indirect_dma source(%dma_start3A_89 : memref<10000x16xf32, #tpu.memory_space<hbm>>) target(%arg21 : memref<80x16xf32, #tpu.memory_space<vmem>>) offsets(%arg18 : memref<80xi32, #tpu.memory_space<vmem>>) semaphore(%arg29 : memref<!tpu.dma_semaphore, #tpu.memory_space<semaphore_mem>>)
        %dma_wait3A = arith.constant 0 : i32
        %dma_wait3A_90 = arith.constant 0 : i32
        %dma_wait3A_91 = tpu.memref_slice %arg6[%dma_wait3A, %dma_wait3A_90] : memref<10000x16xf32, #tpu.memory_space<hbm>> -> memref<10000x16xf32, #tpu.memory_space<hbm>>
        tpu.wait_indirect_dma semaphore(%arg28 : memref<!tpu.dma_semaphore, #tpu.memory_space<semaphore_mem>>) src(%dma_wait3A_91 : memref<10000x16xf32, #tpu.memory_space<hbm>>) dst(%arg20 : memref<80x16xf32, #tpu.memory_space<vmem>>)
        %dma_wait3A_92 = arith.constant 0 : i32
        %dma_wait3A_93 = arith.constant 0 : i32
        %dma_wait3A_94 = tpu.memref_slice %arg6[%dma_wait3A_92, %dma_wait3A_93] : memref<10000x16xf32, #tpu.memory_space<hbm>> -> memref<10000x16xf32, #tpu.memory_space<hbm>>
        tpu.wait_indirect_dma semaphore(%arg29 : memref<!tpu.dma_semaphore, #tpu.memory_space<semaphore_mem>>) src(%dma_wait3A_94 : memref<10000x16xf32, #tpu.memory_space<hbm>>) dst(%arg21 : memref<80x16xf32, #tpu.memory_space<vmem>>)
        %scan3A_95 = arith.constant 0 : i32
        %scan3A_96 = arith.constant 5 : i32
        %scan3A_97 = arith.addi %scan3A_95, %scan3A_96 : i32
        %scan3A_98 = arith.constant 1 : i32
        scf.for %scan3A_108 = %scan3A_95 to %scan3A_97 step %scan3A_98  : i32 {
          %mul3A_109 = arith.constant 1 : i32
          %mul3A_110 = arith.muli %scan3A_108, %mul3A_109 : i32
          %add3A_111 = arith.constant 0 : i32
          %add3A_112 = arith.addi %add3A_111, %mul3A_110 : i32
          %iota3A = tpu.iota {dimensions = array<i32: 0>} : vector<16xi32>
          %mul3A_113 = arith.constant 16 : i32
          %mul3A_114 = arith.muli %add3A_112, %mul3A_113 : i32
          %add3A_115 = vector.broadcast %mul3A_114 : i32 to vector<16xi32>
          %add3A_116 = arith.addi %iota3A, %add3A_115 : vector<16xi32>
          %broadcast_in_dim3A_117 = arith.constant 3 : i32
          %broadcast_in_dim3A_118 = vector.broadcast %broadcast_in_dim3A_117 : i32 to vector<16xi32>
          %gather3A = tpu.vector_load_idx %arg20[%add3A_116, %broadcast_in_dim3A_118] : memref<80x16xf32, #tpu.memory_space<vmem>>[vector<16xi32>, vector<16xi32>], vector<16xf32>,
          %add3A_119 = arith.constant 4 : i32
          %add3A_120 = vector.broadcast %add3A_119 : i32 to vector<16xi32>
          %add3A_121 = arith.addi %broadcast_in_dim3A_118, %add3A_120 : vector<16xi32>
          %gather3A_122 = tpu.vector_load_idx %arg21[%add3A_116, %add3A_121] : memref<80x16xf32, #tpu.memory_space<vmem>>[vector<16xi32>, vector<16xi32>], vector<16xf32>,
          %add3A_123 = arith.addf %gather3A, %gather3A_122 : vector<16xf32>
          %gt3A = arith.constant 0.000000e+00 : f32
          %gt3A_124 = vector.broadcast %gt3A : f32 to vector<16xf32>
          %gt3A_125 = arith.cmpf ogt, %add3A_123, %gt3A_124 : vector<16xf32>
          %mul3A_126 = arith.constant 2.000000e-01 : f32
          %mul3A_127 = vector.broadcast %mul3A_126 : f32 to vector<16xf32>
          %mul3A_128 = arith.mulf %mul3A_127, %add3A_123 : vector<16xf32>
          %select_n3A = arith.select %gt3A_125, %add3A_123, %mul3A_128 : vector<16xi1>, vector<16xf32>
          %exp3A = math.exp %select_n3A : vector<16xf32>
          %broadcast_in_dim3A_129 = arith.constant 0 : i32
          %broadcast_in_dim3A_130 = vector.broadcast %broadcast_in_dim3A_129 : i32 to vector<16xi32>
          tpu.vector_store_idx %arg22[%add3A_116, %broadcast_in_dim3A_130], %exp3A : memref<80x16xf32, #tpu.memory_space<vmem>>[vector<16xi32>, vector<16xi32>], vector<16xf32>,
        }
        %scan3A_99 = arith.constant 5 : i32
        %dma_wait3A_100 = arith.constant 0 : i32
        %dma_wait3A_101 = arith.constant 0 : i32
        %dma_wait3A_102 = tpu.memref_slice %arg5[%dma_wait3A_100, %dma_wait3A_101] : memref<10000x64xf32, #tpu.memory_space<hbm>> -> memref<10000x64xf32, #tpu.memory_space<hbm>>
        tpu.wait_indirect_dma semaphore(%arg27 : memref<!tpu.dma_semaphore, #tpu.memory_space<semaphore_mem>>) src(%dma_wait3A_102 : memref<10000x64xf32, #tpu.memory_space<hbm>>) dst(%arg19 : memref<80x64xf32, #tpu.memory_space<vmem>>)
        %scan3A_103 = arith.constant 0 : i32
        %scan3A_104 = arith.constant 80 : i32
        %scan3A_105 = arith.addi %scan3A_103, %scan3A_104 : i32
        %scan3A_106 = arith.constant 1 : i32
        scf.for %scan3A_108 = %scan3A_103 to %scan3A_105 step %scan3A_106  : i32 {
          %mul3A_109 = arith.constant 1 : i32
          %mul3A_110 = arith.muli %scan3A_108, %mul3A_109 : i32
          %add3A_111 = arith.constant 0 : i32
          %add3A_112 = arith.addi %add3A_111, %mul3A_110 : i32
          %get3A = arith.index_cast %add3A_112 : i32 to index
          %get3A_113 = arith.constant 0 : index
          %get3A_114 = tpu.vector_load %arg22[%get3A, %get3A_113] {strides = array<i32>} : memref<80x16xf32, #tpu.memory_space<vmem>>, vector<16xf32>,
          %slice3A = vector.extract_strided_slice %get3A_114 {offsets = [0], sizes = [1], strides = [1]} : vector<16xf32> to vector<1xf32>
          %squeeze3A = vector.extract %slice3A[0] : f32 from vector<1xf32>
          %get3A_115 = arith.index_cast %add3A_112 : i32 to index
          %get3A_116 = arith.constant 0 : index
          %get3A_117 = tpu.vector_load %arg19[%get3A_115, %get3A_116] {strides = array<i32>} : memref<80x64xf32, #tpu.memory_space<vmem>>, vector<16xf32>,
          %mul3A_118 = vector.broadcast %squeeze3A : f32 to vector<16xf32>
          %mul3A_119 = arith.mulf %get3A_117, %mul3A_118 : vector<16xf32>
          %swap3A = arith.index_cast %add3A_112 : i32 to index
          %swap3A_120 = arith.constant 0 : index
          %swap3A_121 = tpu.vector_load %arg19[%swap3A, %swap3A_120] {strides = array<i32>} : memref<80x64xf32, #tpu.memory_space<vmem>>, vector<16xf32>,
          tpu.vector_store %arg19[%swap3A, %swap3A_120], %mul3A_119 {strides = array<i32>} : memref<80x64xf32, #tpu.memory_space<vmem>>, vector<16xf32>,
          %get3A_122 = arith.index_cast %add3A_112 : i32 to index
          %get3A_123 = arith.constant 16 : index
          %get3A_124 = tpu.vector_load %arg19[%get3A_122, %get3A_123] {strides = array<i32>} : memref<80x64xf32, #tpu.memory_space<vmem>>, vector<16xf32>,
          %mul3A_125 = vector.broadcast %squeeze3A : f32 to vector<16xf32>
          %mul3A_126 = arith.mulf %get3A_124, %mul3A_125 : vector<16xf32>
          %swap3A_127 = arith.index_cast %add3A_112 : i32 to index
          %swap3A_128 = arith.constant 16 : index
          %swap3A_129 = tpu.vector_load %arg19[%swap3A_127, %swap3A_128] {strides = array<i32>} : memref<80x64xf32, #tpu.memory_space<vmem>>, vector<16xf32>,
          tpu.vector_store %arg19[%swap3A_127, %swap3A_128], %mul3A_126 {strides = array<i32>} : memref<80x64xf32, #tpu.memory_space<vmem>>, vector<16xf32>,
          %get3A_130 = arith.index_cast %add3A_112 : i32 to index
          %get3A_131 = arith.constant 32 : index
          %get3A_132 = tpu.vector_load %arg19[%get3A_130, %get3A_131] {strides = array<i32>} : memref<80x64xf32, #tpu.memory_space<vmem>>, vector<16xf32>,
          %mul3A_133 = vector.broadcast %squeeze3A : f32 to vector<16xf32>
          %mul3A_134 = arith.mulf %get3A_132, %mul3A_133 : vector<16xf32>
          %swap3A_135 = arith.index_cast %add3A_112 : i32 to index
          %swap3A_136 = arith.constant 32 : index
          %swap3A_137 = tpu.vector_load %arg19[%swap3A_135, %swap3A_136] {strides = array<i32>} : memref<80x64xf32, #tpu.memory_space<vmem>>, vector<16xf32>,
          tpu.vector_store %arg19[%swap3A_135, %swap3A_136], %mul3A_134 {strides = array<i32>} : memref<80x64xf32, #tpu.memory_space<vmem>>, vector<16xf32>,
          %get3A_138 = arith.index_cast %add3A_112 : i32 to index
          %get3A_139 = arith.constant 48 : index
          %get3A_140 = tpu.vector_load %arg19[%get3A_138, %get3A_139] {strides = array<i32>} : memref<80x64xf32, #tpu.memory_space<vmem>>, vector<16xf32>,
          %mul3A_141 = vector.broadcast %squeeze3A : f32 to vector<16xf32>
          %mul3A_142 = arith.mulf %get3A_140, %mul3A_141 : vector<16xf32>
          %swap3A_143 = arith.index_cast %add3A_112 : i32 to index
          %swap3A_144 = arith.constant 48 : index
          %swap3A_145 = tpu.vector_load %arg19[%swap3A_143, %swap3A_144] {strides = array<i32>} : memref<80x64xf32, #tpu.memory_space<vmem>>, vector<16xf32>,
          tpu.vector_store %arg19[%swap3A_143, %swap3A_144], %mul3A_142 {strides = array<i32>} : memref<80x64xf32, #tpu.memory_space<vmem>>, vector<16xf32>,
        }
        %scan3A_107 = arith.constant 80 : i32
      }
      %scan3A_72 = arith.constant 250 : i32
      %barrier3A_73 = arith.constant 0 : index
      tpu.barrier barrier_id(%barrier3A_73)
      "tpu.region"() ({
        %run_scoped3A = tpu.sem_alloc : memref<!tpu.dma_semaphore, #tpu.memory_space<semaphore_mem>>
        %dma_start3A = arith.constant 0 : i32
        %dma_start3A_74 = tpu.memref_slice %arg12[%mul3A_10, %dma_start3A] : memref<10240x64xf32, #tpu.memory_space<hbm>> -> memref<640x64xf32, #tpu.memory_space<hbm>>
        %dma_start3A_75 = arith.constant 0 : i32
        %dma_start3A_76 = tpu.memref_slice %arg25[%mul3A_10, %dma_start3A_75] : memref<10240x64xf32, #tpu.memory_space<vmem_shared>> -> memref<640x64xf32, #tpu.memory_space<vmem_shared>>
        tpu.enqueue_dma source(%dma_start3A_76 : memref<640x64xf32, #tpu.memory_space<vmem_shared>>) target(%dma_start3A_74 : memref<640x64xf32, #tpu.memory_space<hbm>>) target_semaphore(%run_scoped3A : memref<!tpu.dma_semaphore, #tpu.memory_space<semaphore_mem>>)
        %dma_wait3A = arith.constant 0 : i32
        %dma_wait3A_77 = tpu.memref_slice %arg12[%mul3A_10, %dma_wait3A] : memref<10240x64xf32, #tpu.memory_space<hbm>> -> memref<640x64xf32, #tpu.memory_space<hbm>>
        %dma_wait3A_78 = arith.constant 0 : i32
        %dma_wait3A_79 = tpu.memref_slice %arg25[%mul3A_10, %dma_wait3A_78] : memref<10240x64xf32, #tpu.memory_space<vmem_shared>> -> memref<640x64xf32, #tpu.memory_space<vmem_shared>>
        tpu.wait_dma2 semaphore(%run_scoped3A : memref<!tpu.dma_semaphore, #tpu.memory_space<semaphore_mem>>) src(%dma_wait3A_79 : memref<640x64xf32, #tpu.memory_space<vmem_shared>>) dst(%dma_wait3A_77 : memref<640x64xf32, #tpu.memory_space<hbm>>)
        tpu.yield
      }) : () -> ()
      "tpu.region"() ({
        %run_scoped3A = tpu.sem_alloc : memref<!tpu.dma_semaphore, #tpu.memory_space<semaphore_mem>>
        %dma_start3A = arith.constant 0 : i32
        %dma_start3A_74 = tpu.memref_slice %arg16[%mul3A_10, %dma_start3A] : memref<10240x16xf32, #tpu.memory_space<hbm>> -> memref<640x16xf32, #tpu.memory_space<hbm>>
        %dma_start3A_75 = arith.constant 0 : i32
        %dma_start3A_76 = tpu.memref_slice %arg26[%mul3A_10, %dma_start3A_75] : memref<10240x16xf32, #tpu.memory_space<vmem_shared>> -> memref<640x16xf32, #tpu.memory_space<vmem_shared>>
        tpu.enqueue_dma source(%dma_start3A_76 : memref<640x16xf32, #tpu.memory_space<vmem_shared>>) target(%dma_start3A_74 : memref<640x16xf32, #tpu.memory_space<hbm>>) target_semaphore(%run_scoped3A : memref<!tpu.dma_semaphore, #tpu.memory_space<semaphore_mem>>)
        %dma_wait3A = arith.constant 0 : i32
        %dma_wait3A_77 = tpu.memref_slice %arg16[%mul3A_10, %dma_wait3A] : memref<10240x16xf32, #tpu.memory_space<hbm>> -> memref<640x16xf32, #tpu.memory_space<hbm>>
        %dma_wait3A_78 = arith.constant 0 : i32
        %dma_wait3A_79 = tpu.memref_slice %arg26[%mul3A_10, %dma_wait3A_78] : memref<10240x16xf32, #tpu.memory_space<vmem_shared>> -> memref<640x16xf32, #tpu.memory_space<vmem_shared>>
        tpu.wait_dma2 semaphore(%run_scoped3A : memref<!tpu.dma_semaphore, #tpu.memory_space<semaphore_mem>>) src(%dma_wait3A_79 : memref<640x16xf32, #tpu.memory_space<vmem_shared>>) dst(%dma_wait3A_77 : memref<640x16xf32, #tpu.memory_space<hbm>>)
        tpu.yield
      }) : () -> ()
    } else {
    }
    return
  }
}

module attributes {stable_mosaic.version = 14 : i64} {
  func.func @_p1_body(%arg0: i32, %arg1: memref<1000x128xf32, #tpu.memory_space<vmem>>, %arg2: memref<128x512xf32, #tpu.memory_space<vmem>>, %arg3: memref<256x16xf32, #tpu.memory_space<vmem>>, %arg4: memref<1000x64xf32, #tpu.memory_space<vmem>>, %arg5: memref<1000x64xf32, #tpu.memory_space<vmem>>, %arg6: memref<1000x64xf32, #tpu.memory_space<vmem>>, %arg7: memref<1000x64xf32, #tpu.memory_space<vmem>>, %arg8: memref<1000x256xf32, #tpu.memory_space<vmem>>, %arg9: memref<1000x16xf32, #tpu.memory_space<vmem>>) attributes {dimension_semantics = [#tpu.dimension_semantics<arbitrary>], iteration_bounds = array<i64: 10>, scalar_prefetch = 0 : i64, scratch_operands = 0 : i64, tpu.core_type = #tpu.core_type<tc>, window_params = [{transform_indices = @transform_0, window_bounds = array<i64: 1000, 128>}, {pipeline_mode = #tpu.pipeline_mode<synchronous>, transform_indices = @transform_1, window_bounds = array<i64: 128, 512>}, {pipeline_mode = #tpu.pipeline_mode<synchronous>, transform_indices = @transform_2, window_bounds = array<i64: 256, 16>}, {transform_indices = @transform_3, window_bounds = array<i64: 1000, 64>}, {transform_indices = @transform_4, window_bounds = array<i64: 1000, 64>}, {transform_indices = @transform_5, window_bounds = array<i64: 1000, 64>}, {transform_indices = @transform_6, window_bounds = array<i64: 1000, 64>}, {transform_indices = @transform_7, window_bounds = array<i64: 1000, 256>}, {transform_indices = @transform_8, window_bounds = array<i64: 1000, 16>}]} {
    %get3A = arith.constant 0 : index
    %get3A_0 = arith.constant 0 : index
    %get3A_1 = vector.load %arg1[%get3A, %get3A_0] : memref<1000x128xf32, #tpu.memory_space<vmem>>, vector<1000x128xf32>
    %get3A_2 = arith.constant 0 : index
    %get3A_3 = arith.constant 0 : index
    %get3A_4 = vector.load %arg2[%get3A_2, %get3A_3] : memref<128x512xf32, #tpu.memory_space<vmem>>, vector<128x512xf32>
    %dot_general3A = arith.constant dense<0.000000e+00> : vector<1000x512xf32>
    %dot_general3A_5 = tpu.matmul %get3A_1, %get3A_4, %dot_general3A {dimension_numbers = #tpu.dot_dimension_numbers<[1], [0], [0], [1], [0, 0, 1, 1], [], []>, transpose_lhs_hint = false} : vector<1000x128xf32>, vector<128x512xf32>, vector<1000x512xf32> -> vector<1000x512xf32>
    %slice3A = vector.extract_strided_slice %dot_general3A_5 {offsets = [0, 0], sizes = [1000, 64], strides = [1, 1]} : vector<1000x512xf32> to vector<1000x64xf32>
    %swap3A = arith.constant 0 : index
    %swap3A_6 = arith.constant 0 : index
    %swap3A_7 = vector.load %arg4[%swap3A, %swap3A_6] : memref<1000x64xf32, #tpu.memory_space<vmem>>, vector<1000x64xf32>
    tpu.vector_store %arg4[%swap3A, %swap3A_6], %slice3A {strides = array<i32>} : memref<1000x64xf32, #tpu.memory_space<vmem>>, vector<1000x64xf32>,
    %slice3A_8 = vector.extract_strided_slice %dot_general3A_5 {offsets = [0, 64], sizes = [1000, 64], strides = [1, 1]} : vector<1000x512xf32> to vector<1000x64xf32>
    %swap3A_9 = arith.constant 0 : index
    %swap3A_10 = arith.constant 0 : index
    %swap3A_11 = vector.load %arg5[%swap3A_9, %swap3A_10] : memref<1000x64xf32, #tpu.memory_space<vmem>>, vector<1000x64xf32>
    tpu.vector_store %arg5[%swap3A_9, %swap3A_10], %slice3A_8 {strides = array<i32>} : memref<1000x64xf32, #tpu.memory_space<vmem>>, vector<1000x64xf32>,
    %slice3A_12 = vector.extract_strided_slice %dot_general3A_5 {offsets = [0, 128], sizes = [1000, 64], strides = [1, 1]} : vector<1000x512xf32> to vector<1000x64xf32>
    %swap3A_13 = arith.constant 0 : index
    %swap3A_14 = arith.constant 0 : index
    %swap3A_15 = vector.load %arg6[%swap3A_13, %swap3A_14] : memref<1000x64xf32, #tpu.memory_space<vmem>>, vector<1000x64xf32>
    tpu.vector_store %arg6[%swap3A_13, %swap3A_14], %slice3A_12 {strides = array<i32>} : memref<1000x64xf32, #tpu.memory_space<vmem>>, vector<1000x64xf32>,
    %slice3A_16 = vector.extract_strided_slice %dot_general3A_5 {offsets = [0, 192], sizes = [1000, 64], strides = [1, 1]} : vector<1000x512xf32> to vector<1000x64xf32>
    %swap3A_17 = arith.constant 0 : index
    %swap3A_18 = arith.constant 0 : index
    %swap3A_19 = vector.load %arg7[%swap3A_17, %swap3A_18] : memref<1000x64xf32, #tpu.memory_space<vmem>>, vector<1000x64xf32>
    tpu.vector_store %arg7[%swap3A_17, %swap3A_18], %slice3A_16 {strides = array<i32>} : memref<1000x64xf32, #tpu.memory_space<vmem>>, vector<1000x64xf32>,
    %slice3A_20 = vector.extract_strided_slice %dot_general3A_5 {offsets = [0, 256], sizes = [1000, 256], strides = [1, 1]} : vector<1000x512xf32> to vector<1000x256xf32>
    %swap3A_21 = arith.constant 0 : index
    %swap3A_22 = arith.constant 0 : index
    %swap3A_23 = vector.load %arg8[%swap3A_21, %swap3A_22] : memref<1000x256xf32, #tpu.memory_space<vmem>>, vector<1000x256xf32>
    tpu.vector_store %arg8[%swap3A_21, %swap3A_22], %slice3A_20 {strides = array<i32>} : memref<1000x256xf32, #tpu.memory_space<vmem>>, vector<1000x256xf32>,
    %slice3A_24 = vector.extract_strided_slice %dot_general3A_5 {offsets = [0, 0], sizes = [1000, 256], strides = [1, 1]} : vector<1000x512xf32> to vector<1000x256xf32>
    %get3A_25 = arith.constant 0 : index
    %get3A_26 = arith.constant 0 : index
    %get3A_27 = vector.load %arg3[%get3A_25, %get3A_26] : memref<256x16xf32, #tpu.memory_space<vmem>>, vector<256x16xf32>
    %dot_general3A_28 = arith.constant dense<0.000000e+00> : vector<1000x16xf32>
    %dot_general3A_29 = tpu.matmul %slice3A_24, %get3A_27, %dot_general3A_28 {dimension_numbers = #tpu.dot_dimension_numbers<[1], [0], [0], [1], [0, 0, 1, 1], [], []>, transpose_lhs_hint = false} : vector<1000x256xf32>, vector<256x16xf32>, vector<1000x16xf32> -> vector<1000x16xf32>
    %swap3A_30 = arith.constant 0 : index
    %swap3A_31 = arith.constant 0 : index
    %swap3A_32 = vector.load %arg9[%swap3A_30, %swap3A_31] : memref<1000x16xf32, #tpu.memory_space<vmem>>, vector<1000x16xf32>
    tpu.vector_store %arg9[%swap3A_30, %swap3A_31], %dot_general3A_29 {strides = array<i32>} : memref<1000x16xf32, #tpu.memory_space<vmem>>, vector<1000x16xf32>,
    return
  }
  func.func @transform_0(%arg0: i32) -> (i32, i32) {
    %c0_i32 = arith.constant 0 : i32
    %c0_i32_0 = arith.constant 0 : i32
    return %arg0, %c0_i32 : i32, i32
  }
  func.func @transform_1(%arg0: i32) -> (i32, i32) {
    %c0_i32 = arith.constant 0 : i32
    %c0_i32_0 = arith.constant 0 : i32
    %c0_i32_1 = arith.constant 0 : i32
    return %c0_i32, %c0_i32_0 : i32, i32
  }
  func.func @transform_2(%arg0: i32) -> (i32, i32) {
    %c0_i32 = arith.constant 0 : i32
    %c0_i32_0 = arith.constant 0 : i32
    %c0_i32_1 = arith.constant 0 : i32
    return %c0_i32, %c0_i32_0 : i32, i32
  }
  func.func @transform_3(%arg0: i32) -> (i32, i32) {
    %c0_i32 = arith.constant 0 : i32
    %c0_i32_0 = arith.constant 0 : i32
    return %arg0, %c0_i32 : i32, i32
  }
  func.func @transform_4(%arg0: i32) -> (i32, i32) {
    %c0_i32 = arith.constant 0 : i32
    %c0_i32_0 = arith.constant 0 : i32
    return %arg0, %c0_i32 : i32, i32
  }
  func.func @transform_5(%arg0: i32) -> (i32, i32) {
    %c0_i32 = arith.constant 0 : i32
    %c0_i32_0 = arith.constant 0 : i32
    return %arg0, %c0_i32 : i32, i32
  }
  func.func @transform_6(%arg0: i32) -> (i32, i32) {
    %c0_i32 = arith.constant 0 : i32
    %c0_i32_0 = arith.constant 0 : i32
    return %arg0, %c0_i32 : i32, i32
  }
  func.func @transform_7(%arg0: i32) -> (i32, i32) {
    %c0_i32 = arith.constant 0 : i32
    %c0_i32_0 = arith.constant 0 : i32
    return %arg0, %c0_i32 : i32, i32
  }
  func.func @transform_8(%arg0: i32) -> (i32, i32) {
    %c0_i32 = arith.constant 0 : i32
    %c0_i32_0 = arith.constant 0 : i32
    return %arg0, %c0_i32 : i32, i32
  }
}

module attributes {stable_mosaic.version = 14 : i64} {
  func.func @_p2_body(%arg0: i32, %arg1: memref<1000x64xf32, #tpu.memory_space<vmem>>, %arg2: memref<1000x64xf32, #tpu.memory_space<vmem>>, %arg3: memref<1000x64xf32, #tpu.memory_space<vmem>>, %arg4: memref<1000x64xf32, #tpu.memory_space<vmem>>, %arg5: memref<1000x16xf32, #tpu.memory_space<vmem>>, %arg6: memref<1000x16xf32, #tpu.memory_space<vmem>>, %arg7: memref<1000x16xf32, #tpu.memory_space<vmem>>, %arg8: memref<1000x16xf32, #tpu.memory_space<vmem>>, %arg9: memref<1000x256xf32, #tpu.memory_space<vmem>>, %arg10: memref<1000x256xf32, #tpu.memory_space<vmem>>) attributes {dimension_semantics = [#tpu.dimension_semantics<arbitrary>], iteration_bounds = array<i64: 10>, scalar_prefetch = 0 : i64, scratch_operands = 0 : i64, tpu.core_type = #tpu.core_type<tc>, window_params = [{transform_indices = @transform_0, window_bounds = array<i64: 1000, 64>}, {transform_indices = @transform_1, window_bounds = array<i64: 1000, 64>}, {transform_indices = @transform_2, window_bounds = array<i64: 1000, 64>}, {transform_indices = @transform_3, window_bounds = array<i64: 1000, 64>}, {transform_indices = @transform_4, window_bounds = array<i64: 1000, 16>}, {transform_indices = @transform_5, window_bounds = array<i64: 1000, 16>}, {transform_indices = @transform_6, window_bounds = array<i64: 1000, 16>}, {transform_indices = @transform_7, window_bounds = array<i64: 1000, 16>}, {transform_indices = @transform_8, window_bounds = array<i64: 1000, 256>}, {transform_indices = @transform_9, window_bounds = array<i64: 1000, 256>}]} {
    %get3A = arith.constant 0 : index
    %get3A_0 = arith.constant 0 : index
    %get3A_1 = vector.load %arg9[%get3A, %get3A_0] : memref<1000x256xf32, #tpu.memory_space<vmem>>, vector<1000x256xf32>
    %get3A_2 = arith.constant 0 : index
    %get3A_3 = arith.constant 0 : index
    %get3A_4 = vector.load %arg5[%get3A_2, %get3A_3] : memref<1000x16xf32, #tpu.memory_space<vmem>>, vector<1000x1xf32>
    %max3A = arith.constant 1.000000e-16 : f32
    %max3A_5 = vector.broadcast %max3A : f32 to vector<1000x1xf32>
    %max3A_6 = arith.maximumf %get3A_4, %max3A_5 : vector<1000x1xf32>
    %div3A = arith.constant 1.000000e+00 : f32
    %div3A_7 = vector.broadcast %div3A : f32 to vector<1000x1xf32>
    %div3A_8 = arith.divf %div3A_7, %max3A_6 : vector<1000x1xf32>
    %broadcast_in_dim3A = vector.shape_cast %div3A_8 : vector<1000x1xf32> to vector<1000x1xf32>
    %broadcast_in_dim3A_9 = vector.broadcast %broadcast_in_dim3A : vector<1000x1xf32> to vector<1000x64xf32>
    %get3A_10 = arith.constant 0 : index
    %get3A_11 = arith.constant 0 : index
    %get3A_12 = vector.load %arg1[%get3A_10, %get3A_11] : memref<1000x64xf32, #tpu.memory_space<vmem>>, vector<1000x64xf32>
    %mul3A = arith.mulf %get3A_12, %broadcast_in_dim3A_9 : vector<1000x64xf32>
    %slice3A = vector.extract_strided_slice %get3A_1 {offsets = [0, 0], sizes = [1000, 64], strides = [1, 1]} : vector<1000x256xf32> to vector<1000x64xf32>
    %add3A = arith.addf %mul3A, %slice3A : vector<1000x64xf32>
    %swap3A = arith.constant 0 : index
    %swap3A_13 = arith.constant 0 : index
    %swap3A_14 = vector.load %arg10[%swap3A, %swap3A_13] : memref<1000x256xf32, #tpu.memory_space<vmem>>, vector<1000x64xf32>
    tpu.vector_store %arg10[%swap3A, %swap3A_13], %add3A {strides = array<i32>} : memref<1000x256xf32, #tpu.memory_space<vmem>>, vector<1000x64xf32>,
    %get3A_15 = arith.constant 0 : index
    %get3A_16 = arith.constant 0 : index
    %get3A_17 = vector.load %arg6[%get3A_15, %get3A_16] : memref<1000x16xf32, #tpu.memory_space<vmem>>, vector<1000x1xf32>
    %max3A_18 = arith.constant 1.000000e-16 : f32
    %max3A_19 = vector.broadcast %max3A_18 : f32 to vector<1000x1xf32>
    %max3A_20 = arith.maximumf %get3A_17, %max3A_19 : vector<1000x1xf32>
    %div3A_21 = arith.constant 1.000000e+00 : f32
    %div3A_22 = vector.broadcast %div3A_21 : f32 to vector<1000x1xf32>
    %div3A_23 = arith.divf %div3A_22, %max3A_20 : vector<1000x1xf32>
    %broadcast_in_dim3A_24 = vector.shape_cast %div3A_23 : vector<1000x1xf32> to vector<1000x1xf32>
    %broadcast_in_dim3A_25 = vector.broadcast %broadcast_in_dim3A_24 : vector<1000x1xf32> to vector<1000x64xf32>
    %get3A_26 = arith.constant 0 : index
    %get3A_27 = arith.constant 0 : index
    %get3A_28 = vector.load %arg2[%get3A_26, %get3A_27] : memref<1000x64xf32, #tpu.memory_space<vmem>>, vector<1000x64xf32>
    %mul3A_29 = arith.mulf %get3A_28, %broadcast_in_dim3A_25 : vector<1000x64xf32>
    %slice3A_30 = vector.extract_strided_slice %get3A_1 {offsets = [0, 64], sizes = [1000, 64], strides = [1, 1]} : vector<1000x256xf32> to vector<1000x64xf32>
    %add3A_31 = arith.addf %mul3A_29, %slice3A_30 : vector<1000x64xf32>
    %swap3A_32 = arith.constant 0 : index
    %swap3A_33 = arith.constant 64 : index
    %swap3A_34 = vector.load %arg10[%swap3A_32, %swap3A_33] : memref<1000x256xf32, #tpu.memory_space<vmem>>, vector<1000x64xf32>
    tpu.vector_store %arg10[%swap3A_32, %swap3A_33], %add3A_31 {strides = array<i32>} : memref<1000x256xf32, #tpu.memory_space<vmem>>, vector<1000x64xf32>,
    %get3A_35 = arith.constant 0 : index
    %get3A_36 = arith.constant 0 : index
    %get3A_37 = vector.load %arg7[%get3A_35, %get3A_36] : memref<1000x16xf32, #tpu.memory_space<vmem>>, vector<1000x1xf32>
    %max3A_38 = arith.constant 1.000000e-16 : f32
    %max3A_39 = vector.broadcast %max3A_38 : f32 to vector<1000x1xf32>
    %max3A_40 = arith.maximumf %get3A_37, %max3A_39 : vector<1000x1xf32>
    %div3A_41 = arith.constant 1.000000e+00 : f32
    %div3A_42 = vector.broadcast %div3A_41 : f32 to vector<1000x1xf32>
    %div3A_43 = arith.divf %div3A_42, %max3A_40 : vector<1000x1xf32>
    %broadcast_in_dim3A_44 = vector.shape_cast %div3A_43 : vector<1000x1xf32> to vector<1000x1xf32>
    %broadcast_in_dim3A_45 = vector.broadcast %broadcast_in_dim3A_44 : vector<1000x1xf32> to vector<1000x64xf32>
    %get3A_46 = arith.constant 0 : index
    %get3A_47 = arith.constant 0 : index
    %get3A_48 = vector.load %arg3[%get3A_46, %get3A_47] : memref<1000x64xf32, #tpu.memory_space<vmem>>, vector<1000x64xf32>
    %mul3A_49 = arith.mulf %get3A_48, %broadcast_in_dim3A_45 : vector<1000x64xf32>
    %slice3A_50 = vector.extract_strided_slice %get3A_1 {offsets = [0, 128], sizes = [1000, 64], strides = [1, 1]} : vector<1000x256xf32> to vector<1000x64xf32>
    %add3A_51 = arith.addf %mul3A_49, %slice3A_50 : vector<1000x64xf32>
    %swap3A_52 = arith.constant 0 : index
    %swap3A_53 = arith.constant 128 : index
    %swap3A_54 = vector.load %arg10[%swap3A_52, %swap3A_53] : memref<1000x256xf32, #tpu.memory_space<vmem>>, vector<1000x64xf32>
    tpu.vector_store %arg10[%swap3A_52, %swap3A_53], %add3A_51 {strides = array<i32>} : memref<1000x256xf32, #tpu.memory_space<vmem>>, vector<1000x64xf32>,
    %get3A_55 = arith.constant 0 : index
    %get3A_56 = arith.constant 0 : index
    %get3A_57 = vector.load %arg8[%get3A_55, %get3A_56] : memref<1000x16xf32, #tpu.memory_space<vmem>>, vector<1000x1xf32>
    %max3A_58 = arith.constant 1.000000e-16 : f32
    %max3A_59 = vector.broadcast %max3A_58 : f32 to vector<1000x1xf32>
    %max3A_60 = arith.maximumf %get3A_57, %max3A_59 : vector<1000x1xf32>
    %div3A_61 = arith.constant 1.000000e+00 : f32
    %div3A_62 = vector.broadcast %div3A_61 : f32 to vector<1000x1xf32>
    %div3A_63 = arith.divf %div3A_62, %max3A_60 : vector<1000x1xf32>
    %broadcast_in_dim3A_64 = vector.shape_cast %div3A_63 : vector<1000x1xf32> to vector<1000x1xf32>
    %broadcast_in_dim3A_65 = vector.broadcast %broadcast_in_dim3A_64 : vector<1000x1xf32> to vector<1000x64xf32>
    %get3A_66 = arith.constant 0 : index
    %get3A_67 = arith.constant 0 : index
    %get3A_68 = vector.load %arg4[%get3A_66, %get3A_67] : memref<1000x64xf32, #tpu.memory_space<vmem>>, vector<1000x64xf32>
    %mul3A_69 = arith.mulf %get3A_68, %broadcast_in_dim3A_65 : vector<1000x64xf32>
    %slice3A_70 = vector.extract_strided_slice %get3A_1 {offsets = [0, 192], sizes = [1000, 64], strides = [1, 1]} : vector<1000x256xf32> to vector<1000x64xf32>
    %add3A_71 = arith.addf %mul3A_69, %slice3A_70 : vector<1000x64xf32>
    %swap3A_72 = arith.constant 0 : index
    %swap3A_73 = arith.constant 192 : index
    %swap3A_74 = vector.load %arg10[%swap3A_72, %swap3A_73] : memref<1000x256xf32, #tpu.memory_space<vmem>>, vector<1000x64xf32>
    tpu.vector_store %arg10[%swap3A_72, %swap3A_73], %add3A_71 {strides = array<i32>} : memref<1000x256xf32, #tpu.memory_space<vmem>>, vector<1000x64xf32>,
    return
  }
  func.func @transform_0(%arg0: i32) -> (i32, i32) {
    %c0_i32 = arith.constant 0 : i32
    %c0_i32_0 = arith.constant 0 : i32
    return %arg0, %c0_i32 : i32, i32
  }
  func.func @transform_1(%arg0: i32) -> (i32, i32) {
    %c0_i32 = arith.constant 0 : i32
    %c0_i32_0 = arith.constant 0 : i32
    return %arg0, %c0_i32 : i32, i32
  }
  func.func @transform_2(%arg0: i32) -> (i32, i32) {
    %c0_i32 = arith.constant 0 : i32
    %c0_i32_0 = arith.constant 0 : i32
    return %arg0, %c0_i32 : i32, i32
  }
  func.func @transform_3(%arg0: i32) -> (i32, i32) {
    %c0_i32 = arith.constant 0 : i32
    %c0_i32_0 = arith.constant 0 : i32
    return %arg0, %c0_i32 : i32, i32
  }
  func.func @transform_4(%arg0: i32) -> (i32, i32) {
    %c0_i32 = arith.constant 0 : i32
    %c0_i32_0 = arith.constant 0 : i32
    return %arg0, %c0_i32 : i32, i32
  }
  func.func @transform_5(%arg0: i32) -> (i32, i32) {
    %c0_i32 = arith.constant 0 : i32
    %c0_i32_0 = arith.constant 0 : i32
    return %arg0, %c0_i32 : i32, i32
  }
  func.func @transform_6(%arg0: i32) -> (i32, i32) {
    %c0_i32 = arith.constant 0 : i32
    %c0_i32_0 = arith.constant 0 : i32
    return %arg0, %c0_i32 : i32, i32
  }
  func.func @transform_7(%arg0: i32) -> (i32, i32) {
    %c0_i32 = arith.constant 0 : i32
    %c0_i32_0 = arith.constant 0 : i32
    return %arg0, %c0_i32 : i32, i32
  }
  func.func @transform_8(%arg0: i32) -> (i32, i32) {
    %c0_i32 = arith.constant 0 : i32
    %c0_i32_0 = arith.constant 0 : i32
    return %arg0, %c0_i32 : i32, i32
  }
  func.func @transform_9(%arg0: i32) -> (i32, i32) {
    %c0_i32 = arith.constant 0 : i32
    %c0_i32_0 = arith.constant 0 : i32
    return %arg0, %c0_i32 : i32, i32
  }
}

</mosaic_0001>

<sc_bundles>
// kernel: kernel.5.cloned.1.call-start
scs
__scs_entry_jumppad:
0x0: {  	(pc) =	sbr.rel $0x88, $3  }
0x1: {  	(tag) =	ssettag $0x0;
	lr =	simm.s32 $0x1  }
0x2: {  	[smem:$0x3F9B] =	sst lr;
	_ =	strace $0xD0000000  }
0x3: {  	_ = 	snop  }
0x4: {  	_ = 	snop  }
0x5: {  	_ = 	snop  }
0x6: {  	_ = 	snop  }
0x7: {  	_ = 	snop  }
__scs_overlays_trampoline_lowered:
0x8: {  	[smem:$0x3FAA] =	sst s0  }
0x9: {  	[smem:$0x3FAB] =	sst s1  }
0xa: {  	[smem:$0x3FAC] =	sst s2  }
0xb: {  	[smem:$0x3FAD] =	sst s3  }
0xc: {  	[smem:$0x3FAE] =	sst s4  }
0xd: {  	[smem:$0x3FAF] =	sst s5  }
0xe: {  	[smem:$0x3FB0] =	sst s6  }
0xf: {  	[smem:$0x3FB1] =	sst s7  }
0x10: {  	[smem:$0x3FB2] =	sst s8  }
0x11: {  	[smem:$0x3FB3] =	sst s9;
	s0 =	simm.s32 @!p0 $0x0  }
0x12: {  	s1 =	sld [smem:$0x3F99];
	s0 =	simm.s32 @p0 $0x1  }
0x13: {  	[smem:$0x3FB4] =	sst s0;
	s0 =	simm.s32 @!p1 $0x0  }
0x14: {  	s2 =	sld [smem:$0x3F98];
	s0 =	simm.s32 @p1 $0x1  }
0x15: {  	[smem:$0x3FB5] =	sst s0;
	s0 =	simm.s32 @!p2 $0x0  }
0x16: {  	s3 =	sld [smem:$0x3FDB];
	s0 =	simm.s32 @p2 $0x1  }
0x17: {  	s4 =	simm.s32 $0x1BF5;
	[smem:$0x3FB7] =	sst s0  }
0x18: {  	s0 =	sld [smem:$0x3F9A];
	_ =	swait.ge [sflag:s4], $0x0  }
0x19: {  	s7 =	sld [smem:$0x3F9B]  }
0x1a: {  	s8 =	sadd.s32 $0xFFFFE003, lr  }
0x1b: {  	s9 =	sadd.s32 $0xFFFFFEF7, lr;
	s5 =	simm.s32 $0xFFFFFFFF;
	p2 =	slt.u32 s8, $0xFFFFF086  }
0x1c: {  	p1 =	slt.u32 s9, $0xF7A;
	s5 =	simm.s32 @!p2 $0x0  }
0x1d: {  	s5 =	simm.s32 @p1 $0x1;
	p0 =	seq.s32 s7, s2  }
0x1e: {  	s7 =	smul.u32 @!p0 $0xF7A, s2;
	p2 =	seq.s32 @!p0 s5, $0x0  }
0x1f: {  	s9 =	smul.u32 $0xF7A, s1;
	s8 =	simm.s32 @!p0 $0x1BF5;
	p2 =	por !p2, p0  }
0x20: {  	[sflag:s8] =	ssyncset.s32 @!p0 $0xFFFFF086;
	s6 =	sadd.s32 @!p0 s3, s7;
	s7 =	simm.s32 @!p0 $0x108  }
0x21: {  	s3 =	sadd.s32 s3, s9;
	s6 =	sadd.s32 @!p0 $0x88, s6;
	s7 =	simm.s32 @p2 $0x1082  }
0x22: {  	[simem:s7], [sflag:s8] =	dma.local @!p0 [hbm:s6], $0xF7A  }
0x23: {  	s9 =	sor.u32 $0xD0000000, s2;
	s6 =	simm.s32 $0x108;
	_ =	swait.ge @!p0 [sflag:s8], $0x0  }
0x24: {  	s3 =	sadd.s32 $0x88, s3;
	s6 =	simm.s32 @!p1 $0x1082;
	[sflag:s4] =	ssyncset.s32 $0xFFFFF086  }
0x25: {  	[simem:s6], [sflag:s4] =	dma.local [hbm:s3], $0xF7A  }
0x26: {  	[smem:$0x3F9B] =	sst s1;
	(tag) =	ssettag s2;
	_ =	strace s9  }
0x27: {  	s1 =	sld [smem:$0x3FAB]  }
0x28: {  	s2 =	sld [smem:$0x3FAC]  }
0x29: {  	s4 =	sld [smem:$0x3FAE]  }
0x2a: {  	p0 =	seq.s32 s5, $0x0;
	s5 =	sld [smem:$0x3FAF]  }
0x2b: {  	s6 =	sld [smem:$0x3FB0]  }
0x2c: {  	s7 =	sld [smem:$0x3FB1]  }
0x2d: {  	s3 =	simm.s32 $0x108;
	s8 =	sld [smem:$0x3FB2]  }
0x2e: {  	s3 =	simm.s32 @!p0 $0x1082;
	s9 =	sld [smem:$0x3FB3]  }
0x2f: {  	lr =	sadd.s32 s0, s3;
	s0 =	sld [smem:$0x3FAA]  }
0x30: {  	s3 =	sld [smem:$0x3FAD]  }
0x31: {  	[smem:$0x3FB6] =	sst s10  }
0x32: {  	s10 =	sld [smem:$0x3FB4];
	_ =	sdelay $0x3  }
0x33: {  	p0 =	seq.s32 s10, $0x1;
	s10 =	sld [smem:$0x3FB6];
	_ =	sdelay $0x3  }
0x34: {  	[smem:$0x3FB6] =	sst s10  }
0x35: {  	s10 =	sld [smem:$0x3FB5];
	_ =	sdelay $0x3  }
0x36: {  	p1 =	seq.s32 s10, $0x1;
	s10 =	sld [smem:$0x3FB6];
	_ =	sdelay $0x3  }
0x37: {  	[smem:$0x3FB6] =	sst s10  }
0x38: {  	s10 =	sld [smem:$0x3FB7]  }
0x39: {  	_ = 	snop;
	(pc) =	sbr.ind lr, $3  }
0x3a: {  	_ = 	snop  }
0x3b: {  	_ = 	snop  }
0x3c: {  	p2 =	seq.s32 s10, $0x1;
	s10 =	sld [smem:$0x3FB6]  }
0x3d: {  	_ =	shalt  }
0x3e: {  	_ =	shalt  }
0x3f: {  	_ =	shalt  }
0x40: {  	_ =	shalt  }
0x41: {  	_ =	shalt  }
0x42: {  	_ =	shalt  }
0x43: {  	_ =	shalt  }
0x44: {  	_ =	shalt  }
0x45: {  	_ =	shalt  }
0x46: {  	_ =	shalt  }
0x47: {  	_ =	shalt  }
0x48: {  	_ =	shalt  }
0x49: {  	_ =	shalt  }
0x4a: {  	_ =	shalt  }
0x4b: {  	_ =	shalt  }
0x4c: {  	_ =	shalt  }
0x4d: {  	_ =	shalt  }
0x4e: {  	_ =	shalt  }
0x4f: {  	_ =	shalt  }
0x50: {  	_ =	shalt  }
0x51: {  	_ =	shalt  }
0x52: {  	_ =	shalt  }
0x53: {  	_ =	shalt  }
0x54: {  	_ =	shalt  }
0x55: {  	_ =	shalt  }
0x56: {  	_ =	shalt  }
0x57: {  	_ =	shalt  }
0x58: {  	_ =	shalt  }
0x59: {  	_ =	shalt  }
0x5a: {  	_ =	shalt  }
0x5b: {  	_ =	shalt  }
0x5c: {  	_ =	shalt  }
0x5d: {  	_ =	shalt  }
0x5e: {  	_ =	shalt  }
0x5f: {  	_ =	shalt  }
0x60: {  	_ =	shalt  }
0x61: {  	_ =	shalt  }
0x62: {  	_ =	shalt  }
0x63: {  	_ =	shalt  }
0x64: {  	_ =	shalt  }
0x65: {  	_ =	shalt  }
0x66: {  	_ =	shalt  }
0x67: {  	_ =	shalt  }
0x68: {  	_ =	shalt  }
0x69: {  	_ =	shalt  }
0x6a: {  	_ =	shalt  }
0x6b: {  	_ =	shalt  }
0x6c: {  	_ =	shalt  }
0x6d: {  	_ =	shalt  }
0x6e: {  	_ =	shalt  }
0x6f: {  	_ =	shalt  }
0x70: {  	_ =	shalt  }
0x71: {  	_ =	shalt  }
0x72: {  	_ =	shalt  }
0x73: {  	_ =	shalt  }
0x74: {  	_ =	shalt  }
0x75: {  	_ =	shalt  }
0x76: {  	_ =	shalt  }
0x77: {  	_ =	shalt  }
0x78: {  	_ =	shalt  }
0x79: {  	_ =	shalt  }
0x7a: {  	_ =	shalt  }
0x7b: {  	_ =	shalt  }
0x7c: {  	_ =	shalt  }
0x7d: {  	_ =	shalt  }
0x7e: {  	_ =	shalt  }
0x7f: {  	_ =	shalt  }
0x80: {  	_ =	shalt  }
0x81: {  	_ =	shalt  }
0x82: {  	_ =	shalt  }
0x83: {  	_ =	shalt  }
0x84: {  	_ =	shalt  }
0x85: {  	_ =	shalt  }
0x86: {  	_ =	shalt  }
0x87: {  	_ =	shalt  }
.Lfunc_end0:
.L_simem_size_0:
called_computation_lowered:
.L_overlay_start_0:
0x88: {  	s2 =	sld [smem:$0x3FD9]  }
0x89: {  	s3 =	sld [smem:$0x3FFE];
	_ =	sdelay $0x1  }
0x8a: {  	s1 =	srdreg.scid  }
0x8b: {  	s0 =	sand.u32 $0x1, s1  }
0x8c: {  	s16 =	sshll.u32 s0, $0xA;
	s2 =	sadd.s32 s3, s2  }
0x8d: {  	s2 =	sadd.s32 s2, s16  }
0x8e: {  	[smem:$0x3FC2] =	sst s2  }
0x8f: {  	_ = 	snop  }
0x90: {  	(tm) =	ssettm $0x1  }
0x91: {  	s17 =	sld [smem:$0x3FFB];
	_ =	sdelay $0x3  }
0x92: {  	_ =	strace s17  }
0x93: {  	s2 =	sld [smem:$0x3FFC];
	_ =	sdelay $0x3  }
0x94: {  	_ =	strace s2  }
0x95: {  	s2 =	sld [smem:$0x3FFD];
	_ =	sdelay $0x3  }
0x96: {  	_ =	strace s2  }
0x97: {  	_ =	strace $0x8FFFFFFF  }
0x98: {  	s18 =	sld [smem:$0x3FDB];
	_ =	sdelay $0x1  }
0x99: {  	s19 =	simm.s32 $_scs_section_size  }
0x9a: {  	s4 =	simm.s32 $_size__tile_overlayer_lowered;
	s5 =	simm.s32 $_tile_overlayer_lowered  }
0x9b: {  	s22 =	simm.s32 $0x1BFF;
	s21 =	sshll.u32 s5, $0x1;
	s2 =	sadd.s32 s19, s18  }
0x9c: {  	s6 =	simm.s32 $0x0;
	s20 =	sshll.u32 s4, $0x1;
	s4 =	sadd.s32 s21, s2  }
0x9d: {  	[timem:s6], [sflag:s22] =	dma.local [hbm:s4], s20  }
0x9e: {  	_ =	swait.ge [sflag:s22], s20  }
0x9f: {  	s3 =	ssub.s32 $0x0, s20;
	[sflag:s22] =	ssyncset.done $0x0  }
0xa0: {  	[sflag:s22] =	ssyncadd.s32 s3;
	_ =	sdelay $0x1  }
0xa1: {  	s23 =	simm.s32 $0x1B8B  }
0xa2: {  	_ =	swait.ge [sflag:s23], $0x1  }
0xa3: {  	[sflag:s23] =	ssyncset.done $0x0  }
0xa4: {  	s25 =	simm.s32 $0x1B8E;
	s24 =	sld [smem:$0x3FFE];
	[sflag:s23] =	ssyncadd.s32 $0xFFFFFFFF  }
0xa5: {  	s26 =	simm.s32 $execute0_lowered;
	[smem:$0x3FD2] =	sst s25  }
0xa6: {  	s4 =	sshll.u32 s26, $0x1;
	_ =	strace $0x80000046;
	[dreg:$0x1] =	wrdreg $0xFFFFFFFF  }
0xa7: {  	s28 =	simm.s32 $_size_execute0_lowered;
	s2 =	sadd.s32 s2, s4;
	[dreg:$0x0] =	wrdreg $0x0  }
0xa8: {  	s4 =	sshll.u32 s28, $0x1;
	[dreg:$0x2] =	wrdreg s2  }
0xa9: {  	[dreg:$0x3] =	wrdreg s4  }
0xaa: {  	[dreg:$0x4] =	wrdreg $0xC0  }
0xab: {  	_ =	task [dreg:s6], $0x5FFFF  }
0xac: {  	[dreg:$0x1] =	wrdreg $0xFFFFFFFF  }
0xad: {  	[dreg:$0x0] =	wrdreg $0x60  }
0xae: {  	[dreg:$0x2] =	wrdreg s24  }
0xaf: {  	[dreg:$0x3] =	wrdreg $0x4BA00  }
0xb0: {  	[dreg:$0x4] =	wrdreg $0xEBA00  }
0xb1: {  	[dreg:$0x5] =	wrdreg $0x9  }
0xb2: {  	_ =	task.clear_ibuf [dreg:s6], $0x6FFFF;
	_ =	strace $0x90000046  }
0xb3: {  	s29 =	simm.s32 $0x9;
	_ =	strace $0x80000048  }
0xb4: {  	_ =	swait.ge [sflag:s29], $0x1  }
0xb5: {  	[sflag:s29] =	ssyncadd.s32 $0xFFFFFFFF  }
0xb6: {  	_ =	strace $0x90000048  }
0xb7: {  	_ =	sfence  }
0xb8: {  	s30 =	sld [smem:$0x0];
	_ =	sdelay $0x2  }
0xb9: {  	s31 =	sshll.u32 s1, $0xD;
	s1 =	sshrl.u32 s1, $0x2  }
0xba: {  	s3 =	sand.u32 $0x4000, s31;
	s1 =	sadd.s32 s1, s30  }
0xbb: {  	s0 =	sor.u32 s3, s0;
	s1 =	sshll.u32 s1, $0x11  }
0xbc: {  	s0 =	sor.u32 s1, s0  }
0xbd: {  	s0 =	sadd.s32 $0x8F2B, s0  }
0xbe: {  	[sflag:s0] =	ssyncadd.remote.s32 $0x1  }
0xbf: {  	_ =	sfence.sel $0xFFFF  }
0xc0: {  	[dreg:$0x0] =	wrdreg $0xFFFFFFFF;
	(pc) =	sbr.abs _section_cstart, $3  }
0xc1: {  	[dreg:$0x1] =	wrdreg $0xFFFFFFFF  }
0xc2: {  	_ =	task.clear_ibuf [dreg:s6], $0x2FFFF;
	_ =	strace $0x9FFFFFFF  }
0xc3: {  	(tm) =	ssettm $0x7FFFFFFF  }
tec
execute0_lowered:
.L_overlay_start_1:
0x0: {  	(tag) =	ssettag $0x1  }
0x1: {  	s0 =	rddreg [dreg:$0x0]  }
0x2: {  	s10 =	rddreg [dreg:$0x1]  }
0x3: {  	s3 =	rddreg [dreg:$0x2];
	s1 =	simm.s32 $0x0  }
0x4: {  	s22 =	stileid.u32;
	s9 =	srdreg.scid;
	s28 =	simm.s32 $0x43A0  }
0x5: {  	s29 =	simm.s32 $0x14A0;
	s30 =	simm.s32 $0x19A0;
	s31 =	simm.s32 $0x1  }
0x6: {  	[smem:$0x7FF] =	sst s1;
	s2 =	sadd.s32 $0x3C800, s0;
	s4 =	sadd.s32 $0x1A600, s0  }
0x7: {  	s5 =	sadd.s32 $0x50200, s0;
	s6 =	sadd.s32 $0x63C00, s0;
	s7 =	sadd.s32 $0x15600, s0  }
0x8: {  	s8 =	sadd.s32 $0xB800, s0;
	s11 =	smul.u32 $0xA000, s22;
	s12 =	sand.u32 $0x1, s9  }
0x9: {  	s9 =	sadd.s32 $0x1A00, s0;
	s14 =	smul.u32 $0x280, s22;
	s15 =	sadd.s32 $0x77600, s0  }
0xa: {  	_ =	strace $0x80000047;
	s13 =	ssub.s32 $0x2, s12;
	[dreg:$0x4] =	wrdreg s15  }
0xb: {  	p0 =	seq.s32 s12, $0x1;
	s16 =	sshrl.u32 s11, $0x3;
	s25 =	sshrl.u32 s13, $0x1  }
0xc: {  	s26 =	sadd.s32 $0x80, s14;
	s12 =	sadd.s32 s11, s10;
	s20 =	sadd.s32 $0x100, s14  }
0xd: {  	s17 =	sadd.s32 $0x180, s14;
	s14 =	sadd.s32 $0x200, s14;
	[dreg:$0x5] =	wrdreg s16  }
0xe: {  	s16 =	sadd.s32 s16, s0;
	s19 =	sshll.u32 s26, $0x6;
	s23 =	sshll.u32 s14, $0x6  }
0xf: {  	s15 =	sshll.u32 s26, $0x4;
	s26 =	sshll.u32 s14, $0x4;
	s14 =	sadd.s32 $0xB3600, s0  }
0x10: {  	v0 =	vlaneseq.u32;
	s18 =	sshll.u32 s20, $0x6;
	s11 =	sadd.s32 s19, s10;
	[dreg:$0xd] =	wrdreg s14  }
0x11: {  	v0 =	vmul.u32 $0x10, v0;
	s13 =	ssub.s32 s13, s25;
	s18 =	sadd.s32 s18, s10;
	[dreg:$0x6] =	wrdreg s11  }
0x12: {  	v1 =	vimm.f32 $0.0e+00;
	s25 =	sshll.u32 s17, $0x4;
	s15 =	sadd.s32 s15, s3;
	[dreg:$0x7] =	wrdreg s18  }
0x13: {  	v2 =	vor.u32 $0x2, v0;
	v3 =	vor.u32 $0x6, v0;
	v4 =	vor.u32 $0x102, v0;
	s19 =	sshll.u32 s17, $0x6;
	s17 =	sadd.s32 $0x8B600, s16;
	[dreg:$0xa] =	wrdreg s15  }
0x14: {  	s24 =	smul.u32 $0x2800, s22;
	v5 =	vor.u32 $0x106, v0;
	v6 =	vor.u32 $0x100, v0;
	v7 =	vor.u32 $0x202, v0;
	s21 =	sadd.s32 s19, s10;
	[dreg:$0x10] =	wrdreg s17  }
0x15: {  	v8 =	vor.u32 $0x206, v0;
	v9 =	vor.u32 $0x200, v0;
	v10 =	vor.u32 $0x302, v0;
	s18 =	sadd.s32 s23, s10;
	s15 =	sadd.s32 $0x33000, s0;
	[dreg:$0x8] =	wrdreg s21  }
0x16: {  	v11 =	vor.u32 $0x306, v0;
	v12 =	vor.u32 $0x300, v0;
	v13 =	vor.u32 $0x402, v0;
	s11 =	sshll.u32 s20, $0x4;
	s23 =	sadd.s32 $0x9F600, s16;
	[dreg:$0xe] =	wrdreg s15  }
0x17: {  	v14 =	vor.u32 $0x406, v0;
	v15 =	vor.u32 $0x400, v0;
	v16 =	vor.u32 $0x3, v0;
	s20 =	sadd.s32 s26, s3;
	s26 =	smax.u32 s13, $0x1;
	[dreg:$0x11] =	wrdreg s23  }
0x18: {  	v17 =	vor.u32 $0x7, v0;
	v18 =	vor.u32 $0x103, v0;
	v19 =	vor.u32 $0x107, v0;
	s19 =	sadd.s32 s25, s3;
	s10 =	simm.s32 $0x23A0;
	[dreg:$0x14] =	wrdreg s26  }
0x19: {  	v20 =	vor.u32 $0x203, v0;
	v21 =	vor.u32 $0x207, v0;
	v22 =	vor.u32 $0x303, v0;
	s11 =	sadd.s32 s11, s3;
	s21 =	sadd.s32 s24, s3;
	[dreg:$0x9] =	wrdreg s18  }
0x1a: {  	v23 =	vor.u32 $0x307, v0;
	v24 =	vor.u32 $0x403, v0;
	v25 =	vor.u32 $0x407, v0;
	s26 =	simm.s32 $0x4;
	[dreg:$0xb] =	wrdreg s11;
	s11 =	sshrl.u32 s24, $0x3  }
.Ltmp0:
0x1b: {  	v26 =	vor.u32 $0x4, v0;
	v27 =	vor.u32 $0x104, v0;
	v28 =	vor.u32 $0x204, v0;
	s23 =	simm.s32 $0x50;
	[dreg:$0xc] =	wrdreg s11;
	(pc) =	sbr.rel .LBB2_1-.Ltmp0, $4  }
0x1c: {  	v29 =	vor.u32 $0x304, v0;
	v30 =	vor.u32 $0x404, v0;
	v31 =	vor.u32 $0x1, v0;
	s3 =	sadd.s32 s11, s0;
	s0 =	sadd.s32 $0xCC600, s0;
	s11 =	simm.s32 $0x1EA0  }
0x1d: {  	v32 =	vor.u32 $0x5, v0;
	v33 =	vor.u32 $0x101, v0;
	v34 =	vor.u32 $0x105, v0;
	[dreg:$0xf] =	wrdreg s0;
	s24 =	sadd.s32 $0x2E000, s3;
	s25 =	sadd.s32 $0xC7600, s3  }
0x1e: {  	v35 =	vor.u32 $0x201, v0;
	v36 =	vor.u32 $0x205, v0;
	v37 =	vor.u32 $0x301, v0;
	s0 =	smul.u32 $0x4E20, s22;
	s3 =	simm.s32 $0x3;
	[dreg:$0x12] =	wrdreg s24  }
0x1f: {  	v38 =	vor.u32 $0x305, v0;
	v39 =	vor.u32 $0x401, v0;
	v40 =	vor.u32 $0x405, v0;
	[dreg:$0x13] =	wrdreg s25;
	s24 =	simm.s32 $0xA0;
	s25 =	simm.s32 $0x2  }
.LBB2_22:
0x20: {  	s15 =	rddreg [dreg:$0x5]  }
0x21: {  	[bflag:$0x0] =	sbarrier.arrive $0xFFFF;
	s16 =	sshrl.u32 s12, $0x3;
	s14 =	sadd.s32 s14, s15  }
0x22: {  	[hbm:s14], [sflag:s22] =	dma.local [spmem:s16], $0x1400  }
0x23: {  	_ =	swait.ge [sflag:s26], $0x1400  }
0x24: {  	[sflag:s26] =	ssyncset.done $0x0;
	s17 =	rddreg [dreg:$0xc]  }
0x25: {  	s18 =	sshrl.u32 s21, $0x3;
	s13 =	sadd.s32 s13, s17;
	[sflag:s26] =	ssyncadd.s32 $0xFFFFEC00  }
0x26: {  	[hbm:s13], [sflag:s22] =	dma.local [spmem:s18], $0x500  }
0x27: {  	_ =	swait.ge [sflag:s26], $0x500  }
0x28: {  	s1 =	sadd.s32 $0x1, s1;
	s22 =	rddreg [dreg:$0x14]  }
0x29: {  	p1 =	sne.s32 s1, s22  }
.Ltmp1:
0x2a: {  	_ = 	snop;
	(pc) =	sbr.rel @!p1 .LBB2_23-.Ltmp1, $3  }
0x2b: {  	_ =	sdelay $0x1  }
0x2c: {  	[sflag:s26] =	ssyncset.done $0x0  }
0x2d: {  	s18 =	rddreg [dreg:$0x9];
	[sflag:s26] =	ssyncadd.s32 $0xFFFFFB00  }
.LBB2_1:
0x2e: {  	s13 =	simm.s32 $0x23C0;
	s14 =	simm.s32 $0x0  }
.LBB2_2:
0x2f: {  	p1 =	sne.s32 s14, $0x1FC0  }
.Ltmp2:
0x30: {  	[tilespmem:s13+$0xFFFFFFE0] =	vst v1;
	(pc) =	sbr.rel @p1 .LBB2_2-.Ltmp2, $4  }
0x31: {  	[tilespmem:s13+$0xFFFFFFF0] =	vst v1  }
0x32: {  	[tilespmem:s13+$0x0] =	vst v1  }
0x33: {  	[tilespmem:s13+$0x10] =	vst v1;
	s15 =	sshra.s32 s14, $0x2  }
0x34: {  	s13 =	sadd.s32 $0x40, s13;
	s14 =	sadd.s32 $0x40, s14;
	[tilespmem:s15+$0x43A0] =	vst v1  }
0x35: {  	s13 =	simm.s32 $0x40;
	s14 =	simm.s32 $0x0  }
.LBB2_4:
0x36: {  	p1 =	sne.s32 s13, $0x13C0;
	[tilespmem:s14+$0x1EA0] =	vst v1;
	s14 =	smov.u32 s13;
	s13 =	sadd.s32 $0x40, s13  }
.Ltmp3:
0x37: {  	(pc) =	sbr.rel @p1 .LBB2_4-.Ltmp3, $2  }
0x38: {  	_ =	sdelay $0x2  }
0x39: {  	s14 =	sshra.s32 s14, $0x2  }
0x3a: {  	[tilespmem:s14+$0x1EA0] =	vst v1  }
0x3b: {  	[spmem:s12] =	stream.linear.scatter [tilespmem:s10], [sflag:$0x4], $0x2000, $0x38;
	[tilespmem:$0x113A0] =	vst v63  }
0x3c: {  	_ =	swait.ge [sflag:s26], $0x2000  }
0x3d: {  	[sflag:s26] =	ssyncset.done $0x0  }
0x3e: {  	[sflag:s26] =	ssyncadd.s32 $0xFFFFE000  }
0x3f: {  	[spmem:s21] =	stream.linear.scatter [tilespmem:s28], [sflag:$0x4], $0x800, $0x38;
	[tilespmem:$0x113A0] =	vst v63  }
0x40: {  	_ =	swait.ge [sflag:s26], $0x800  }
0x41: {  	[sflag:s26] =	ssyncset.done $0x0  }
0x42: {  	s13 =	rddreg [dreg:$0x6];
	[sflag:s26] =	ssyncadd.s32 $0xFFFFF800  }
0x43: {  	[spmem:s13] =	stream.linear.scatter [tilespmem:s10], [sflag:$0x4], $0x2000, $0x38;
	[tilespmem:$0x113A0] =	vst v63  }
0x44: {  	_ =	swait.ge [sflag:s26], $0x2000  }
0x45: {  	[sflag:s26] =	ssyncset.done $0x0  }
0x46: {  	s15 =	rddreg [dreg:$0xa];
	[sflag:s26] =	ssyncadd.s32 $0xFFFFE000  }
0x47: {  	[spmem:s15] =	stream.linear.scatter [tilespmem:s28], [sflag:$0x4], $0x800, $0x38;
	[tilespmem:$0x113A0] =	vst v63  }
0x48: {  	_ =	swait.ge [sflag:s26], $0x800  }
0x49: {  	[sflag:s26] =	ssyncset.done $0x0  }
0x4a: {  	s16 =	rddreg [dreg:$0x7];
	[sflag:s26] =	ssyncadd.s32 $0xFFFFF800  }
0x4b: {  	[spmem:s16] =	stream.linear.scatter [tilespmem:s10], [sflag:$0x4], $0x2000, $0x38;
	[tilespmem:$0x113A0] =	vst v63  }
0x4c: {  	_ =	swait.ge [sflag:s26], $0x2000  }
0x4d: {  	[sflag:s26] =	ssyncset.done $0x0  }
0x4e: {  	s17 =	rddreg [dreg:$0xb];
	[sflag:s26] =	ssyncadd.s32 $0xFFFFE000  }
0x4f: {  	[spmem:s17] =	stream.linear.scatter [tilespmem:s28], [sflag:$0x4], $0x800, $0x38;
	[tilespmem:$0x113A0] =	vst v63  }
0x50: {  	_ =	swait.ge [sflag:s26], $0x800  }
0x51: {  	[sflag:s26] =	ssyncset.done $0x0  }
0x52: {  	s22 =	rddreg [dreg:$0x8];
	[sflag:s26] =	ssyncadd.s32 $0xFFFFF800  }
0x53: {  	[spmem:s22] =	stream.linear.scatter [tilespmem:s10], [sflag:$0x4], $0x2000, $0x38;
	[tilespmem:$0x113A0] =	vst v63  }
0x54: {  	_ =	swait.ge [sflag:s26], $0x2000  }
0x55: {  	[sflag:s26] =	ssyncset.done $0x0  }
0x56: {  	[sflag:s26] =	ssyncadd.s32 $0xFFFFE000  }
0x57: {  	[spmem:s19] =	stream.linear.scatter [tilespmem:s28], [sflag:$0x4], $0x800, $0x38;
	[tilespmem:$0x113A0] =	vst v63  }
0x58: {  	_ =	swait.ge [sflag:s26], $0x800  }
0x59: {  	[sflag:s26] =	ssyncset.done $0x0  }
0x5a: {  	[sflag:s26] =	ssyncadd.s32 $0xFFFFF800  }
0x5b: {  	[spmem:s18] =	stream.linear.scatter [tilespmem:s10], [sflag:$0x4], $0x2000, $0x38;
	[tilespmem:$0x113A0] =	vst v63  }
0x5c: {  	_ =	swait.ge [sflag:s26], $0x2000  }
0x5d: {  	[sflag:s26] =	ssyncset.done $0x0  }
0x5e: {  	[sflag:s26] =	ssyncadd.s32 $0xFFFFE000  }
0x5f: {  	[spmem:s20] =	stream.linear.scatter [tilespmem:s28], [sflag:$0x4], $0x800, $0x38;
	[tilespmem:$0x113A0] =	vst v63  }
.Ltmp4:
0x60: {  	_ =	swait.ge [sflag:s26], $0x800;
	(pc) =	sbr.rel @!p0 .LBB2_6-.Ltmp4, $4  }
0x61: {  	[sflag:s26] =	ssyncset.done $0x0  }
0x62: {  	[sflag:s26] =	ssyncadd.s32 $0xFFFFF800  }
0x63: {  	[bflag:$0x0] =	sbarrier.arrive $0xFFFF  }
0x64: {  	s14 =	simm.s32 $0x0;
	s13 =	simm.s32 $0x0;
	s22 =	simm.s32 $0x0  }
.LBB2_14:
0x65: {  	s13 =	smul.u32 $0x50, s14;
	_ =	sdelay $0x1  }
0x66: {  	s13 =	sadd.s32 s0, s13  }
0x67: {  	s13 =	sshrl.u32 s13, $0x3  }
0x68: {  	s15 =	sadd.s32 s8, s13  }
0x69: {  	[tilespmem:s22], [sflag:$0x4] =	stream.linear.gather [hbm4b:s15+s22], $0x50, $0x38;
	[tilespmem:$0x113A0] =	vst v63  }
0x6a: {  	_ =	swait.ge [sflag:s26], $0x50  }
0x6b: {  	[sflag:s26] =	ssyncset.done $0x0  }
0x6c: {  	s13 =	sadd.s32 s9, s13;
	[sflag:s26] =	ssyncadd.s32 $0xFFFFFFB0  }
0x6d: {  	[tilespmem:s23], [sflag:$0x4] =	stream.linear.gather [hbm4b:s13+s22], $0x50, $0x38;
	[tilespmem:$0x113A0] =	vst v63  }
0x6e: {  	_ =	swait.ge [sflag:s26], $0x50  }
0x6f: {  	[sflag:s26] =	ssyncset.done $0x0  }
0x70: {  	[sflag:s26] =	ssyncadd.s32 $0xFFFFFFB0  }
0x71: {  	[tilespmem:s24], [sflag:$0x1] =	stream.indirect.gather [hbm4b:s5+s23], $0x40, s22, s23, $0xb8;
	[tilespmem:$0x113A0] =	vst v63  }
0x72: {  	_ = 	snop  }
0x73: {  	[tilespmem:s29], [sflag:$0x2] =	stream.indirect.gather [hbm4b:s7+s23], $0x10, s22, s23, $0xb8;
	[tilespmem:$0x113A0] =	vst v63  }
0x74: {  	_ = 	snop  }
0x75: {  	[tilespmem:s30], [sflag:$0x3] =	stream.indirect.gather [hbm4b:s7+s23], $0x10, s23, s23, $0xb8;
	[tilespmem:$0x113A0] =	vst v63  }
0x76: {  	_ =	swait.ge [sflag:s25], $0x500  }
0x77: {  	[sflag:s25] =	ssyncset.done $0x0  }
0x78: {  	[sflag:s25] =	ssyncadd.s32 $0xFFFFFB00  }
0x79: {  	_ =	swait.ge [sflag:s3], $0x500  }
0x7a: {  	[sflag:s3] =	ssyncset.done $0x0  }
0x7b: {  	[sflag:s3] =	ssyncadd.s32 $0xFFFFFB00  }
0x7c: {  	v41 =	vld.idx.msk [tilespmem:v2+s29+$0x0], $0xffff  }
0x7d: {  	v42 =	vld.idx.msk [tilespmem:v3+s30+$0x0], $0xffff;
	_ =	sdelay $0x4  }
0x7e: {  	v41 =	vadd.f32 v42, v41;
	_ =	sdelay $0x1  }
0x7f: {  	v42 =	vmul.f32 $2.000000030e-01, v41  }
0x80: {  	vm0 =	vgt.f32 v41, $0.0e+00  }
0x81: {  	v41 =	vsel vm0, v41, v42  }
0x82: {  	v41 =	vmul.f32 $1.442695020e+00, v41;
	_ =	sdelay $0x1  }
0x83: {  	(erf) = vpow2.f32 v41;
	_ =	sdelay $0x8  }
0x84: {  	v41 =	vpop (erf)  }
0x85: {  	[tilespmem:v0+s11+$0x0] =	vst.idx.msk $0xffff, v41  }
0x86: {  	v41 =	vld.idx.msk [tilespmem:v4+s29+$0x0], $0xffff  }
0x87: {  	v58 =	vld.idx.msk [tilespmem:v5+s30+$0x0], $0xffff;
	_ =	sdelay $0x4  }
0x88: {  	v41 =	vadd.f32 v58, v41;
	_ =	sdelay $0x1  }
0x89: {  	v42 =	vmul.f32 $2.000000030e-01, v41  }
0x8a: {  	vm12 =	vgt.f32 v41, $0.0e+00  }
0x8b: {  	v41 =	vsel vm12, v41, v42  }
0x8c: {  	v41 =	vmul.f32 $1.442695020e+00, v41;
	_ =	sdelay $0x1  }
0x8d: {  	(erf) = vpow2.f32 v41;
	_ =	sdelay $0x8  }
0x8e: {  	v41 =	vpop (erf)  }
0x8f: {  	[tilespmem:v6+s11+$0x0] =	vst.idx.msk $0xffff, v41  }
0x90: {  	v41 =	vld.idx.msk [tilespmem:v7+s29+$0x0], $0xffff  }
0x91: {  	v59 =	vld.idx.msk [tilespmem:v8+s30+$0x0], $0xffff;
	_ =	sdelay $0x4  }
0x92: {  	v41 =	vadd.f32 v59, v41;
	_ =	sdelay $0x1  }
0x93: {  	v42 =	vmul.f32 $2.000000030e-01, v41  }
0x94: {  	vm13 =	vgt.f32 v41, $0.0e+00  }
0x95: {  	v41 =	vsel vm13, v41, v42  }
0x96: {  	v41 =	vmul.f32 $1.442695020e+00, v41;
	_ =	sdelay $0x1  }
0x97: {  	(erf) = vpow2.f32 v41;
	_ =	sdelay $0x8  }
0x98: {  	v41 =	vpop (erf)  }
0x99: {  	[tilespmem:v9+s11+$0x0] =	vst.idx.msk $0xffff, v41  }
0x9a: {  	v41 =	vld.idx.msk [tilespmem:v10+s29+$0x0], $0xffff  }
0x9b: {  	v60 =	vld.idx.msk [tilespmem:v11+s30+$0x0], $0xffff;
	_ =	sdelay $0x4  }
0x9c: {  	v41 =	vadd.f32 v60, v41;
	_ =	sdelay $0x1  }
0x9d: {  	v42 =	vmul.f32 $2.000000030e-01, v41  }
0x9e: {  	vm14 =	vgt.f32 v41, $0.0e+00  }
0x9f: {  	v41 =	vsel vm14, v41, v42  }
0xa0: {  	v41 =	vmul.f32 $1.442695020e+00, v41;
	_ =	sdelay $0x1  }
0xa1: {  	(erf) = vpow2.f32 v41;
	_ =	sdelay $0x8  }
0xa2: {  	v41 =	vpop (erf)  }
0xa3: {  	[tilespmem:v12+s11+$0x0] =	vst.idx.msk $0xffff, v41  }
0xa4: {  	v41 =	vld.idx.msk [tilespmem:v13+s29+$0x0], $0xffff  }
0xa5: {  	v61 =	vld.idx.msk [tilespmem:v14+s30+$0x0], $0xffff;
	_ =	sdelay $0x4  }
0xa6: {  	v41 =	vadd.f32 v61, v41;
	_ =	sdelay $0x1  }
0xa7: {  	v42 =	vmul.f32 $2.000000030e-01, v41  }
0xa8: {  	vm15 =	vgt.f32 v41, $0.0e+00  }
0xa9: {  	v41 =	vsel vm15, v41, v42  }
0xaa: {  	v41 =	vmul.f32 $1.442695020e+00, v41;
	_ =	sdelay $0x1  }
0xab: {  	(erf) = vpow2.f32 v41;
	_ =	sdelay $0x8  }
0xac: {  	v41 =	vpop (erf)  }
0xad: {  	[tilespmem:v15+s11+$0x0] =	vst.idx.msk $0xffff, v41  }
0xae: {  	_ =	swait.ge [sflag:s31], $0x1400  }
0xaf: {  	[sflag:s31] =	ssyncset.done $0x0  }
0xb0: {  	s13 =	simm.s32 $0xC0;
	[sflag:s31] =	ssyncadd.s32 $0xFFFFEC00  }
0xb1: {  	v62 =	vld [tilespmem:s13+$0xFFFFFFF0]  }
0xb2: {  	s17 =	simm.s32 $0x0;
	v43 =	vld [tilespmem:s13+$0x10]  }
0xb3: {  	v45 =	vld.msk [tilespmem:s17+$0x1EA0 ss:$0x0], $0xffff  }
0xb4: {  	v63 =	vld [tilespmem:s13+$0xFFFFFFE0]  }
0xb5: {  	v46 =	vld [tilespmem:s13+$0x0];
	_ =	sdelay $0x3  }
0xb6: {  	v42 =	vmul.f32 v45, v63;
	v44 =	vmul.f32 v43, v45  }
0xb7: {  	s16 =	simm.s32 $0xC0;
	s15 =	simm.s32 $0x40;
	v43 =	vmul.f32 v62, v45;
	v41 =	vmul.f32 v46, v45  }
.LBB2_15:
0xb8: {  	p1 =	sne.s32 s15, $0x13C0  }
0xb9: {  	[tilespmem:s13+$0x10] =	vst v44;
	s16 =	sadd.s32 $0x40, s16;
	s17 =	smov.u32 s15;
	s15 =	sadd.s32 $0x40, s15  }
0xba: {  	[tilespmem:s13+$0xFFFFFFE0] =	vst v42  }
0xbb: {  	v45 =	vld [tilespmem:s16+$0xFFFFFFF0];
	[tilespmem:s13+$0xFFFFFFF0] =	vst v43  }
0xbc: {  	s17 =	sshra.s32 s17, $0x2;
	v43 =	vld [tilespmem:s16+$0x10];
	[tilespmem:s13+$0x0] =	vst v41;
	s13 =	smov.u32 s16  }
0xbd: {  	v41 =	vld.msk [tilespmem:s17+$0x1EA0 ss:$0x0], $0xffff  }
0xbe: {  	v42 =	vld [tilespmem:s16+$0xFFFFFFE0]  }
0xbf: {  	v46 =	vld [tilespmem:s16+$0x0]  }
.Ltmp5:
0xc0: {  	(pc) =	sbr.rel @p1 .LBB2_15-.Ltmp5, $3  }
0xc1: {  	_ =	sdelay $0x1  }
0xc2: {  	v44 =	vmul.f32 v43, v41;
	v42 =	vmul.f32 v41, v42  }
0xc3: {  	v43 =	vmul.f32 v45, v41;
	v41 =	vmul.f32 v46, v41  }
0xc4: {  	s14 =	sadd.s32 $0x1, s14  }
0xc5: {  	p1 =	sne.s32 s14, $0xFA  }
.Ltmp6:
0xc6: {  	_ = 	snop;
	(pc) =	sbr.rel @p1 .LBB2_14-.Ltmp6, $4  }
0xc7: {  	[tilespmem:s13+$0x10] =	vst v44  }
0xc8: {  	[tilespmem:s13+$0xFFFFFFE0] =	vst v42  }
0xc9: {  	[tilespmem:s13+$0xFFFFFFF0] =	vst v43  }
0xca: {  	[tilespmem:s13+$0x0] =	vst v41  }
0xcb: {  	s13 =	stileid.u32  }
0xcc: {  	[bflag:$0x0] =	sbarrier.arrive $0xFFFF;
	s13 =	sshll.u32 s13, $0x6  }
0xcd: {  	s17 =	sshrl.u32 s12, $0x3;
	s14 =	rddreg [dreg:$0x11];
	s22 =	sor.u32 $0x1C04, s13  }
0xce: {  	[hbm:s14], [sflag:s22] =	dma.local [spmem:s17], $0x1400  }
0xcf: {  	_ =	swait.ge [sflag:s26], $0x1400  }
0xd0: {  	[sflag:s26] =	ssyncset.done $0x0  }
0xd1: {  	s15 =	sshrl.u32 s21, $0x3;
	s16 =	rddreg [dreg:$0x13];
	[sflag:s26] =	ssyncadd.s32 $0xFFFFEC00  }
0xd2: {  	[hbm:s16], [sflag:s22] =	dma.local [spmem:s15], $0x500  }
0xd3: {  	_ =	swait.ge [sflag:s26], $0x500  }
0xd4: {  	[sflag:s26] =	ssyncset.done $0x0  }
0xd5: {  	[sflag:s26] =	ssyncadd.s32 $0xFFFFFB00  }
0xd6: {  	[spmem:s12] =	stream.linear.scatter [tilespmem:s10], [sflag:$0x4], $0x2000, $0x38;
	[tilespmem:$0x113A0] =	vst v63  }
0xd7: {  	_ =	swait.ge [sflag:s26], $0x2000  }
0xd8: {  	[sflag:s26] =	ssyncset.done $0x0  }
0xd9: {  	[sflag:s26] =	ssyncadd.s32 $0xFFFFE000  }
0xda: {  	[spmem:s21] =	stream.linear.scatter [tilespmem:s28], [sflag:$0x4], $0x800, $0x38;
	[tilespmem:$0x113A0] =	vst v63  }
0xdb: {  	_ =	swait.ge [sflag:s26], $0x800  }
0xdc: {  	[sflag:s26] =	ssyncset.done $0x0  }
0xdd: {  	s17 =	rddreg [dreg:$0x6];
	[sflag:s26] =	ssyncadd.s32 $0xFFFFF800  }
0xde: {  	[spmem:s17] =	stream.linear.scatter [tilespmem:s10], [sflag:$0x4], $0x2000, $0x38;
	[tilespmem:$0x113A0] =	vst v63  }
0xdf: {  	_ =	swait.ge [sflag:s26], $0x2000  }
0xe0: {  	[sflag:s26] =	ssyncset.done $0x0  }
0xe1: {  	s14 =	rddreg [dreg:$0xa];
	[sflag:s26] =	ssyncadd.s32 $0xFFFFE000  }
0xe2: {  	[spmem:s14] =	stream.linear.scatter [tilespmem:s28], [sflag:$0x4], $0x800, $0x38;
	[tilespmem:$0x113A0] =	vst v63  }
0xe3: {  	_ =	swait.ge [sflag:s26], $0x800  }
0xe4: {  	[sflag:s26] =	ssyncset.done $0x0  }
0xe5: {  	s15 =	rddreg [dreg:$0x7];
	[sflag:s26] =	ssyncadd.s32 $0xFFFFF800  }
0xe6: {  	[spmem:s15] =	stream.linear.scatter [tilespmem:s10], [sflag:$0x4], $0x2000, $0x38;
	[tilespmem:$0x113A0] =	vst v63  }
0xe7: {  	_ =	swait.ge [sflag:s26], $0x2000  }
0xe8: {  	[sflag:s26] =	ssyncset.done $0x0  }
0xe9: {  	s16 =	rddreg [dreg:$0xb];
	[sflag:s26] =	ssyncadd.s32 $0xFFFFE000  }
0xea: {  	[spmem:s16] =	stream.linear.scatter [tilespmem:s28], [sflag:$0x4], $0x800, $0x38;
	[tilespmem:$0x113A0] =	vst v63  }
0xeb: {  	_ =	swait.ge [sflag:s26], $0x800  }
0xec: {  	[sflag:s26] =	ssyncset.done $0x0  }
0xed: {  	s17 =	rddreg [dreg:$0x8];
	[sflag:s26] =	ssyncadd.s32 $0xFFFFF800  }
0xee: {  	[spmem:s17] =	stream.linear.scatter [tilespmem:s10], [sflag:$0x4], $0x2000, $0x38;
	[tilespmem:$0x113A0] =	vst v63  }
0xef: {  	_ =	swait.ge [sflag:s26], $0x2000  }
0xf0: {  	[sflag:s26] =	ssyncset.done $0x0  }
0xf1: {  	[sflag:s26] =	ssyncadd.s32 $0xFFFFE000  }
0xf2: {  	[spmem:s19] =	stream.linear.scatter [tilespmem:s28], [sflag:$0x4], $0x800, $0x38;
	[tilespmem:$0x113A0] =	vst v63  }
0xf3: {  	_ =	swait.ge [sflag:s26], $0x800  }
0xf4: {  	[sflag:s26] =	ssyncset.done $0x0  }
0xf5: {  	[sflag:s26] =	ssyncadd.s32 $0xFFFFF800  }
0xf6: {  	[spmem:s18] =	stream.linear.scatter [tilespmem:s10], [sflag:$0x4], $0x2000, $0x38;
	[tilespmem:$0x113A0] =	vst v63  }
0xf7: {  	_ =	swait.ge [sflag:s26], $0x2000  }
0xf8: {  	[sflag:s26] =	ssyncset.done $0x0  }
0xf9: {  	[sflag:s26] =	ssyncadd.s32 $0xFFFFE000  }
0xfa: {  	[spmem:s20] =	stream.linear.scatter [tilespmem:s28], [sflag:$0x4], $0x800, $0x38;
	[tilespmem:$0x113A0] =	vst v63  }
0xfb: {  	_ =	swait.ge [sflag:s26], $0x800  }
0xfc: {  	[sflag:s26] =	ssyncset.done $0x0  }
0xfd: {  	[sflag:s26] =	ssyncadd.s32 $0xFFFFF800  }
0xfe: {  	s13 =	simm.s32 $0x0;
	s14 =	simm.s32 $0x0;
	[bflag:$0x0] =	sbarrier.arrive $0xFFFF  }
.LBB2_18:
0xff: {  	s15 =	smul.u32 $0x50, s14;
	_ =	sdelay $0x1  }
0x100: {  	s15 =	sadd.s32 s0, s15  }
0x101: {  	s15 =	sshrl.u32 s15, $0x3  }
0x102: {  	s16 =	sadd.s32 s8, s15  }
0x103: {  	[tilespmem:s13], [sflag:$0x4] =	stream.linear.gather [hbm4b:s16+s13], $0x50, $0x38;
	[tilespmem:$0x113A0] =	vst v63  }
0x104: {  	_ =	swait.ge [sflag:s26], $0x50  }
0x105: {  	[sflag:s26] =	ssyncset.done $0x0  }
0x106: {  	s15 =	sadd.s32 s9, s15;
	[sflag:s26] =	ssyncadd.s32 $0xFFFFFFB0  }
0x107: {  	[tilespmem:s23], [sflag:$0x4] =	stream.linear.gather [hbm4b:s15+s13], $0x50, $0x38;
	[tilespmem:$0x113A0] =	vst v63  }
0x108: {  	_ =	swait.ge [sflag:s26], $0x50  }
0x109: {  	[sflag:s26] =	ssyncset.done $0x0  }
0x10a: {  	[sflag:s26] =	ssyncadd.s32 $0xFFFFFFB0  }
0x10b: {  	[tilespmem:s24], [sflag:$0x1] =	stream.indirect.gather [hbm4b:s6+s23], $0x40, s13, s23, $0xb8;
	[tilespmem:$0x113A0] =	vst v63  }
0x10c: {  	_ = 	snop  }
0x10d: {  	[tilespmem:s29], [sflag:$0x2] =	stream.indirect.gather [hbm4b:s7+s23], $0x10, s13, s23, $0xb8;
	[tilespmem:$0x113A0] =	vst v63  }
0x10e: {  	_ = 	snop  }
0x10f: {  	[tilespmem:s30], [sflag:$0x3] =	stream.indirect.gather [hbm4b:s7+s23], $0x10, s23, s23, $0xb8;
	[tilespmem:$0x113A0] =	vst v63  }
0x110: {  	_ =	swait.ge [sflag:s25], $0x500  }
0x111: {  	[sflag:s25] =	ssyncset.done $0x0  }
0x112: {  	[sflag:s25] =	ssyncadd.s32 $0xFFFFFB00  }
0x113: {  	_ =	swait.ge [sflag:s3], $0x500  }
0x114: {  	[sflag:s3] =	ssyncset.done $0x0  }
0x115: {  	[sflag:s3] =	ssyncadd.s32 $0xFFFFFB00  }
0x116: {  	v41 =	vld.idx.msk [tilespmem:v16+s29+$0x0], $0xffff  }
0x117: {  	v42 =	vld.idx.msk [tilespmem:v17+s30+$0x0], $0xffff;
	_ =	sdelay $0x4  }
0x118: {  	v41 =	vadd.f32 v42, v41;
	_ =	sdelay $0x1  }
0x119: {  	v42 =	vmul.f32 $2.000000030e-01, v41  }
0x11a: {  	vm0 =	vgt.f32 v41, $0.0e+00  }
0x11b: {  	v41 =	vsel vm0, v41, v42  }
0x11c: {  	v41 =	vmul.f32 $1.442695020e+00, v41;
	_ =	sdelay $0x1  }
0x11d: {  	(erf) = vpow2.f32 v41;
	_ =	sdelay $0x8  }
0x11e: {  	v41 =	vpop (erf)  }
0x11f: {  	[tilespmem:v0+s11+$0x0] =	vst.idx.msk $0xffff, v41  }
0x120: {  	v41 =	vld.idx.msk [tilespmem:v18+s29+$0x0], $0xffff  }
0x121: {  	v58 =	vld.idx.msk [tilespmem:v19+s30+$0x0], $0xffff;
	_ =	sdelay $0x4  }
0x122: {  	v41 =	vadd.f32 v58, v41;
	_ =	sdelay $0x1  }
0x123: {  	v42 =	vmul.f32 $2.000000030e-01, v41  }
0x124: {  	vm12 =	vgt.f32 v41, $0.0e+00  }
0x125: {  	v41 =	vsel vm12, v41, v42  }
0x126: {  	v41 =	vmul.f32 $1.442695020e+00, v41;
	_ =	sdelay $0x1  }
0x127: {  	(erf) = vpow2.f32 v41;
	_ =	sdelay $0x8  }
0x128: {  	v41 =	vpop (erf)  }
0x129: {  	[tilespmem:v6+s11+$0x0] =	vst.idx.msk $0xffff, v41  }
0x12a: {  	v41 =	vld.idx.msk [tilespmem:v20+s29+$0x0], $0xffff  }
0x12b: {  	v59 =	vld.idx.msk [tilespmem:v21+s30+$0x0], $0xffff;
	_ =	sdelay $0x4  }
0x12c: {  	v41 =	vadd.f32 v59, v41;
	_ =	sdelay $0x1  }
0x12d: {  	v42 =	vmul.f32 $2.000000030e-01, v41  }
0x12e: {  	vm13 =	vgt.f32 v41, $0.0e+00  }
0x12f: {  	v41 =	vsel vm13, v41, v42  }
0x130: {  	v41 =	vmul.f32 $1.442695020e+00, v41;
	_ =	sdelay $0x1  }
0x131: {  	(erf) = vpow2.f32 v41;
	_ =	sdelay $0x8  }
0x132: {  	v41 =	vpop (erf)  }
0x133: {  	[tilespmem:v9+s11+$0x0] =	vst.idx.msk $0xffff, v41  }
0x134: {  	v41 =	vld.idx.msk [tilespmem:v22+s29+$0x0], $0xffff  }
0x135: {  	v60 =	vld.idx.msk [tilespmem:v23+s30+$0x0], $0xffff;
	_ =	sdelay $0x4  }
0x136: {  	v41 =	vadd.f32 v60, v41;
	_ =	sdelay $0x1  }
0x137: {  	v42 =	vmul.f32 $2.000000030e-01, v41  }
0x138: {  	vm14 =	vgt.f32 v41, $0.0e+00  }
0x139: {  	v41 =	vsel vm14, v41, v42  }
0x13a: {  	v41 =	vmul.f32 $1.442695020e+00, v41;
	_ =	sdelay $0x1  }
0x13b: {  	(erf) = vpow2.f32 v41;
	_ =	sdelay $0x8  }
0x13c: {  	v41 =	vpop (erf)  }
0x13d: {  	[tilespmem:v12+s11+$0x0] =	vst.idx.msk $0xffff, v41  }
0x13e: {  	v41 =	vld.idx.msk [tilespmem:v24+s29+$0x0], $0xffff  }
0x13f: {  	v61 =	vld.idx.msk [tilespmem:v25+s30+$0x0], $0xffff;
	_ =	sdelay $0x4  }
0x140: {  	v41 =	vadd.f32 v61, v41;
	_ =	sdelay $0x1  }
0x141: {  	v42 =	vmul.f32 $2.000000030e-01, v41  }
0x142: {  	vm15 =	vgt.f32 v41, $0.0e+00  }
0x143: {  	v41 =	vsel vm15, v41, v42  }
0x144: {  	v41 =	vmul.f32 $1.442695020e+00, v41;
	_ =	sdelay $0x1  }
0x145: {  	(erf) = vpow2.f32 v41;
	_ =	sdelay $0x8  }
0x146: {  	v41 =	vpop (erf)  }
0x147: {  	[tilespmem:v15+s11+$0x0] =	vst.idx.msk $0xffff, v41  }
0x148: {  	_ =	swait.ge [sflag:s31], $0x1400  }
0x149: {  	[sflag:s31] =	ssyncset.done $0x0  }
0x14a: {  	s15 =	simm.s32 $0xC0;
	[sflag:s31] =	ssyncadd.s32 $0xFFFFEC00  }
0x14b: {  	v62 =	vld [tilespmem:s15+$0xFFFFFFF0]  }
0x14c: {  	s18 =	simm.s32 $0x0;
	v43 =	vld [tilespmem:s15+$0x10]  }
0x14d: {  	v45 =	vld.msk [tilespmem:s18+$0x1EA0 ss:$0x0], $0xffff  }
0x14e: {  	v63 =	vld [tilespmem:s15+$0xFFFFFFE0]  }
0x14f: {  	v46 =	vld [tilespmem:s15+$0x0];
	_ =	sdelay $0x3  }
0x150: {  	v42 =	vmul.f32 v45, v63;
	v44 =	vmul.f32 v43, v45  }
0x151: {  	s17 =	simm.s32 $0xC0;
	s16 =	simm.s32 $0x40;
	v43 =	vmul.f32 v62, v45;
	v41 =	vmul.f32 v46, v45  }
.LBB2_19:
0x152: {  	p1 =	sne.s32 s16, $0x13C0  }
0x153: {  	[tilespmem:s15+$0x10] =	vst v44;
	s17 =	sadd.s32 $0x40, s17;
	s18 =	smov.u32 s16;
	s16 =	sadd.s32 $0x40, s16  }
0x154: {  	[tilespmem:s15+$0xFFFFFFE0] =	vst v42  }
0x155: {  	v45 =	vld [tilespmem:s17+$0xFFFFFFF0];
	[tilespmem:s15+$0xFFFFFFF0] =	vst v43  }
0x156: {  	s18 =	sshra.s32 s18, $0x2;
	v43 =	vld [tilespmem:s17+$0x10];
	[tilespmem:s15+$0x0] =	vst v41;
	s15 =	smov.u32 s17  }
0x157: {  	v41 =	vld.msk [tilespmem:s18+$0x1EA0 ss:$0x0], $0xffff  }
0x158: {  	v42 =	vld [tilespmem:s17+$0xFFFFFFE0]  }
0x159: {  	v46 =	vld [tilespmem:s17+$0x0]  }
.Ltmp7:
0x15a: {  	(pc) =	sbr.rel @p1 .LBB2_19-.Ltmp7, $3  }
0x15b: {  	_ =	sdelay $0x1  }
0x15c: {  	v44 =	vmul.f32 v43, v41;
	v42 =	vmul.f32 v41, v42  }
0x15d: {  	v43 =	vmul.f32 v45, v41;
	v41 =	vmul.f32 v46, v41  }
0x15e: {  	s14 =	sadd.s32 $0x1, s14  }
0x15f: {  	p1 =	sne.s32 s14, $0xFA  }
.Ltmp8:
0x160: {  	_ = 	snop;
	(pc) =	sbr.rel @p1 .LBB2_18-.Ltmp8, $4  }
0x161: {  	[tilespmem:s15+$0x10] =	vst v44  }
0x162: {  	[tilespmem:s15+$0xFFFFFFE0] =	vst v42  }
0x163: {  	[tilespmem:s15+$0xFFFFFFF0] =	vst v43  }
0x164: {  	[tilespmem:s15+$0x0] =	vst v41  }
.Ltmp9:
0x165: {  	(pc) =	sbr.rel .LBB2_22-.Ltmp9, $3  }
0x166: {  	_ =	sdelay $0x1  }
0x167: {  	s14 =	rddreg [dreg:$0xd]  }
0x168: {  	s13 =	rddreg [dreg:$0xf]  }
.LBB2_6:
0x169: {  	s14 =	smul.u32 $0x50, s13;
	_ =	sdelay $0x1  }
0x16a: {  	s14 =	sadd.s32 s0, s14  }
0x16b: {  	s14 =	sshrl.u32 s14, $0x3  }
0x16c: {  	s15 =	sadd.s32 s8, s14  }
0x16d: {  	[tilespmem:s22], [sflag:$0x4] =	stream.linear.gather [hbm4b:s15+s22], $0x50, $0x38;
	[tilespmem:$0x113A0] =	vst v63  }
0x16e: {  	_ =	swait.ge [sflag:s26], $0x50  }
0x16f: {  	[sflag:s26] =	ssyncset.done $0x0  }
0x170: {  	s14 =	sadd.s32 s9, s14;
	[sflag:s26] =	ssyncadd.s32 $0xFFFFFFB0  }
0x171: {  	[tilespmem:s23], [sflag:$0x4] =	stream.linear.gather [hbm4b:s14+s22], $0x50, $0x38;
	[tilespmem:$0x113A0] =	vst v63  }
0x172: {  	_ =	swait.ge [sflag:s26], $0x50  }
0x173: {  	[sflag:s26] =	ssyncset.done $0x0  }
0x174: {  	[sflag:s26] =	ssyncadd.s32 $0xFFFFFFB0  }
0x175: {  	[tilespmem:s24], [sflag:$0x1] =	stream.indirect.gather [hbm4b:s2+s23], $0x40, s22, s23, $0xb8;
	[tilespmem:$0x113A0] =	vst v63  }
0x176: {  	_ = 	snop  }
0x177: {  	[tilespmem:s29], [sflag:$0x2] =	stream.indirect.gather [hbm4b:s7+s23], $0x10, s22, s23, $0xb8;
	[tilespmem:$0x113A0] =	vst v63  }
0x178: {  	_ = 	snop  }
0x179: {  	[tilespmem:s30], [sflag:$0x3] =	stream.indirect.gather [hbm4b:s7+s23], $0x10, s23, s23, $0xb8;
	[tilespmem:$0x113A0] =	vst v63  }
0x17a: {  	_ =	swait.ge [sflag:s25], $0x500  }
0x17b: {  	[sflag:s25] =	ssyncset.done $0x0  }
0x17c: {  	[sflag:s25] =	ssyncadd.s32 $0xFFFFFB00  }
0x17d: {  	_ =	swait.ge [sflag:s3], $0x500  }
0x17e: {  	[sflag:s3] =	ssyncset.done $0x0  }
0x17f: {  	[sflag:s3] =	ssyncadd.s32 $0xFFFFFB00  }
0x180: {  	v41 =	vld.idx.msk [tilespmem:v0+s29+$0x0], $0xffff  }
0x181: {  	v42 =	vld.idx.msk [tilespmem:v26+s30+$0x0], $0xffff;
	_ =	sdelay $0x4  }
0x182: {  	v41 =	vadd.f32 v42, v41;
	_ =	sdelay $0x1  }
0x183: {  	v42 =	vmul.f32 $2.000000030e-01, v41  }
0x184: {  	vm0 =	vgt.f32 v41, $0.0e+00  }
0x185: {  	v41 =	vsel vm0, v41, v42  }
0x186: {  	v41 =	vmul.f32 $1.442695020e+00, v41;
	_ =	sdelay $0x1  }
0x187: {  	(erf) = vpow2.f32 v41;
	_ =	sdelay $0x8  }
0x188: {  	v41 =	vpop (erf)  }
0x189: {  	[tilespmem:v0+s11+$0x0] =	vst.idx.msk $0xffff, v41  }
0x18a: {  	v41 =	vld.idx.msk [tilespmem:v6+s29+$0x0], $0xffff  }
0x18b: {  	v58 =	vld.idx.msk [tilespmem:v27+s30+$0x0], $0xffff;
	_ =	sdelay $0x4  }
0x18c: {  	v41 =	vadd.f32 v58, v41;
	_ =	sdelay $0x1  }
0x18d: {  	v42 =	vmul.f32 $2.000000030e-01, v41  }
0x18e: {  	vm12 =	vgt.f32 v41, $0.0e+00  }
0x18f: {  	v41 =	vsel vm12, v41, v42  }
0x190: {  	v41 =	vmul.f32 $1.442695020e+00, v41;
	_ =	sdelay $0x1  }
0x191: {  	(erf) = vpow2.f32 v41;
	_ =	sdelay $0x8  }
0x192: {  	v41 =	vpop (erf)  }
0x193: {  	[tilespmem:v6+s11+$0x0] =	vst.idx.msk $0xffff, v41  }
0x194: {  	v41 =	vld.idx.msk [tilespmem:v9+s29+$0x0], $0xffff  }
0x195: {  	v59 =	vld.idx.msk [tilespmem:v28+s30+$0x0], $0xffff;
	_ =	sdelay $0x4  }
0x196: {  	v41 =	vadd.f32 v59, v41;
	_ =	sdelay $0x1  }
0x197: {  	v42 =	vmul.f32 $2.000000030e-01, v41  }
0x198: {  	vm13 =	vgt.f32 v41, $0.0e+00  }
0x199: {  	v41 =	vsel vm13, v41, v42  }
0x19a: {  	v41 =	vmul.f32 $1.442695020e+00, v41;
	_ =	sdelay $0x1  }
0x19b: {  	(erf) = vpow2.f32 v41;
	_ =	sdelay $0x8  }
0x19c: {  	v41 =	vpop (erf)  }
0x19d: {  	[tilespmem:v9+s11+$0x0] =	vst.idx.msk $0xffff, v41  }
0x19e: {  	v41 =	vld.idx.msk [tilespmem:v12+s29+$0x0], $0xffff  }
0x19f: {  	v60 =	vld.idx.msk [tilespmem:v29+s30+$0x0], $0xffff;
	_ =	sdelay $0x4  }
0x1a0: {  	v41 =	vadd.f32 v60, v41;
	_ =	sdelay $0x1  }
0x1a1: {  	v42 =	vmul.f32 $2.000000030e-01, v41  }
0x1a2: {  	vm14 =	vgt.f32 v41, $0.0e+00  }
0x1a3: {  	v41 =	vsel vm14, v41, v42  }
0x1a4: {  	v41 =	vmul.f32 $1.442695020e+00, v41;
	_ =	sdelay $0x1  }
0x1a5: {  	(erf) = vpow2.f32 v41;
	_ =	sdelay $0x8  }
0x1a6: {  	v41 =	vpop (erf)  }
0x1a7: {  	[tilespmem:v12+s11+$0x0] =	vst.idx.msk $0xffff, v41  }
0x1a8: {  	v41 =	vld.idx.msk [tilespmem:v15+s29+$0x0], $0xffff  }
0x1a9: {  	v61 =	vld.idx.msk [tilespmem:v30+s30+$0x0], $0xffff;
	_ =	sdelay $0x4  }
0x1aa: {  	v41 =	vadd.f32 v61, v41;
	_ =	sdelay $0x1  }
0x1ab: {  	v42 =	vmul.f32 $2.000000030e-01, v41  }
0x1ac: {  	vm15 =	vgt.f32 v41, $0.0e+00  }
0x1ad: {  	v41 =	vsel vm15, v41, v42  }
0x1ae: {  	v41 =	vmul.f32 $1.442695020e+00, v41;
	_ =	sdelay $0x1  }
0x1af: {  	(erf) = vpow2.f32 v41;
	_ =	sdelay $0x8  }
0x1b0: {  	v41 =	vpop (erf)  }
0x1b1: {  	[tilespmem:v15+s11+$0x0] =	vst.idx.msk $0xffff, v41  }
0x1b2: {  	_ =	swait.ge [sflag:s31], $0x1400  }
0x1b3: {  	[sflag:s31] =	ssyncset.done $0x0  }
0x1b4: {  	s14 =	simm.s32 $0xC0;
	[sflag:s31] =	ssyncadd.s32 $0xFFFFEC00  }
0x1b5: {  	v62 =	vld [tilespmem:s14+$0xFFFFFFF0]  }
0x1b6: {  	s17 =	simm.s32 $0x0;
	v43 =	vld [tilespmem:s14+$0x10]  }
0x1b7: {  	v45 =	vld.msk [tilespmem:s17+$0x1EA0 ss:$0x0], $0xffff  }
0x1b8: {  	v63 =	vld [tilespmem:s14+$0xFFFFFFE0]  }
0x1b9: {  	v46 =	vld [tilespmem:s14+$0x0];
	_ =	sdelay $0x3  }
0x1ba: {  	v42 =	vmul.f32 v45, v63;
	v44 =	vmul.f32 v43, v45  }
0x1bb: {  	s16 =	simm.s32 $0xC0;
	s15 =	simm.s32 $0x40;
	v43 =	vmul.f32 v62, v45;
	v41 =	vmul.f32 v46, v45  }
.LBB2_7:
0x1bc: {  	p1 =	sne.s32 s15, $0x13C0  }
0x1bd: {  	[tilespmem:s14+$0x10] =	vst v44;
	s16 =	sadd.s32 $0x40, s16;
	s17 =	smov.u32 s15;
	s15 =	sadd.s32 $0x40, s15  }
0x1be: {  	[tilespmem:s14+$0xFFFFFFE0] =	vst v42  }
0x1bf: {  	v45 =	vld [tilespmem:s16+$0xFFFFFFF0];
	[tilespmem:s14+$0xFFFFFFF0] =	vst v43  }
0x1c0: {  	s17 =	sshra.s32 s17, $0x2;
	v43 =	vld [tilespmem:s16+$0x10];
	[tilespmem:s14+$0x0] =	vst v41;
	s14 =	smov.u32 s16  }
0x1c1: {  	v41 =	vld.msk [tilespmem:s17+$0x1EA0 ss:$0x0], $0xffff  }
0x1c2: {  	v42 =	vld [tilespmem:s16+$0xFFFFFFE0]  }
0x1c3: {  	v46 =	vld [tilespmem:s16+$0x0]  }
.Ltmp10:
0x1c4: {  	(pc) =	sbr.rel @p1 .LBB2_7-.Ltmp10, $3  }
0x1c5: {  	_ =	sdelay $0x1  }
0x1c6: {  	v44 =	vmul.f32 v43, v41;
	v42 =	vmul.f32 v41, v42  }
0x1c7: {  	v43 =	vmul.f32 v45, v41;
	v41 =	vmul.f32 v46, v41  }
0x1c8: {  	s13 =	sadd.s32 $0x1, s13  }
0x1c9: {  	p1 =	sne.s32 s13, $0xFA  }
.Ltmp11:
0x1ca: {  	_ = 	snop;
	(pc) =	sbr.rel @p1 .LBB2_6-.Ltmp11, $4  }
0x1cb: {  	[tilespmem:s14+$0x10] =	vst v44  }
0x1cc: {  	[tilespmem:s14+$0xFFFFFFE0] =	vst v42  }
0x1cd: {  	[tilespmem:s14+$0xFFFFFFF0] =	vst v43  }
0x1ce: {  	[tilespmem:s14+$0x0] =	vst v41  }
0x1cf: {  	s13 =	stileid.u32  }
0x1d0: {  	[bflag:$0x0] =	sbarrier.arrive $0xFFFF;
	s13 =	sshll.u32 s13, $0x6  }
0x1d1: {  	s17 =	sshrl.u32 s12, $0x3;
	s14 =	rddreg [dreg:$0x10];
	s22 =	sor.u32 $0x1C04, s13  }
0x1d2: {  	[hbm:s14], [sflag:s22] =	dma.local [spmem:s17], $0x1400  }
0x1d3: {  	_ =	swait.ge [sflag:s26], $0x1400  }
0x1d4: {  	[sflag:s26] =	ssyncset.done $0x0  }
0x1d5: {  	s15 =	sshrl.u32 s21, $0x3;
	s16 =	rddreg [dreg:$0x12];
	[sflag:s26] =	ssyncadd.s32 $0xFFFFEC00  }
0x1d6: {  	[hbm:s16], [sflag:s22] =	dma.local [spmem:s15], $0x500  }
0x1d7: {  	_ =	swait.ge [sflag:s26], $0x500  }
0x1d8: {  	[sflag:s26] =	ssyncset.done $0x0  }
0x1d9: {  	[sflag:s26] =	ssyncadd.s32 $0xFFFFFB00  }
0x1da: {  	[spmem:s12] =	stream.linear.scatter [tilespmem:s10], [sflag:$0x4], $0x2000, $0x38;
	[tilespmem:$0x113A0] =	vst v63  }
0x1db: {  	_ =	swait.ge [sflag:s26], $0x2000  }
0x1dc: {  	[sflag:s26] =	ssyncset.done $0x0  }
0x1dd: {  	[sflag:s26] =	ssyncadd.s32 $0xFFFFE000  }
0x1de: {  	[spmem:s21] =	stream.linear.scatter [tilespmem:s28], [sflag:$0x4], $0x800, $0x38;
	[tilespmem:$0x113A0] =	vst v63  }
0x1df: {  	_ =	swait.ge [sflag:s26], $0x800  }
0x1e0: {  	[sflag:s26] =	ssyncset.done $0x0  }
0x1e1: {  	s17 =	rddreg [dreg:$0x6];
	[sflag:s26] =	ssyncadd.s32 $0xFFFFF800  }
0x1e2: {  	[spmem:s17] =	stream.linear.scatter [tilespmem:s10], [sflag:$0x4], $0x2000, $0x38;
	[tilespmem:$0x113A0] =	vst v63  }
0x1e3: {  	_ =	swait.ge [sflag:s26], $0x2000  }
0x1e4: {  	[sflag:s26] =	ssyncset.done $0x0  }
0x1e5: {  	s14 =	rddreg [dreg:$0xa];
	[sflag:s26] =	ssyncadd.s32 $0xFFFFE000  }
0x1e6: {  	[spmem:s14] =	stream.linear.scatter [tilespmem:s28], [sflag:$0x4], $0x800, $0x38;
	[tilespmem:$0x113A0] =	vst v63  }
0x1e7: {  	_ =	swait.ge [sflag:s26], $0x800  }
0x1e8: {  	[sflag:s26] =	ssyncset.done $0x0  }
0x1e9: {  	s15 =	rddreg [dreg:$0x7];
	[sflag:s26] =	ssyncadd.s32 $0xFFFFF800  }
0x1ea: {  	[spmem:s15] =	stream.linear.scatter [tilespmem:s10], [sflag:$0x4], $0x2000, $0x38;
	[tilespmem:$0x113A0] =	vst v63  }
0x1eb: {  	_ =	swait.ge [sflag:s26], $0x2000  }
0x1ec: {  	[sflag:s26] =	ssyncset.done $0x0  }
0x1ed: {  	s16 =	rddreg [dreg:$0xb];
	[sflag:s26] =	ssyncadd.s32 $0xFFFFE000  }
0x1ee: {  	[spmem:s16] =	stream.linear.scatter [tilespmem:s28], [sflag:$0x4], $0x800, $0x38;
	[tilespmem:$0x113A0] =	vst v63  }
0x1ef: {  	_ =	swait.ge [sflag:s26], $0x800  }
0x1f0: {  	[sflag:s26] =	ssyncset.done $0x0  }
0x1f1: {  	s17 =	rddreg [dreg:$0x8];
	[sflag:s26] =	ssyncadd.s32 $0xFFFFF800  }
0x1f2: {  	[spmem:s17] =	stream.linear.scatter [tilespmem:s10], [sflag:$0x4], $0x2000, $0x38;
	[tilespmem:$0x113A0] =	vst v63  }
0x1f3: {  	_ =	swait.ge [sflag:s26], $0x2000  }
0x1f4: {  	[sflag:s26] =	ssyncset.done $0x0  }
0x1f5: {  	[sflag:s26] =	ssyncadd.s32 $0xFFFFE000  }
0x1f6: {  	[spmem:s19] =	stream.linear.scatter [tilespmem:s28], [sflag:$0x4], $0x800, $0x38;
	[tilespmem:$0x113A0] =	vst v63  }
0x1f7: {  	_ =	swait.ge [sflag:s26], $0x800  }
0x1f8: {  	[sflag:s26] =	ssyncset.done $0x0  }
0x1f9: {  	[sflag:s26] =	ssyncadd.s32 $0xFFFFF800  }
0x1fa: {  	[spmem:s18] =	stream.linear.scatter [tilespmem:s10], [sflag:$0x4], $0x2000, $0x38;
	[tilespmem:$0x113A0] =	vst v63  }
0x1fb: {  	_ =	swait.ge [sflag:s26], $0x2000  }
0x1fc: {  	[sflag:s26] =	ssyncset.done $0x0  }
0x1fd: {  	[sflag:s26] =	ssyncadd.s32 $0xFFFFE000  }
0x1fe: {  	[spmem:s20] =	stream.linear.scatter [tilespmem:s28], [sflag:$0x4], $0x800, $0x38;
	[tilespmem:$0x113A0] =	vst v63  }
0x1ff: {  	_ =	swait.ge [sflag:s26], $0x800  }
0x200: {  	[sflag:s26] =	ssyncset.done $0x0  }
0x201: {  	[sflag:s26] =	ssyncadd.s32 $0xFFFFF800  }
0x202: {  	s13 =	simm.s32 $0x0;
	s14 =	simm.s32 $0x0;
	[bflag:$0x0] =	sbarrier.arrive $0xFFFF  }
.LBB2_10:
0x203: {  	s15 =	smul.u32 $0x50, s14;
	_ =	sdelay $0x1  }
0x204: {  	s15 =	sadd.s32 s0, s15  }
0x205: {  	s15 =	sshrl.u32 s15, $0x3  }
0x206: {  	s16 =	sadd.s32 s8, s15  }
0x207: {  	[tilespmem:s13], [sflag:$0x4] =	stream.linear.gather [hbm4b:s16+s13], $0x50, $0x38;
	[tilespmem:$0x113A0] =	vst v63  }
0x208: {  	_ =	swait.ge [sflag:s26], $0x50  }
0x209: {  	[sflag:s26] =	ssyncset.done $0x0  }
0x20a: {  	s15 =	sadd.s32 s9, s15;
	[sflag:s26] =	ssyncadd.s32 $0xFFFFFFB0  }
0x20b: {  	[tilespmem:s23], [sflag:$0x4] =	stream.linear.gather [hbm4b:s15+s13], $0x50, $0x38;
	[tilespmem:$0x113A0] =	vst v63  }
0x20c: {  	_ =	swait.ge [sflag:s26], $0x50  }
0x20d: {  	[sflag:s26] =	ssyncset.done $0x0  }
0x20e: {  	[sflag:s26] =	ssyncadd.s32 $0xFFFFFFB0  }
0x20f: {  	[tilespmem:s24], [sflag:$0x1] =	stream.indirect.gather [hbm4b:s4+s23], $0x40, s13, s23, $0xb8;
	[tilespmem:$0x113A0] =	vst v63  }
0x210: {  	_ = 	snop  }
0x211: {  	[tilespmem:s29], [sflag:$0x2] =	stream.indirect.gather [hbm4b:s7+s23], $0x10, s13, s23, $0xb8;
	[tilespmem:$0x113A0] =	vst v63  }
0x212: {  	_ = 	snop  }
0x213: {  	[tilespmem:s30], [sflag:$0x3] =	stream.indirect.gather [hbm4b:s7+s23], $0x10, s23, s23, $0xb8;
	[tilespmem:$0x113A0] =	vst v63  }
0x214: {  	_ =	swait.ge [sflag:s25], $0x500  }
0x215: {  	[sflag:s25] =	ssyncset.done $0x0  }
0x216: {  	[sflag:s25] =	ssyncadd.s32 $0xFFFFFB00  }
0x217: {  	_ =	swait.ge [sflag:s3], $0x500  }
0x218: {  	[sflag:s3] =	ssyncset.done $0x0  }
0x219: {  	[sflag:s3] =	ssyncadd.s32 $0xFFFFFB00  }
0x21a: {  	v41 =	vld.idx.msk [tilespmem:v31+s29+$0x0], $0xffff  }
0x21b: {  	v42 =	vld.idx.msk [tilespmem:v32+s30+$0x0], $0xffff;
	_ =	sdelay $0x4  }
0x21c: {  	v41 =	vadd.f32 v42, v41;
	_ =	sdelay $0x1  }
0x21d: {  	v42 =	vmul.f32 $2.000000030e-01, v41  }
0x21e: {  	vm0 =	vgt.f32 v41, $0.0e+00  }
0x21f: {  	v41 =	vsel vm0, v41, v42  }
0x220: {  	v41 =	vmul.f32 $1.442695020e+00, v41;
	_ =	sdelay $0x1  }
0x221: {  	(erf) = vpow2.f32 v41;
	_ =	sdelay $0x8  }
0x222: {  	v41 =	vpop (erf)  }
0x223: {  	[tilespmem:v0+s11+$0x0] =	vst.idx.msk $0xffff, v41  }
0x224: {  	v41 =	vld.idx.msk [tilespmem:v33+s29+$0x0], $0xffff  }
0x225: {  	v58 =	vld.idx.msk [tilespmem:v34+s30+$0x0], $0xffff;
	_ =	sdelay $0x4  }
0x226: {  	v41 =	vadd.f32 v58, v41;
	_ =	sdelay $0x1  }
0x227: {  	v42 =	vmul.f32 $2.000000030e-01, v41  }
0x228: {  	vm12 =	vgt.f32 v41, $0.0e+00  }
0x229: {  	v41 =	vsel vm12, v41, v42  }
0x22a: {  	v41 =	vmul.f32 $1.442695020e+00, v41;
	_ =	sdelay $0x1  }
0x22b: {  	(erf) = vpow2.f32 v41;
	_ =	sdelay $0x8  }
0x22c: {  	v41 =	vpop (erf)  }
0x22d: {  	[tilespmem:v6+s11+$0x0] =	vst.idx.msk $0xffff, v41  }
0x22e: {  	v41 =	vld.idx.msk [tilespmem:v35+s29+$0x0], $0xffff  }
0x22f: {  	v59 =	vld.idx.msk [tilespmem:v36+s30+$0x0], $0xffff;
	_ =	sdelay $0x4  }
0x230: {  	v41 =	vadd.f32 v59, v41;
	_ =	sdelay $0x1  }
0x231: {  	v42 =	vmul.f32 $2.000000030e-01, v41  }
0x232: {  	vm13 =	vgt.f32 v41, $0.0e+00  }
0x233: {  	v41 =	vsel vm13, v41, v42  }
0x234: {  	v41 =	vmul.f32 $1.442695020e+00, v41;
	_ =	sdelay $0x1  }
0x235: {  	(erf) = vpow2.f32 v41;
	_ =	sdelay $0x8  }
0x236: {  	v41 =	vpop (erf)  }
0x237: {  	[tilespmem:v9+s11+$0x0] =	vst.idx.msk $0xffff, v41  }
0x238: {  	v41 =	vld.idx.msk [tilespmem:v37+s29+$0x0], $0xffff  }
0x239: {  	v60 =	vld.idx.msk [tilespmem:v38+s30+$0x0], $0xffff;
	_ =	sdelay $0x4  }
0x23a: {  	v41 =	vadd.f32 v60, v41;
	_ =	sdelay $0x1  }
0x23b: {  	v42 =	vmul.f32 $2.000000030e-01, v41  }
0x23c: {  	vm14 =	vgt.f32 v41, $0.0e+00  }
0x23d: {  	v41 =	vsel vm14, v41, v42  }
0x23e: {  	v41 =	vmul.f32 $1.442695020e+00, v41;
	_ =	sdelay $0x1  }
0x23f: {  	(erf) = vpow2.f32 v41;
	_ =	sdelay $0x8  }
0x240: {  	v41 =	vpop (erf)  }
0x241: {  	[tilespmem:v12+s11+$0x0] =	vst.idx.msk $0xffff, v41  }
0x242: {  	v41 =	vld.idx.msk [tilespmem:v39+s29+$0x0], $0xffff  }
0x243: {  	v61 =	vld.idx.msk [tilespmem:v40+s30+$0x0], $0xffff;
	_ =	sdelay $0x4  }
0x244: {  	v41 =	vadd.f32 v61, v41;
	_ =	sdelay $0x1  }
0x245: {  	v42 =	vmul.f32 $2.000000030e-01, v41  }
0x246: {  	vm15 =	vgt.f32 v41, $0.0e+00  }
0x247: {  	v41 =	vsel vm15, v41, v42  }
0x248: {  	v41 =	vmul.f32 $1.442695020e+00, v41;
	_ =	sdelay $0x1  }
0x249: {  	(erf) = vpow2.f32 v41;
	_ =	sdelay $0x8  }
0x24a: {  	v41 =	vpop (erf)  }
0x24b: {  	[tilespmem:v15+s11+$0x0] =	vst.idx.msk $0xffff, v41  }
0x24c: {  	_ =	swait.ge [sflag:s31], $0x1400  }
0x24d: {  	[sflag:s31] =	ssyncset.done $0x0  }
0x24e: {  	s15 =	simm.s32 $0xC0;
	[sflag:s31] =	ssyncadd.s32 $0xFFFFEC00  }
0x24f: {  	v62 =	vld [tilespmem:s15+$0xFFFFFFF0]  }
0x250: {  	s18 =	simm.s32 $0x0;
	v43 =	vld [tilespmem:s15+$0x10]  }
0x251: {  	v45 =	vld.msk [tilespmem:s18+$0x1EA0 ss:$0x0], $0xffff  }
0x252: {  	v63 =	vld [tilespmem:s15+$0xFFFFFFE0]  }
0x253: {  	v46 =	vld [tilespmem:s15+$0x0];
	_ =	sdelay $0x3  }
0x254: {  	v42 =	vmul.f32 v45, v63;
	v44 =	vmul.f32 v43, v45  }
0x255: {  	s17 =	simm.s32 $0xC0;
	s16 =	simm.s32 $0x40;
	v43 =	vmul.f32 v62, v45;
	v41 =	vmul.f32 v46, v45  }
.LBB2_11:
0x256: {  	p1 =	sne.s32 s16, $0x13C0  }
0x257: {  	[tilespmem:s15+$0x10] =	vst v44;
	s17 =	sadd.s32 $0x40, s17;
	s18 =	smov.u32 s16;
	s16 =	sadd.s32 $0x40, s16  }
0x258: {  	[tilespmem:s15+$0xFFFFFFE0] =	vst v42  }
0x259: {  	v45 =	vld [tilespmem:s17+$0xFFFFFFF0];
	[tilespmem:s15+$0xFFFFFFF0] =	vst v43  }
0x25a: {  	s18 =	sshra.s32 s18, $0x2;
	v43 =	vld [tilespmem:s17+$0x10];
	[tilespmem:s15+$0x0] =	vst v41;
	s15 =	smov.u32 s17  }
0x25b: {  	v41 =	vld.msk [tilespmem:s18+$0x1EA0 ss:$0x0], $0xffff  }
0x25c: {  	v42 =	vld [tilespmem:s17+$0xFFFFFFE0]  }
0x25d: {  	v46 =	vld [tilespmem:s17+$0x0]  }
.Ltmp12:
0x25e: {  	(pc) =	sbr.rel @p1 .LBB2_11-.Ltmp12, $3  }
0x25f: {  	_ =	sdelay $0x1  }
0x260: {  	v44 =	vmul.f32 v43, v41;
	v42 =	vmul.f32 v41, v42  }
0x261: {  	v43 =	vmul.f32 v45, v41;
	v41 =	vmul.f32 v46, v41  }
0x262: {  	s14 =	sadd.s32 $0x1, s14  }
0x263: {  	p1 =	seq.s32 s14, $0xFA  }
.Ltmp13:
0x264: {  	_ = 	snop;
	(pc) =	sbr.rel @!p1 .LBB2_10-.Ltmp13, $4  }
0x265: {  	[tilespmem:s15+$0x10] =	vst v44  }
0x266: {  	[tilespmem:s15+$0xFFFFFFE0] =	vst v42  }
0x267: {  	[tilespmem:s15+$0xFFFFFFF0] =	vst v43  }
0x268: {  	[tilespmem:s15+$0x0] =	vst v41  }
.Ltmp14:
0x269: {  	(pc) =	sbr.rel .LBB2_22-.Ltmp14, $3  }
0x26a: {  	_ =	sdelay $0x1  }
0x26b: {  	s14 =	rddreg [dreg:$0x4]  }
0x26c: {  	s13 =	rddreg [dreg:$0xe]  }
.LBB2_23:
0x26d: {  	_ =	sfence.sel $0x180000  }
0x26e: {  	[bflag:$0x0] =	sbarrier.arrive $0xFFFF  }
0x26f: {  	_ =	strace $0x90000047  }
0x270: {  	s0 =	stileid.u32;
	[bflag:$0x2] =	sbarrier.arrive $0xFFFF  }
0x271: {  	p0 =	sne.s32 s0, $0x0;
	s0 =	rddreg [dreg:$0x3]  }
0x272: {  	s0 =	sadd.s32 @!p0 $0x100000, s0  }
0x273: {  	[sflag:s0] =	ssyncadd.tile.s32 @!p0 $0x1;
	_ =	shalt  }
.Lfunc_end2:
_tile_overlayer_lowered:
.L_overlay_start_2:
0x274: {  	(tag) =	ssettag $0x2  }
0x275: {  	s0 =	rddreg [dreg:$0x0];
	s2 =	stileid.u32  }
0x276: {  	s1 =	rddreg [dreg:$0x1];
	p0 =	sne.s32 s2, $0x0  }
0x277: {  	s3 =	rddreg [dreg:$0x2];
	[bflag:$0x3] =	sbarrier.arrive $0xFFFF;
	s2 =	simm.s32 @!p0 $0x1C04  }
0x278: {  	[timem:s3], [sflag:s2] =	dma.local @!p0 [hbm:s0], s1  }
0x279: {  	s0 =	simm.s32 @!p0 $0x4  }
0x27a: {  	_ =	swait.ge @!p0 [sflag:s0], s1  }
0x27b: {  	s1 =	ssub.s32 @!p0 $0x0, s1;
	[sflag:s0] =	ssyncset.done @!p0 $0x0  }
0x27c: {  	[sflag:s0] =	ssyncadd.s32 @!p0 s1  }
0x27d: {  	[bflag:$0x3] =	sbarrier.arrive $0xFFFF  }
0x27e: {  	_ =	shalt  }

</sc_bundles>
